<compile_context>
chip_gen: v7x
topology: tpu7x:2x2x1
jax: 0.10.2.dev20260603
libtpu: 0.0.44.dev20260713+nightly
codegen_flags: <defaults>
</compile_context>

<pallas_src>
import functools

import jax
import jax.numpy as jnp
from jax import lax
from jax.experimental import pallas as pl
from jax.experimental.pallas import tpu as pltpu
from jax.experimental.pallas import tpu_sc as plsc

N = 10000
E = 320000
D_IN = 128
D_HID = 256
D_Z = 128
NUM_GRAPHS = 64
GROUPS = 8

NPAD = 10240
PAD_ROW = 10000
E_AUG = E + N
CHUNK = 128
NTILES = 32
CHUNKS_PER_TILE = -(-E_AUG // (CHUNK * NTILES))
E_PAD = CHUNKS_PER_TILE * CHUNK * NTILES
NCHUNK_TOTAL = E_PAD // CHUNK
WG_ROWS = 65
WFLAT = WG_ROWS * NPAD

def _zero_vmem_1d(ref, n):
    z = jnp.zeros((16,), jnp.float32)

    def body(i, _):
        ref[pl.ds(i * 16, 16)] = z
        return 0

    lax.fori_loop(0, n // 16, body, 0)



@functools.cache
def _make_deg_kernel():
    mesh = plsc.VectorSubcoreMesh(core_axis_name="c", subcore_axis_name="s")
    return functools.partial(
        pl.kernel,
        out_type=(
            jax.ShapeDtypeStruct((2, NPAD), jnp.float32),
            jax.ShapeDtypeStruct((2, 128), jnp.float32),
        ),
        mesh=mesh,
        compiler_params=pltpu.CompilerParams(needs_layout_passes=False),
        scratch_types=[
            pltpu.VMEM_SHARED((NPAD,), jnp.float32),
            pltpu.VMEM_SHARED((128,), jnp.float32),
            pltpu.VMEM((1, CHUNK), jnp.int32),
            pltpu.VMEM((1, CHUNK), jnp.int32),
            pltpu.VMEM((CHUNK,), jnp.float32),
            pltpu.VMEM((640,), jnp.float32),
            pltpu.SemaphoreType.DMA,
            pltpu.SemaphoreType.DMA,
            pltpu.SemaphoreType.DMA,
            pltpu.SemaphoreType.DMA,
        ],
    )(_deg_body)


def _deg_body(dst1_hbm, batch1_hbm, deg_out, cnt_out, deg_sh, cnt_sh,
              idx0_v, idx1_v, ones_v, zb_v, li0, li1, ls0, ls1):
    cid = lax.axis_index("c")
    sid = lax.axis_index("s")
    wid = cid * 16 + sid

    _zero_vmem_1d(zb_v, 640)
    o = jnp.full((16,), 1.0, jnp.float32)
    for j in range(CHUNK // 16):
        ones_v[pl.ds(j * 16, 16)] = o
    pltpu.sync_copy(zb_v, deg_sh.at[pl.ds(sid * 640, 640)])

    @pl.when(sid == 0)
    def _():
        pltpu.sync_copy(zb_v.at[pl.ds(0, 128)], cnt_sh)

    plsc.subcore_barrier()

    c0 = wid * CHUNKS_PER_TILE * CHUNK
    pltpu.async_copy(dst1_hbm.at[pl.ds(c0, CHUNK)], idx0_v.at[0], li0)

    def ebody(k, _):
        def step(idx_v, li, ls, oidx_v, oli, ols):
            pltpu.make_async_copy(
                dst1_hbm.at[pl.ds(c0 + k * CHUNK, CHUNK)],
                idx_v.at[0], li).wait()
            pltpu.async_copy(ones_v, deg_sh.at[idx_v.at[0]], ls, add=True)

            @pl.when(k >= 1)
            def _():
                pltpu.make_async_copy(
                    ones_v, deg_sh.at[oidx_v.at[0]], ols).wait()

            @pl.when(k + 1 < CHUNKS_PER_TILE)
            def _():
                pltpu.async_copy(
                    dst1_hbm.at[pl.ds(c0 + (k + 1) * CHUNK, CHUNK)],
                    oidx_v.at[0], oli)

        @pl.when(lax.rem(k, 2) == 0)
        def _():
            step(idx0_v, li0, ls0, idx1_v, li1, ls1)

        @pl.when(lax.rem(k, 2) == 1)
        def _():
            step(idx1_v, li1, ls1, idx0_v, li0, ls0)

        return 0

    lax.fori_loop(0, CHUNKS_PER_TILE, ebody, 0)
    pltpu.make_async_copy(ones_v, deg_sh.at[idx0_v.at[0]], ls0).wait()

    def cbody(k, _):
        c = wid + k * NTILES

        @pl.when(c < NPAD // CHUNK)
        def _():
            pltpu.sync_copy(batch1_hbm.at[pl.ds(c * CHUNK, CHUNK)],
                            idx0_v.at[0])
            pltpu.sync_copy(ones_v, cnt_sh.at[idx0_v.at[0]], add=True)

        return 0

    lax.fori_loop(0, 3, cbody, 0)

    plsc.subcore_barrier()
    pltpu.sync_copy(deg_sh.at[pl.ds(sid * 640, 640)],
                    deg_out.at[cid, pl.ds(sid * 640, 640)])

    @pl.when(sid == 0)
    def _():
        pltpu.sync_copy(cnt_sh, cnt_out.at[cid])



MACRO = 27
NMACRO = CHUNKS_PER_TILE // MACRO


@functools.cache
def _make_rows_kernel():
    mesh = plsc.VectorSubcoreMesh(core_axis_name="c", subcore_axis_name="s")
    return functools.partial(
        pl.kernel,
        out_type=jax.ShapeDtypeStruct((2, NPAD, D_IN), jnp.float32),
        mesh=mesh,
        compiler_params=pltpu.CompilerParams(needs_layout_passes=False),
        scratch_types=[
            pltpu.VMEM_SHARED((NPAD, D_IN), jnp.float32),
            pltpu.VMEM((MACRO * CHUNK,), jnp.int32),
            pltpu.VMEM((MACRO * CHUNK,), jnp.int32),
            pltpu.VMEM((1, CHUNK), jnp.int32),
            pltpu.VMEM((CHUNK, D_IN), jnp.float32),
            pltpu.VMEM((CHUNK, D_IN), jnp.float32),
            pltpu.SemaphoreType.DMA,
            pltpu.SemaphoreType.DMA,
        ],
    )(_rows_body)


def _rows_body(y_hbm, src1_hbm, dst1_hbm, acc_out,
               acc_sh, src_v, dst_v, drow0_v, rows0_v, rows1_v, sem0, sem1):
    cid = lax.axis_index("c")
    sid = lax.axis_index("s")
    wid = cid * 16 + sid

    def zrow(i, _):
        z = jnp.zeros((16,), jnp.float32)
        for j in range(D_IN // 16):
            rows0_v[i, pl.ds(j * 16, 16)] = z
        return 0

    lax.fori_loop(0, CHUNK, zrow, 0)
    for r in range(5):
        pltpu.sync_copy(rows0_v, acc_sh.at[pl.ds(sid * 640 + r * 128, 128)])
    plsc.subcore_barrier()

    e0 = wid * CHUNKS_PER_TILE * CHUNK

    def macro(m, _):
        off = e0 + m * MACRO * CHUNK
        pltpu.sync_copy(src1_hbm.at[pl.ds(off, MACRO * CHUNK)], src_v)
        pltpu.sync_copy(dst1_hbm.at[pl.ds(off, MACRO * CHUNK)], dst_v)
        pltpu.async_copy(y_hbm.at[src_v.at[pl.ds(0, CHUNK)]], rows0_v, sem0)

        def ebody(k, _):
            nxt = k + 1

            @pl.when(nxt < MACRO)
            def _():
                nv = src_v.at[pl.ds(nxt * CHUNK, CHUNK)]

                @pl.when(lax.rem(nxt, 2) == 0)
                def _():
                    pltpu.async_copy(y_hbm.at[nv], rows0_v, sem0)

                @pl.when(lax.rem(nxt, 2) == 1)
                def _():
                    pltpu.async_copy(y_hbm.at[nv], rows1_v, sem1)

            for j in range(CHUNK // 16):
                drow0_v[0, pl.ds(j * 16, 16)] = (
                    dst_v[pl.ds(k * CHUNK + j * 16, 16)])
            kv = src_v.at[pl.ds(k * CHUNK, CHUNK)]

            @pl.when(lax.rem(k, 2) == 0)
            def _():
                pltpu.make_async_copy(y_hbm.at[kv], rows0_v, sem0).wait()
                pltpu.sync_copy(rows0_v, acc_sh.at[drow0_v.at[0]], add=True)

            @pl.when(lax.rem(k, 2) == 1)
            def _():
                pltpu.make_async_copy(y_hbm.at[kv], rows1_v, sem1).wait()
                pltpu.sync_copy(rows1_v, acc_sh.at[drow0_v.at[0]], add=True)

            return 0

        lax.fori_loop(0, MACRO, ebody, 0)
        return 0

    lax.fori_loop(0, NMACRO, macro, 0)

    plsc.subcore_barrier()
    pltpu.sync_copy(acc_sh.at[pl.ds(sid * 640, 640)],
                    acc_out.at[cid, pl.ds(sid * 640, 640)])



@functools.cache
def _make_wmat_kernel():
    mesh = plsc.VectorSubcoreMesh(core_axis_name="c", subcore_axis_name="s")
    return functools.partial(
        pl.kernel,
        out_type=jax.ShapeDtypeStruct((2, WFLAT), jnp.float32),
        mesh=mesh,
        compiler_params=pltpu.CompilerParams(needs_layout_passes=False),
        scratch_types=[
            pltpu.VMEM_SHARED((WFLAT,), jnp.float32),
            pltpu.VMEM((CHUNKS_PER_TILE * CHUNK,), jnp.int32),
            pltpu.VMEM((CHUNKS_PER_TILE * CHUNK,), jnp.int32),
            pltpu.VMEM((NPAD,), jnp.int32),
            pltpu.VMEM((NPAD,), jnp.float32),
            pltpu.VMEM((1, CHUNK), jnp.int32),
            pltpu.VMEM((CHUNK,), jnp.float32),
            pltpu.VMEM((3200,), jnp.float32),
        ],
    )(_wmat_body)


def _wmat_body(src1_hbm, dst1_hbm, batch_hbm, dinv_hbm, wmat_out,
               wmat_sh, src_v, dst_v, batch_v, dinv_v, fidx_v, vals_v, zb_v):
    cid = lax.axis_index("c")
    sid = lax.axis_index("s")
    wid = cid * 16 + sid

    _zero_vmem_1d(zb_v, 3200)
    for r in range(13):
        pltpu.sync_copy(zb_v, wmat_sh.at[pl.ds(sid * 41600 + r * 3200, 3200)])

    pltpu.sync_copy(batch_hbm, batch_v)
    pltpu.sync_copy(dinv_hbm, dinv_v)
    e0 = wid * CHUNKS_PER_TILE * CHUNK
    npt = CHUNKS_PER_TILE * CHUNK
    pltpu.sync_copy(src1_hbm.at[pl.ds(e0, npt)], src_v)
    pltpu.sync_copy(dst1_hbm.at[pl.ds(e0, npt)], dst_v)
    plsc.subcore_barrier()

    def ebody(k, _):
        for j in range(CHUNK // 16):
            d16 = dst_v[pl.ds(k * CHUNK + j * 16, 16)]
            s16 = src_v[pl.ds(k * CHUNK + j * 16, 16)]
            g16 = plsc.load_gather(batch_v, [d16])
            v16 = plsc.load_gather(dinv_v, [d16])
            fidx_v[0, pl.ds(j * 16, 16)] = g16 * NPAD + s16
            vals_v[pl.ds(j * 16, 16)] = v16
        pltpu.sync_copy(vals_v, wmat_sh.at[fidx_v.at[0]], add=True)
        return 0

    lax.fori_loop(0, CHUNKS_PER_TILE, ebody, 0)

    plsc.subcore_barrier()
    pltpu.sync_copy(wmat_sh.at[pl.ds(sid * 41600, 41600)],
                    wmat_out.at[cid, pl.ds(sid * 41600, 41600)])



def _prep1_body(degp_ref, cntp_ref, dinv_ref, cnt_ref, invc_ref):
    deg = degp_ref[0] + degp_ref[1]
    dinv_ref[...] = lax.rsqrt(jnp.maximum(deg, 1.0))
    cnt = cntp_ref[0] + cntp_ref[1]
    cnt_ref[...] = cnt
    invc_ref[...] = 1.0 / jnp.maximum(cnt, 1.0)


def _prep2_body(x_ref, dinv_ref, y_ref):
    y_ref[...] = x_ref[...] * dinv_ref[...]



def _dense_body(accp_ref, dinv_ref, wp_ref, W1_ref, b1_ref, g1_ref, be1_ref,
                W2_ref, Agn_ref, cnt_ref, invc_ref, b2_ref, out_ref, pool_ref):
    i = pl.program_id(0)
    f32 = jnp.float32
    dinv = dinv_ref[...]
    agg = (accp_ref[0] + accp_ref[1]) * dinv
    h1 = jnp.dot(agg, W1_ref[...], preferred_element_type=f32) + b1_ref[...]
    m = jnp.dot(h1, Agn_ref[...], preferred_element_type=f32)
    d = h1 - m
    v = jnp.dot(d * d, Agn_ref[...], preferred_element_type=f32)
    gn = d * lax.rsqrt(v + 1e-5) * g1_ref[...] + be1_ref[...]
    g = jnp.maximum(gn, 0.0)
    q = jnp.dot(g, W2_ref[...], preferred_element_type=f32) * dinv
    w = wp_ref[0] + wp_ref[1]
    part = jnp.dot(w, q, preferred_element_type=f32)

    @pl.when(i == 0)
    def _():
        pool_ref[...] = part

    @pl.when(i > 0)
    def _():
        pool_ref[...] = pool_ref[...] + part

    @pl.when(i == pl.num_programs(0) - 1)
    def _():
        out_ref[...] = ((pool_ref[...] + cnt_ref[...] * b2_ref[...])
                        * invc_ref[...])


BLK = 1000
CBLK = 1024


def kernel(x, edge_index, batch, batch_size, W1, b1, gamma1, beta1, W2, b2):
    f32 = jnp.float32
    x = x.astype(f32)
    src = edge_index[0]
    dst = edge_index[1]
    loop = jnp.arange(N, dtype=jnp.int32)
    npad_e = E_PAD - E_AUG
    src_a = jnp.concatenate([src, loop, jnp.zeros((npad_e,), jnp.int32)])
    dst_a = jnp.concatenate([dst, loop, jnp.full((npad_e,), PAD_ROW, jnp.int32)])
    batch_pad = jnp.concatenate(
        [batch, jnp.full((NPAD - N,), NUM_GRAPHS, jnp.int32)])

    deg_p, cnt_p = _make_deg_kernel()(dst_a, batch_pad)

    degp3 = deg_p.reshape(2, NPAD // 128, 128)
    cntp3 = cnt_p.reshape(2, 1, 128)
    dinv3, cnt1, invc1 = pl.pallas_call(
        _prep1_body,
        out_shape=(
            jax.ShapeDtypeStruct((NPAD // 128, 128), f32),
            jax.ShapeDtypeStruct((1, 128), f32),
            jax.ShapeDtypeStruct((1, 128), f32),
        ),
    )(degp3, cntp3)

    dinv_col = dinv3.reshape(NPAD, 1)
    y = pl.pallas_call(
        _prep2_body,
        grid=(N // BLK,),
        in_specs=[
            pl.BlockSpec((BLK, D_IN), lambda i: (i, 0)),
            pl.BlockSpec((BLK, 1), lambda i: (i, 0)),
        ],
        out_specs=pl.BlockSpec((BLK, D_IN), lambda i: (i, 0)),
        out_shape=jax.ShapeDtypeStruct((N, D_IN), f32),
    )(x, dinv_col)

    dinv_flat = dinv_col.reshape(NPAD)
    acc_p = _make_rows_kernel()(y, src_a, dst_a)
    wmat_p = _make_wmat_kernel()(src_a, dst_a, batch_pad, dinv_flat)
    wmat3 = wmat_p.reshape(2, WG_ROWS, NPAD)

    cs = D_HID // GROUPS
    ii = jnp.arange(D_HID) // cs
    Agn = jnp.where(ii[:, None] == ii[None, :], 1.0 / cs, 0.0).astype(f32)

    cnt_col = cnt1.reshape(128, 1)[:NUM_GRAPHS]
    invc_col = invc1.reshape(128, 1)[:NUM_GRAPHS]

    pooled = pl.pallas_call(
        _dense_body,
        grid=(NPAD // CBLK,),
        in_specs=[
            pl.BlockSpec((2, CBLK, D_IN), lambda i: (0, i, 0)),
            pl.BlockSpec((CBLK, 1), lambda i: (i, 0)),
            pl.BlockSpec((2, NUM_GRAPHS, CBLK), lambda i: (0, 0, i)),
            pl.BlockSpec((D_IN, D_HID), lambda i: (0, 0)),
            pl.BlockSpec((1, D_HID), lambda i: (0, 0)),
            pl.BlockSpec((1, D_HID), lambda i: (0, 0)),
            pl.BlockSpec((1, D_HID), lambda i: (0, 0)),
            pl.BlockSpec((D_HID, D_Z), lambda i: (0, 0)),
            pl.BlockSpec((D_HID, D_HID), lambda i: (0, 0)),
            pl.BlockSpec((NUM_GRAPHS, 1), lambda i: (0, 0)),
            pl.BlockSpec((NUM_GRAPHS, 1), lambda i: (0, 0)),
            pl.BlockSpec((1, D_Z), lambda i: (0, 0)),
        ],
        out_specs=pl.BlockSpec((NUM_GRAPHS, D_Z), lambda i: (0, 0)),
        out_shape=jax.ShapeDtypeStruct((NUM_GRAPHS, D_Z), f32),
        scratch_shapes=[pltpu.VMEM((NUM_GRAPHS, D_Z), f32)],
    )(acc_p, dinv_col, wmat3,
      W1, b1.reshape(1, D_HID), gamma1.reshape(1, D_HID),
      beta1.reshape(1, D_HID), W2, Agn, cnt_col, invc_col,
      b2.reshape(1, D_Z))

    return pooled.reshape(16, NUM_GRAPHS // 16, D_Z)

# --- scband reference (transcript-rebuilt; emitter-appended) ---
"""Pipeline reference for scband-graph-encoder-86096914416024 (READ-ONLY COPY).

The authoritative reference and input builder live on the scoring server;
editing this copy changes nothing except your own understanding.
"""

import jax, jax.numpy as jnp
import numpy as np

N = 10000
E = 320000
D_IN = 128
D_HID = 256
D_Z = 128
NUM_GRAPHS = 64
GROUPS = 8
BATCH_SIZE = 16


def setup_inputs(seed: int = 0) -> dict:
    key = jax.random.key(seed)
    ks = jax.random.split(key, 10)
    x = jax.random.normal(ks[0], (N, D_IN), dtype=jnp.float32)
    edge_index = jax.random.randint(ks[1], (2, E), 0, N, dtype=jnp.int32)
    batch = jnp.sort(jax.random.randint(ks[2], (N,), 0, NUM_GRAPHS, dtype=jnp.int32))
    W1 = jax.random.normal(ks[3], (D_IN, D_HID), dtype=jnp.float32) * (1.0 / np.sqrt(D_IN))
    b1 = jnp.zeros((D_HID,), dtype=jnp.float32)
    gamma1 = jnp.ones((D_HID,), dtype=jnp.float32)
    beta1 = jnp.zeros((D_HID,), dtype=jnp.float32)
    W2 = jax.random.normal(ks[4], (D_HID, D_Z), dtype=jnp.float32) * (1.0 / np.sqrt(D_HID))
    b2 = jnp.zeros((D_Z,), dtype=jnp.float32)
    return {"x": x, "edge_index": edge_index, "batch": batch, "batch_size": BATCH_SIZE,
            "W1": W1, "b1": b1, "gamma1": gamma1, "beta1": beta1, "W2": W2, "b2": b2}


def _gcn_conv(x, edge_index, W, b, num_nodes):
    # GCNConv: D^{-1/2} (A + I) D^{-1/2} X W + b
    loop = jnp.arange(num_nodes, dtype=edge_index.dtype)
    src = jnp.concatenate([edge_index[0], loop])
    dst = jnp.concatenate([edge_index[1], loop])
    deg = jnp.zeros((num_nodes,), dtype=x.dtype).at[dst].add(1.0)
    dinv = jax.lax.rsqrt(deg)
    norm = dinv[src] * dinv[dst]
    h = x @ W
    msg = jnp.take(h, src, axis=0) * norm[:, None]
    out = jnp.zeros((num_nodes, W.shape[1]), dtype=x.dtype).at[dst].add(msg)
    return out + b


def _group_norm(x, gamma, beta, num_groups=GROUPS, eps=1e-5):
    n, c = x.shape
    xg = x.reshape(n, num_groups, c // num_groups)
    mean = jnp.mean(xg, axis=-1, keepdims=True)
    var = jnp.mean((xg - mean) ** 2, axis=-1, keepdims=True)
    xg = (xg - mean) * jax.lax.rsqrt(var + eps)
    return xg.reshape(n, c) * gamma + beta


def reference(x, edge_index, batch, batch_size, W1, b1, gamma1, beta1, W2, b2):
    x = x.astype(jnp.float32)
    h = _gcn_conv(x, edge_index, W1, b1, N)
    h = _group_norm(h, gamma1, beta1)
    h = jax.nn.relu(h)
    # dropout is identity in eval mode
    h = _gcn_conv(h, edge_index, W2, b2, N)
    # global mean pooling per graph
    sums = jax.ops.segment_sum(h, batch, num_segments=NUM_GRAPHS)
    counts = jax.ops.segment_sum(jnp.ones((N,), dtype=h.dtype), batch, num_segments=NUM_GRAPHS)
    pooled = sums / jnp.maximum(counts, 1.0)[:, None]
    pooled = pooled + jnp.asarray(batch_size, dtype=pooled.dtype) * jnp.zeros((), dtype=pooled.dtype)
    seq = NUM_GRAPHS // BATCH_SIZE
    return pooled.reshape(BATCH_SIZE, seq, D_Z)

if __name__ == "__main__":
    import jax
    _d = setup_inputs()
    print(jax.jit(kernel)(*tuple(_d.values())))

</pallas_src>

<mosaic_0001>
#map = affine_map<(d0, d1) -> (0)>
#map1 = affine_map<(d0, d1) -> (0, 0)>
module attributes {stable_mosaic.version = 14 : i64} {
  func.func @_wmat_body(%arg0: i32, %arg1: i32, %arg2: memref<331776xi32, #tpu.memory_space<hbm>>, %arg3: memref<331776xi32, #tpu.memory_space<hbm>>, %arg4: memref<10240xi32, #tpu.memory_space<hbm>>, %arg5: memref<10240xf32, #tpu.memory_space<hbm>>, %arg6: memref<2x665600xf32, #tpu.memory_space<hbm>>, %arg7: memref<665600xf32, #tpu.memory_space<vmem_shared>>, %arg8: memref<10368xi32, #tpu.memory_space<vmem>>, %arg9: memref<10368xi32, #tpu.memory_space<vmem>>, %arg10: memref<10240xi32, #tpu.memory_space<vmem>>, %arg11: memref<10240xf32, #tpu.memory_space<vmem>>, %arg12: memref<1x128xi32, #tpu.memory_space<vmem>>, %arg13: memref<128xf32, #tpu.memory_space<vmem>>, %arg14: memref<3200xf32, #tpu.memory_space<vmem>>) attributes {dimension_semantics = [#tpu.dimension_semantics<core_parallel>, #tpu.dimension_semantics<subcore_parallel>], iteration_bounds = array<i64: 2, 16>, scalar_prefetch = 0 : i64, scratch_operands = 8 : i64, tpu.core_type = #tpu.core_type<sc_vector_subcore>, window_params = [{transform_indices = #map}, {transform_indices = #map}, {transform_indices = #map}, {transform_indices = #map}, {transform_indices = #map1}]} {
    %mul3A = arith.constant 16 : i32
    %mul3A_0 = arith.muli %arg0, %mul3A : i32
    %add3A = arith.addi %mul3A_0, %arg1 : i32
    %broadcast_in_dim3A = arith.constant 0.000000e+00 : f32
    %broadcast_in_dim3A_1 = vector.broadcast %broadcast_in_dim3A : f32 to vector<16xf32>
    %scan3A = arith.constant 0 : i32
    %scan3A_2 = arith.constant 0 : i32
    %scan3A_3 = arith.constant 200 : i32
    %scan3A_4 = arith.addi %scan3A_2, %scan3A_3 : i32
    %scan3A_5 = arith.constant 1 : i32
    %scan3A_6 = scf.for %scan3A_76 = %scan3A_2 to %scan3A_4 step %scan3A_5 iter_args(%scan3A_77 = %scan3A) -> (i32)  : i32 {
      %mul3A_78 = arith.constant 16 : i32
      %mul3A_79 = arith.muli %scan3A_76, %mul3A_78 : i32
      %swap3A = arith.index_cast %mul3A_79 : i32 to index
      %swap3A_80 = tpu.vector_load %arg14[%swap3A] {strides = array<i32>} : memref<3200xf32, #tpu.memory_space<vmem>>, vector<16xf32>,
      tpu.vector_store %arg14[%swap3A], %broadcast_in_dim3A_1 {strides = array<i32>} : memref<3200xf32, #tpu.memory_space<vmem>>, vector<16xf32>,
      %scan3A_81 = arith.constant 0 : i32
      scf.yield %scan3A_81 : i32
    }
    %scan3A_7 = arith.constant 200 : i32
    %mul3A_8 = arith.constant 41600 : i32
    %mul3A_9 = arith.muli %arg1, %mul3A_8 : i32
    %add3A_10 = arith.constant 0 : i32
    %add3A_11 = arith.addi %mul3A_9, %add3A_10 : i32
    "tpu.region"() ({
      %run_scoped3A = tpu.sem_alloc : memref<!tpu.dma_semaphore, #tpu.memory_space<semaphore_mem>>
      %dma_start3A = tpu.memref_slice %arg7[%add3A_11] : memref<665600xf32, #tpu.memory_space<vmem_shared>> -> memref<3200xf32, #tpu.memory_space<vmem_shared>>
      %dma_start3A_76 = tpu.memref_slice %arg7[%add3A_11] : memref<665600xf32, #tpu.memory_space<vmem_shared>> -> memref<3200xf32, #tpu.memory_space<vmem_shared>>
      tpu.enqueue_dma source(%arg14 : memref<3200xf32, #tpu.memory_space<vmem>>) target(%dma_start3A_76 : memref<3200xf32, #tpu.memory_space<vmem_shared>>) target_semaphore(%run_scoped3A : memref<!tpu.dma_semaphore, #tpu.memory_space<semaphore_mem>>)
      %dma_wait3A = tpu.memref_slice %arg7[%add3A_11] : memref<665600xf32, #tpu.memory_space<vmem_shared>> -> memref<3200xf32, #tpu.memory_space<vmem_shared>>
      %dma_wait3A_77 = tpu.memref_slice %arg7[%add3A_11] : memref<665600xf32, #tpu.memory_space<vmem_shared>> -> memref<3200xf32, #tpu.memory_space<vmem_shared>>
      tpu.wait_dma2 semaphore(%run_scoped3A : memref<!tpu.dma_semaphore, #tpu.memory_space<semaphore_mem>>) src(%arg14 : memref<3200xf32, #tpu.memory_space<vmem>>) dst(%dma_wait3A_77 : memref<3200xf32, #tpu.memory_space<vmem_shared>>)
      tpu.yield
    }) : () -> ()
    %mul3A_12 = arith.constant 41600 : i32
    %mul3A_13 = arith.muli %arg1, %mul3A_12 : i32
    %add3A_14 = arith.constant 3200 : i32
    %add3A_15 = arith.addi %mul3A_13, %add3A_14 : i32
    "tpu.region"() ({
      %run_scoped3A = tpu.sem_alloc : memref<!tpu.dma_semaphore, #tpu.memory_space<semaphore_mem>>
      %dma_start3A = tpu.memref_slice %arg7[%add3A_15] : memref<665600xf32, #tpu.memory_space<vmem_shared>> -> memref<3200xf32, #tpu.memory_space<vmem_shared>>
      %dma_start3A_76 = tpu.memref_slice %arg7[%add3A_15] : memref<665600xf32, #tpu.memory_space<vmem_shared>> -> memref<3200xf32, #tpu.memory_space<vmem_shared>>
      tpu.enqueue_dma source(%arg14 : memref<3200xf32, #tpu.memory_space<vmem>>) target(%dma_start3A_76 : memref<3200xf32, #tpu.memory_space<vmem_shared>>) target_semaphore(%run_scoped3A : memref<!tpu.dma_semaphore, #tpu.memory_space<semaphore_mem>>)
      %dma_wait3A = tpu.memref_slice %arg7[%add3A_15] : memref<665600xf32, #tpu.memory_space<vmem_shared>> -> memref<3200xf32, #tpu.memory_space<vmem_shared>>
      %dma_wait3A_77 = tpu.memref_slice %arg7[%add3A_15] : memref<665600xf32, #tpu.memory_space<vmem_shared>> -> memref<3200xf32, #tpu.memory_space<vmem_shared>>
      tpu.wait_dma2 semaphore(%run_scoped3A : memref<!tpu.dma_semaphore, #tpu.memory_space<semaphore_mem>>) src(%arg14 : memref<3200xf32, #tpu.memory_space<vmem>>) dst(%dma_wait3A_77 : memref<3200xf32, #tpu.memory_space<vmem_shared>>)
      tpu.yield
    }) : () -> ()
    %mul3A_16 = arith.constant 41600 : i32
    %mul3A_17 = arith.muli %arg1, %mul3A_16 : i32
    %add3A_18 = arith.constant 6400 : i32
    %add3A_19 = arith.addi %mul3A_17, %add3A_18 : i32
    "tpu.region"() ({
      %run_scoped3A = tpu.sem_alloc : memref<!tpu.dma_semaphore, #tpu.memory_space<semaphore_mem>>
      %dma_start3A = tpu.memref_slice %arg7[%add3A_19] : memref<665600xf32, #tpu.memory_space<vmem_shared>> -> memref<3200xf32, #tpu.memory_space<vmem_shared>>
      %dma_start3A_76 = tpu.memref_slice %arg7[%add3A_19] : memref<665600xf32, #tpu.memory_space<vmem_shared>> -> memref<3200xf32, #tpu.memory_space<vmem_shared>>
      tpu.enqueue_dma source(%arg14 : memref<3200xf32, #tpu.memory_space<vmem>>) target(%dma_start3A_76 : memref<3200xf32, #tpu.memory_space<vmem_shared>>) target_semaphore(%run_scoped3A : memref<!tpu.dma_semaphore, #tpu.memory_space<semaphore_mem>>)
      %dma_wait3A = tpu.memref_slice %arg7[%add3A_19] : memref<665600xf32, #tpu.memory_space<vmem_shared>> -> memref<3200xf32, #tpu.memory_space<vmem_shared>>
      %dma_wait3A_77 = tpu.memref_slice %arg7[%add3A_19] : memref<665600xf32, #tpu.memory_space<vmem_shared>> -> memref<3200xf32, #tpu.memory_space<vmem_shared>>
      tpu.wait_dma2 semaphore(%run_scoped3A : memref<!tpu.dma_semaphore, #tpu.memory_space<semaphore_mem>>) src(%arg14 : memref<3200xf32, #tpu.memory_space<vmem>>) dst(%dma_wait3A_77 : memref<3200xf32, #tpu.memory_space<vmem_shared>>)
      tpu.yield
    }) : () -> ()
    %mul3A_20 = arith.constant 41600 : i32
    %mul3A_21 = arith.muli %arg1, %mul3A_20 : i32
    %add3A_22 = arith.constant 9600 : i32
    %add3A_23 = arith.addi %mul3A_21, %add3A_22 : i32
    "tpu.region"() ({
      %run_scoped3A = tpu.sem_alloc : memref<!tpu.dma_semaphore, #tpu.memory_space<semaphore_mem>>
      %dma_start3A = tpu.memref_slice %arg7[%add3A_23] : memref<665600xf32, #tpu.memory_space<vmem_shared>> -> memref<3200xf32, #tpu.memory_space<vmem_shared>>
      %dma_start3A_76 = tpu.memref_slice %arg7[%add3A_23] : memref<665600xf32, #tpu.memory_space<vmem_shared>> -> memref<3200xf32, #tpu.memory_space<vmem_shared>>
      tpu.enqueue_dma source(%arg14 : memref<3200xf32, #tpu.memory_space<vmem>>) target(%dma_start3A_76 : memref<3200xf32, #tpu.memory_space<vmem_shared>>) target_semaphore(%run_scoped3A : memref<!tpu.dma_semaphore, #tpu.memory_space<semaphore_mem>>)
      %dma_wait3A = tpu.memref_slice %arg7[%add3A_23] : memref<665600xf32, #tpu.memory_space<vmem_shared>> -> memref<3200xf32, #tpu.memory_space<vmem_shared>>
      %dma_wait3A_77 = tpu.memref_slice %arg7[%add3A_23] : memref<665600xf32, #tpu.memory_space<vmem_shared>> -> memref<3200xf32, #tpu.memory_space<vmem_shared>>
      tpu.wait_dma2 semaphore(%run_scoped3A : memref<!tpu.dma_semaphore, #tpu.memory_space<semaphore_mem>>) src(%arg14 : memref<3200xf32, #tpu.memory_space<vmem>>) dst(%dma_wait3A_77 : memref<3200xf32, #tpu.memory_space<vmem_shared>>)
      tpu.yield
    }) : () -> ()
    %mul3A_24 = arith.constant 41600 : i32
    %mul3A_25 = arith.muli %arg1, %mul3A_24 : i32
    %add3A_26 = arith.constant 12800 : i32
    %add3A_27 = arith.addi %mul3A_25, %add3A_26 : i32
    "tpu.region"() ({
      %run_scoped3A = tpu.sem_alloc : memref<!tpu.dma_semaphore, #tpu.memory_space<semaphore_mem>>
      %dma_start3A = tpu.memref_slice %arg7[%add3A_27] : memref<665600xf32, #tpu.memory_space<vmem_shared>> -> memref<3200xf32, #tpu.memory_space<vmem_shared>>
      %dma_start3A_76 = tpu.memref_slice %arg7[%add3A_27] : memref<665600xf32, #tpu.memory_space<vmem_shared>> -> memref<3200xf32, #tpu.memory_space<vmem_shared>>
      tpu.enqueue_dma source(%arg14 : memref<3200xf32, #tpu.memory_space<vmem>>) target(%dma_start3A_76 : memref<3200xf32, #tpu.memory_space<vmem_shared>>) target_semaphore(%run_scoped3A : memref<!tpu.dma_semaphore, #tpu.memory_space<semaphore_mem>>)
      %dma_wait3A = tpu.memref_slice %arg7[%add3A_27] : memref<665600xf32, #tpu.memory_space<vmem_shared>> -> memref<3200xf32, #tpu.memory_space<vmem_shared>>
      %dma_wait3A_77 = tpu.memref_slice %arg7[%add3A_27] : memref<665600xf32, #tpu.memory_space<vmem_shared>> -> memref<3200xf32, #tpu.memory_space<vmem_shared>>
      tpu.wait_dma2 semaphore(%run_scoped3A : memref<!tpu.dma_semaphore, #tpu.memory_space<semaphore_mem>>) src(%arg14 : memref<3200xf32, #tpu.memory_space<vmem>>) dst(%dma_wait3A_77 : memref<3200xf32, #tpu.memory_space<vmem_shared>>)
      tpu.yield
    }) : () -> ()
    %mul3A_28 = arith.constant 41600 : i32
    %mul3A_29 = arith.muli %arg1, %mul3A_28 : i32
    %add3A_30 = arith.constant 16000 : i32
    %add3A_31 = arith.addi %mul3A_29, %add3A_30 : i32
    "tpu.region"() ({
      %run_scoped3A = tpu.sem_alloc : memref<!tpu.dma_semaphore, #tpu.memory_space<semaphore_mem>>
      %dma_start3A = tpu.memref_slice %arg7[%add3A_31] : memref<665600xf32, #tpu.memory_space<vmem_shared>> -> memref<3200xf32, #tpu.memory_space<vmem_shared>>
      %dma_start3A_76 = tpu.memref_slice %arg7[%add3A_31] : memref<665600xf32, #tpu.memory_space<vmem_shared>> -> memref<3200xf32, #tpu.memory_space<vmem_shared>>
      tpu.enqueue_dma source(%arg14 : memref<3200xf32, #tpu.memory_space<vmem>>) target(%dma_start3A_76 : memref<3200xf32, #tpu.memory_space<vmem_shared>>) target_semaphore(%run_scoped3A : memref<!tpu.dma_semaphore, #tpu.memory_space<semaphore_mem>>)
      %dma_wait3A = tpu.memref_slice %arg7[%add3A_31] : memref<665600xf32, #tpu.memory_space<vmem_shared>> -> memref<3200xf32, #tpu.memory_space<vmem_shared>>
      %dma_wait3A_77 = tpu.memref_slice %arg7[%add3A_31] : memref<665600xf32, #tpu.memory_space<vmem_shared>> -> memref<3200xf32, #tpu.memory_space<vmem_shared>>
      tpu.wait_dma2 semaphore(%run_scoped3A : memref<!tpu.dma_semaphore, #tpu.memory_space<semaphore_mem>>) src(%arg14 : memref<3200xf32, #tpu.memory_space<vmem>>) dst(%dma_wait3A_77 : memref<3200xf32, #tpu.memory_space<vmem_shared>>)
      tpu.yield
    }) : () -> ()
    %mul3A_32 = arith.constant 41600 : i32
    %mul3A_33 = arith.muli %arg1, %mul3A_32 : i32
    %add3A_34 = arith.constant 19200 : i32
    %add3A_35 = arith.addi %mul3A_33, %add3A_34 : i32
    "tpu.region"() ({
      %run_scoped3A = tpu.sem_alloc : memref<!tpu.dma_semaphore, #tpu.memory_space<semaphore_mem>>
      %dma_start3A = tpu.memref_slice %arg7[%add3A_35] : memref<665600xf32, #tpu.memory_space<vmem_shared>> -> memref<3200xf32, #tpu.memory_space<vmem_shared>>
      %dma_start3A_76 = tpu.memref_slice %arg7[%add3A_35] : memref<665600xf32, #tpu.memory_space<vmem_shared>> -> memref<3200xf32, #tpu.memory_space<vmem_shared>>
      tpu.enqueue_dma source(%arg14 : memref<3200xf32, #tpu.memory_space<vmem>>) target(%dma_start3A_76 : memref<3200xf32, #tpu.memory_space<vmem_shared>>) target_semaphore(%run_scoped3A : memref<!tpu.dma_semaphore, #tpu.memory_space<semaphore_mem>>)
      %dma_wait3A = tpu.memref_slice %arg7[%add3A_35] : memref<665600xf32, #tpu.memory_space<vmem_shared>> -> memref<3200xf32, #tpu.memory_space<vmem_shared>>
      %dma_wait3A_77 = tpu.memref_slice %arg7[%add3A_35] : memref<665600xf32, #tpu.memory_space<vmem_shared>> -> memref<3200xf32, #tpu.memory_space<vmem_shared>>
      tpu.wait_dma2 semaphore(%run_scoped3A : memref<!tpu.dma_semaphore, #tpu.memory_space<semaphore_mem>>) src(%arg14 : memref<3200xf32, #tpu.memory_space<vmem>>) dst(%dma_wait3A_77 : memref<3200xf32, #tpu.memory_space<vmem_shared>>)
      tpu.yield
    }) : () -> ()
    %mul3A_36 = arith.constant 41600 : i32
    %mul3A_37 = arith.muli %arg1, %mul3A_36 : i32
    %add3A_38 = arith.constant 22400 : i32
    %add3A_39 = arith.addi %mul3A_37, %add3A_38 : i32
    "tpu.region"() ({
      %run_scoped3A = tpu.sem_alloc : memref<!tpu.dma_semaphore, #tpu.memory_space<semaphore_mem>>
      %dma_start3A = tpu.memref_slice %arg7[%add3A_39] : memref<665600xf32, #tpu.memory_space<vmem_shared>> -> memref<3200xf32, #tpu.memory_space<vmem_shared>>
      %dma_start3A_76 = tpu.memref_slice %arg7[%add3A_39] : memref<665600xf32, #tpu.memory_space<vmem_shared>> -> memref<3200xf32, #tpu.memory_space<vmem_shared>>
      tpu.enqueue_dma source(%arg14 : memref<3200xf32, #tpu.memory_space<vmem>>) target(%dma_start3A_76 : memref<3200xf32, #tpu.memory_space<vmem_shared>>) target_semaphore(%run_scoped3A : memref<!tpu.dma_semaphore, #tpu.memory_space<semaphore_mem>>)
      %dma_wait3A = tpu.memref_slice %arg7[%add3A_39] : memref<665600xf32, #tpu.memory_space<vmem_shared>> -> memref<3200xf32, #tpu.memory_space<vmem_shared>>
      %dma_wait3A_77 = tpu.memref_slice %arg7[%add3A_39] : memref<665600xf32, #tpu.memory_space<vmem_shared>> -> memref<3200xf32, #tpu.memory_space<vmem_shared>>
      tpu.wait_dma2 semaphore(%run_scoped3A : memref<!tpu.dma_semaphore, #tpu.memory_space<semaphore_mem>>) src(%arg14 : memref<3200xf32, #tpu.memory_space<vmem>>) dst(%dma_wait3A_77 : memref<3200xf32, #tpu.memory_space<vmem_shared>>)
      tpu.yield
    }) : () -> ()
    %mul3A_40 = arith.constant 41600 : i32
    %mul3A_41 = arith.muli %arg1, %mul3A_40 : i32
    %add3A_42 = arith.constant 25600 : i32
    %add3A_43 = arith.addi %mul3A_41, %add3A_42 : i32
    "tpu.region"() ({
      %run_scoped3A = tpu.sem_alloc : memref<!tpu.dma_semaphore, #tpu.memory_space<semaphore_mem>>
      %dma_start3A = tpu.memref_slice %arg7[%add3A_43] : memref<665600xf32, #tpu.memory_space<vmem_shared>> -> memref<3200xf32, #tpu.memory_space<vmem_shared>>
      %dma_start3A_76 = tpu.memref_slice %arg7[%add3A_43] : memref<665600xf32, #tpu.memory_space<vmem_shared>> -> memref<3200xf32, #tpu.memory_space<vmem_shared>>
      tpu.enqueue_dma source(%arg14 : memref<3200xf32, #tpu.memory_space<vmem>>) target(%dma_start3A_76 : memref<3200xf32, #tpu.memory_space<vmem_shared>>) target_semaphore(%run_scoped3A : memref<!tpu.dma_semaphore, #tpu.memory_space<semaphore_mem>>)
      %dma_wait3A = tpu.memref_slice %arg7[%add3A_43] : memref<665600xf32, #tpu.memory_space<vmem_shared>> -> memref<3200xf32, #tpu.memory_space<vmem_shared>>
      %dma_wait3A_77 = tpu.memref_slice %arg7[%add3A_43] : memref<665600xf32, #tpu.memory_space<vmem_shared>> -> memref<3200xf32, #tpu.memory_space<vmem_shared>>
      tpu.wait_dma2 semaphore(%run_scoped3A : memref<!tpu.dma_semaphore, #tpu.memory_space<semaphore_mem>>) src(%arg14 : memref<3200xf32, #tpu.memory_space<vmem>>) dst(%dma_wait3A_77 : memref<3200xf32, #tpu.memory_space<vmem_shared>>)
      tpu.yield
    }) : () -> ()
    %mul3A_44 = arith.constant 41600 : i32
    %mul3A_45 = arith.muli %arg1, %mul3A_44 : i32
    %add3A_46 = arith.constant 28800 : i32
    %add3A_47 = arith.addi %mul3A_45, %add3A_46 : i32
    "tpu.region"() ({
      %run_scoped3A = tpu.sem_alloc : memref<!tpu.dma_semaphore, #tpu.memory_space<semaphore_mem>>
      %dma_start3A = tpu.memref_slice %arg7[%add3A_47] : memref<665600xf32, #tpu.memory_space<vmem_shared>> -> memref<3200xf32, #tpu.memory_space<vmem_shared>>
      %dma_start3A_76 = tpu.memref_slice %arg7[%add3A_47] : memref<665600xf32, #tpu.memory_space<vmem_shared>> -> memref<3200xf32, #tpu.memory_space<vmem_shared>>
      tpu.enqueue_dma source(%arg14 : memref<3200xf32, #tpu.memory_space<vmem>>) target(%dma_start3A_76 : memref<3200xf32, #tpu.memory_space<vmem_shared>>) target_semaphore(%run_scoped3A : memref<!tpu.dma_semaphore, #tpu.memory_space<semaphore_mem>>)
      %dma_wait3A = tpu.memref_slice %arg7[%add3A_47] : memref<665600xf32, #tpu.memory_space<vmem_shared>> -> memref<3200xf32, #tpu.memory_space<vmem_shared>>
      %dma_wait3A_77 = tpu.memref_slice %arg7[%add3A_47] : memref<665600xf32, #tpu.memory_space<vmem_shared>> -> memref<3200xf32, #tpu.memory_space<vmem_shared>>
      tpu.wait_dma2 semaphore(%run_scoped3A : memref<!tpu.dma_semaphore, #tpu.memory_space<semaphore_mem>>) src(%arg14 : memref<3200xf32, #tpu.memory_space<vmem>>) dst(%dma_wait3A_77 : memref<3200xf32, #tpu.memory_space<vmem_shared>>)
      tpu.yield
    }) : () -> ()
    %mul3A_48 = arith.constant 41600 : i32
    %mul3A_49 = arith.muli %arg1, %mul3A_48 : i32
    %add3A_50 = arith.constant 32000 : i32
    %add3A_51 = arith.addi %mul3A_49, %add3A_50 : i32
    "tpu.region"() ({
      %run_scoped3A = tpu.sem_alloc : memref<!tpu.dma_semaphore, #tpu.memory_space<semaphore_mem>>
      %dma_start3A = tpu.memref_slice %arg7[%add3A_51] : memref<665600xf32, #tpu.memory_space<vmem_shared>> -> memref<3200xf32, #tpu.memory_space<vmem_shared>>
      %dma_start3A_76 = tpu.memref_slice %arg7[%add3A_51] : memref<665600xf32, #tpu.memory_space<vmem_shared>> -> memref<3200xf32, #tpu.memory_space<vmem_shared>>
      tpu.enqueue_dma source(%arg14 : memref<3200xf32, #tpu.memory_space<vmem>>) target(%dma_start3A_76 : memref<3200xf32, #tpu.memory_space<vmem_shared>>) target_semaphore(%run_scoped3A : memref<!tpu.dma_semaphore, #tpu.memory_space<semaphore_mem>>)
      %dma_wait3A = tpu.memref_slice %arg7[%add3A_51] : memref<665600xf32, #tpu.memory_space<vmem_shared>> -> memref<3200xf32, #tpu.memory_space<vmem_shared>>
      %dma_wait3A_77 = tpu.memref_slice %arg7[%add3A_51] : memref<665600xf32, #tpu.memory_space<vmem_shared>> -> memref<3200xf32, #tpu.memory_space<vmem_shared>>
      tpu.wait_dma2 semaphore(%run_scoped3A : memref<!tpu.dma_semaphore, #tpu.memory_space<semaphore_mem>>) src(%arg14 : memref<3200xf32, #tpu.memory_space<vmem>>) dst(%dma_wait3A_77 : memref<3200xf32, #tpu.memory_space<vmem_shared>>)
      tpu.yield
    }) : () -> ()
    %mul3A_52 = arith.constant 41600 : i32
    %mul3A_53 = arith.muli %arg1, %mul3A_52 : i32
    %add3A_54 = arith.constant 35200 : i32
    %add3A_55 = arith.addi %mul3A_53, %add3A_54 : i32
    "tpu.region"() ({
      %run_scoped3A = tpu.sem_alloc : memref<!tpu.dma_semaphore, #tpu.memory_space<semaphore_mem>>
      %dma_start3A = tpu.memref_slice %arg7[%add3A_55] : memref<665600xf32, #tpu.memory_space<vmem_shared>> -> memref<3200xf32, #tpu.memory_space<vmem_shared>>
      %dma_start3A_76 = tpu.memref_slice %arg7[%add3A_55] : memref<665600xf32, #tpu.memory_space<vmem_shared>> -> memref<3200xf32, #tpu.memory_space<vmem_shared>>
      tpu.enqueue_dma source(%arg14 : memref<3200xf32, #tpu.memory_space<vmem>>) target(%dma_start3A_76 : memref<3200xf32, #tpu.memory_space<vmem_shared>>) target_semaphore(%run_scoped3A : memref<!tpu.dma_semaphore, #tpu.memory_space<semaphore_mem>>)
      %dma_wait3A = tpu.memref_slice %arg7[%add3A_55] : memref<665600xf32, #tpu.memory_space<vmem_shared>> -> memref<3200xf32, #tpu.memory_space<vmem_shared>>
      %dma_wait3A_77 = tpu.memref_slice %arg7[%add3A_55] : memref<665600xf32, #tpu.memory_space<vmem_shared>> -> memref<3200xf32, #tpu.memory_space<vmem_shared>>
      tpu.wait_dma2 semaphore(%run_scoped3A : memref<!tpu.dma_semaphore, #tpu.memory_space<semaphore_mem>>) src(%arg14 : memref<3200xf32, #tpu.memory_space<vmem>>) dst(%dma_wait3A_77 : memref<3200xf32, #tpu.memory_space<vmem_shared>>)
      tpu.yield
    }) : () -> ()
    %mul3A_56 = arith.constant 41600 : i32
    %mul3A_57 = arith.muli %arg1, %mul3A_56 : i32
    %add3A_58 = arith.constant 38400 : i32
    %add3A_59 = arith.addi %mul3A_57, %add3A_58 : i32
    "tpu.region"() ({
      %run_scoped3A = tpu.sem_alloc : memref<!tpu.dma_semaphore, #tpu.memory_space<semaphore_mem>>
      %dma_start3A = tpu.memref_slice %arg7[%add3A_59] : memref<665600xf32, #tpu.memory_space<vmem_shared>> -> memref<3200xf32, #tpu.memory_space<vmem_shared>>
      %dma_start3A_76 = tpu.memref_slice %arg7[%add3A_59] : memref<665600xf32, #tpu.memory_space<vmem_shared>> -> memref<3200xf32, #tpu.memory_space<vmem_shared>>
      tpu.enqueue_dma source(%arg14 : memref<3200xf32, #tpu.memory_space<vmem>>) target(%dma_start3A_76 : memref<3200xf32, #tpu.memory_space<vmem_shared>>) target_semaphore(%run_scoped3A : memref<!tpu.dma_semaphore, #tpu.memory_space<semaphore_mem>>)
      %dma_wait3A = tpu.memref_slice %arg7[%add3A_59] : memref<665600xf32, #tpu.memory_space<vmem_shared>> -> memref<3200xf32, #tpu.memory_space<vmem_shared>>
      %dma_wait3A_77 = tpu.memref_slice %arg7[%add3A_59] : memref<665600xf32, #tpu.memory_space<vmem_shared>> -> memref<3200xf32, #tpu.memory_space<vmem_shared>>
      tpu.wait_dma2 semaphore(%run_scoped3A : memref<!tpu.dma_semaphore, #tpu.memory_space<semaphore_mem>>) src(%arg14 : memref<3200xf32, #tpu.memory_space<vmem>>) dst(%dma_wait3A_77 : memref<3200xf32, #tpu.memory_space<vmem_shared>>)
      tpu.yield
    }) : () -> ()
    "tpu.region"() ({
      %run_scoped3A = tpu.sem_alloc : memref<!tpu.dma_semaphore, #tpu.memory_space<semaphore_mem>>
      tpu.enqueue_dma source(%arg4 : memref<10240xi32, #tpu.memory_space<hbm>>) target(%arg10 : memref<10240xi32, #tpu.memory_space<vmem>>) target_semaphore(%run_scoped3A : memref<!tpu.dma_semaphore, #tpu.memory_space<semaphore_mem>>)
      tpu.wait_dma2 semaphore(%run_scoped3A : memref<!tpu.dma_semaphore, #tpu.memory_space<semaphore_mem>>) src(%arg4 : memref<10240xi32, #tpu.memory_space<hbm>>) dst(%arg10 : memref<10240xi32, #tpu.memory_space<vmem>>)
      tpu.yield
    }) : () -> ()
    "tpu.region"() ({
      %run_scoped3A = tpu.sem_alloc : memref<!tpu.dma_semaphore, #tpu.memory_space<semaphore_mem>>
      tpu.enqueue_dma source(%arg5 : memref<10240xf32, #tpu.memory_space<hbm>>) target(%arg11 : memref<10240xf32, #tpu.memory_space<vmem>>) target_semaphore(%run_scoped3A : memref<!tpu.dma_semaphore, #tpu.memory_space<semaphore_mem>>)
      tpu.wait_dma2 semaphore(%run_scoped3A : memref<!tpu.dma_semaphore, #tpu.memory_space<semaphore_mem>>) src(%arg5 : memref<10240xf32, #tpu.memory_space<hbm>>) dst(%arg11 : memref<10240xf32, #tpu.memory_space<vmem>>)
      tpu.yield
    }) : () -> ()
    %mul3A_60 = arith.constant 81 : i32
    %mul3A_61 = arith.muli %add3A, %mul3A_60 : i32
    %mul3A_62 = arith.constant 128 : i32
    %mul3A_63 = arith.muli %mul3A_61, %mul3A_62 : i32
    "tpu.region"() ({
      %run_scoped3A = tpu.sem_alloc : memref<!tpu.dma_semaphore, #tpu.memory_space<semaphore_mem>>
      %dma_start3A = tpu.memref_slice %arg2[%mul3A_63] : memref<331776xi32, #tpu.memory_space<hbm>> -> memref<10368xi32, #tpu.memory_space<hbm>>
      %dma_start3A_76 = tpu.memref_slice %arg2[%mul3A_63] : memref<331776xi32, #tpu.memory_space<hbm>> -> memref<10368xi32, #tpu.memory_space<hbm>>
      tpu.enqueue_dma source(%dma_start3A_76 : memref<10368xi32, #tpu.memory_space<hbm>>) target(%arg8 : memref<10368xi32, #tpu.memory_space<vmem>>) target_semaphore(%run_scoped3A : memref<!tpu.dma_semaphore, #tpu.memory_space<semaphore_mem>>)
      %dma_wait3A = tpu.memref_slice %arg2[%mul3A_63] : memref<331776xi32, #tpu.memory_space<hbm>> -> memref<10368xi32, #tpu.memory_space<hbm>>
      %dma_wait3A_77 = tpu.memref_slice %arg2[%mul3A_63] : memref<331776xi32, #tpu.memory_space<hbm>> -> memref<10368xi32, #tpu.memory_space<hbm>>
      tpu.wait_dma2 semaphore(%run_scoped3A : memref<!tpu.dma_semaphore, #tpu.memory_space<semaphore_mem>>) src(%dma_wait3A_77 : memref<10368xi32, #tpu.memory_space<hbm>>) dst(%arg8 : memref<10368xi32, #tpu.memory_space<vmem>>)
      tpu.yield
    }) : () -> ()
    "tpu.region"() ({
      %run_scoped3A = tpu.sem_alloc : memref<!tpu.dma_semaphore, #tpu.memory_space<semaphore_mem>>
      %dma_start3A = tpu.memref_slice %arg3[%mul3A_63] : memref<331776xi32, #tpu.memory_space<hbm>> -> memref<10368xi32, #tpu.memory_space<hbm>>
      %dma_start3A_76 = tpu.memref_slice %arg3[%mul3A_63] : memref<331776xi32, #tpu.memory_space<hbm>> -> memref<10368xi32, #tpu.memory_space<hbm>>
      tpu.enqueue_dma source(%dma_start3A_76 : memref<10368xi32, #tpu.memory_space<hbm>>) target(%arg9 : memref<10368xi32, #tpu.memory_space<vmem>>) target_semaphore(%run_scoped3A : memref<!tpu.dma_semaphore, #tpu.memory_space<semaphore_mem>>)
      %dma_wait3A = tpu.memref_slice %arg3[%mul3A_63] : memref<331776xi32, #tpu.memory_space<hbm>> -> memref<10368xi32, #tpu.memory_space<hbm>>
      %dma_wait3A_77 = tpu.memref_slice %arg3[%mul3A_63] : memref<331776xi32, #tpu.memory_space<hbm>> -> memref<10368xi32, #tpu.memory_space<hbm>>
      tpu.wait_dma2 semaphore(%run_scoped3A : memref<!tpu.dma_semaphore, #tpu.memory_space<semaphore_mem>>) src(%dma_wait3A_77 : memref<10368xi32, #tpu.memory_space<hbm>>) dst(%arg9 : memref<10368xi32, #tpu.memory_space<vmem>>)
      tpu.yield
    }) : () -> ()
    %barrier3A = arith.constant 0 : index
    tpu.barrier barrier_id(%barrier3A)
    %scan3A_64 = arith.constant 0 : i32
    %scan3A_65 = arith.constant 0 : i32
    %scan3A_66 = arith.constant 81 : i32
    %scan3A_67 = arith.addi %scan3A_65, %scan3A_66 : i32
    %scan3A_68 = arith.constant 1 : i32
    %scan3A_69 = scf.for %scan3A_76 = %scan3A_65 to %scan3A_67 step %scan3A_68 iter_args(%scan3A_77 = %scan3A_64) -> (i32)  : i32 {
      %mul3A_78 = arith.constant 128 : i32
      %mul3A_79 = arith.muli %scan3A_76, %mul3A_78 : i32
      %add3A_80 = arith.constant 0 : i32
      %add3A_81 = arith.addi %mul3A_79, %add3A_80 : i32
      %get3A = arith.index_cast %add3A_81 : i32 to index
      %get3A_82 = tpu.vector_load %arg9[%get3A] {strides = array<i32>} : memref<10368xi32, #tpu.memory_space<vmem>>, vector<16xi32>,
      %mul3A_83 = arith.constant 128 : i32
      %mul3A_84 = arith.muli %scan3A_76, %mul3A_83 : i32
      %add3A_85 = arith.constant 0 : i32
      %add3A_86 = arith.addi %mul3A_84, %add3A_85 : i32
      %get3A_87 = arith.index_cast %add3A_86 : i32 to index
      %get3A_88 = tpu.vector_load %arg8[%get3A_87] {strides = array<i32>} : memref<10368xi32, #tpu.memory_space<vmem>>, vector<16xi32>,
      %gather3A = tpu.vector_load_idx %arg10[%get3A_82] : memref<10240xi32, #tpu.memory_space<vmem>>[vector<16xi32>], vector<16xi32>,
      %gather3A_89 = tpu.vector_load_idx %arg11[%get3A_82] : memref<10240xf32, #tpu.memory_space<vmem>>[vector<16xi32>], vector<16xf32>,
      %mul3A_90 = arith.constant 10240 : i32
      %mul3A_91 = vector.broadcast %mul3A_90 : i32 to vector<16xi32>
      %mul3A_92 = arith.muli %gather3A, %mul3A_91 : vector<16xi32>
      %add3A_93 = arith.addi %mul3A_92, %get3A_88 : vector<16xi32>
      %swap3A = arith.constant 0 : i32
      %swap3A_94 = arith.index_cast %swap3A : i32 to index
      %swap3A_95 = arith.constant 0 : index
      %swap3A_96 = tpu.vector_load %arg12[%swap3A_94, %swap3A_95] {strides = array<i32>} : memref<1x128xi32, #tpu.memory_space<vmem>>, vector<16xi32>,
      tpu.vector_store %arg12[%swap3A_94, %swap3A_95], %add3A_93 {strides = array<i32>} : memref<1x128xi32, #tpu.memory_space<vmem>>, vector<16xi32>,
      %swap3A_97 = arith.constant 0 : index
      %swap3A_98 = tpu.vector_load %arg13[%swap3A_97] {strides = array<i32>} : memref<128xf32, #tpu.memory_space<vmem>>, vector<16xf32>,
      tpu.vector_store %arg13[%swap3A_97], %gather3A_89 {strides = array<i32>} : memref<128xf32, #tpu.memory_space<vmem>>, vector<16xf32>,
      %mul3A_99 = arith.constant 128 : i32
      %mul3A_100 = arith.muli %scan3A_76, %mul3A_99 : i32
      %add3A_101 = arith.constant 16 : i32
      %add3A_102 = arith.addi %mul3A_100, %add3A_101 : i32
      %get3A_103 = arith.index_cast %add3A_102 : i32 to index
      %get3A_104 = tpu.vector_load %arg9[%get3A_103] {strides = array<i32>} : memref<10368xi32, #tpu.memory_space<vmem>>, vector<16xi32>,
      %mul3A_105 = arith.constant 128 : i32
      %mul3A_106 = arith.muli %scan3A_76, %mul3A_105 : i32
      %add3A_107 = arith.constant 16 : i32
      %add3A_108 = arith.addi %mul3A_106, %add3A_107 : i32
      %get3A_109 = arith.index_cast %add3A_108 : i32 to index
      %get3A_110 = tpu.vector_load %arg8[%get3A_109] {strides = array<i32>} : memref<10368xi32, #tpu.memory_space<vmem>>, vector<16xi32>,
      %gather3A_111 = tpu.vector_load_idx %arg10[%get3A_104] : memref<10240xi32, #tpu.memory_space<vmem>>[vector<16xi32>], vector<16xi32>,
      %gather3A_112 = tpu.vector_load_idx %arg11[%get3A_104] : memref<10240xf32, #tpu.memory_space<vmem>>[vector<16xi32>], vector<16xf32>,
      %mul3A_113 = arith.constant 10240 : i32
      %mul3A_114 = vector.broadcast %mul3A_113 : i32 to vector<16xi32>
      %mul3A_115 = arith.muli %gather3A_111, %mul3A_114 : vector<16xi32>
      %add3A_116 = arith.addi %mul3A_115, %get3A_110 : vector<16xi32>
      %swap3A_117 = arith.constant 0 : i32
      %swap3A_118 = arith.index_cast %swap3A_117 : i32 to index
      %swap3A_119 = arith.constant 16 : index
      %swap3A_120 = tpu.vector_load %arg12[%swap3A_118, %swap3A_119] {strides = array<i32>} : memref<1x128xi32, #tpu.memory_space<vmem>>, vector<16xi32>,
      tpu.vector_store %arg12[%swap3A_118, %swap3A_119], %add3A_116 {strides = array<i32>} : memref<1x128xi32, #tpu.memory_space<vmem>>, vector<16xi32>,
      %swap3A_121 = arith.constant 16 : index
      %swap3A_122 = tpu.vector_load %arg13[%swap3A_121] {strides = array<i32>} : memref<128xf32, #tpu.memory_space<vmem>>, vector<16xf32>,
      tpu.vector_store %arg13[%swap3A_121], %gather3A_112 {strides = array<i32>} : memref<128xf32, #tpu.memory_space<vmem>>, vector<16xf32>,
      %mul3A_123 = arith.constant 128 : i32
      %mul3A_124 = arith.muli %scan3A_76, %mul3A_123 : i32
      %add3A_125 = arith.constant 32 : i32
      %add3A_126 = arith.addi %mul3A_124, %add3A_125 : i32
      %get3A_127 = arith.index_cast %add3A_126 : i32 to index
      %get3A_128 = tpu.vector_load %arg9[%get3A_127] {strides = array<i32>} : memref<10368xi32, #tpu.memory_space<vmem>>, vector<16xi32>,
      %mul3A_129 = arith.constant 128 : i32
      %mul3A_130 = arith.muli %scan3A_76, %mul3A_129 : i32
      %add3A_131 = arith.constant 32 : i32
      %add3A_132 = arith.addi %mul3A_130, %add3A_131 : i32
      %get3A_133 = arith.index_cast %add3A_132 : i32 to index
      %get3A_134 = tpu.vector_load %arg8[%get3A_133] {strides = array<i32>} : memref<10368xi32, #tpu.memory_space<vmem>>, vector<16xi32>,
      %gather3A_135 = tpu.vector_load_idx %arg10[%get3A_128] : memref<10240xi32, #tpu.memory_space<vmem>>[vector<16xi32>], vector<16xi32>,
      %gather3A_136 = tpu.vector_load_idx %arg11[%get3A_128] : memref<10240xf32, #tpu.memory_space<vmem>>[vector<16xi32>], vector<16xf32>,
      %mul3A_137 = arith.constant 10240 : i32
      %mul3A_138 = vector.broadcast %mul3A_137 : i32 to vector<16xi32>
      %mul3A_139 = arith.muli %gather3A_135, %mul3A_138 : vector<16xi32>
      %add3A_140 = arith.addi %mul3A_139, %get3A_134 : vector<16xi32>
      %swap3A_141 = arith.constant 0 : i32
      %swap3A_142 = arith.index_cast %swap3A_141 : i32 to index
      %swap3A_143 = arith.constant 32 : index
      %swap3A_144 = tpu.vector_load %arg12[%swap3A_142, %swap3A_143] {strides = array<i32>} : memref<1x128xi32, #tpu.memory_space<vmem>>, vector<16xi32>,
      tpu.vector_store %arg12[%swap3A_142, %swap3A_143], %add3A_140 {strides = array<i32>} : memref<1x128xi32, #tpu.memory_space<vmem>>, vector<16xi32>,
      %swap3A_145 = arith.constant 32 : index
      %swap3A_146 = tpu.vector_load %arg13[%swap3A_145] {strides = array<i32>} : memref<128xf32, #tpu.memory_space<vmem>>, vector<16xf32>,
      tpu.vector_store %arg13[%swap3A_145], %gather3A_136 {strides = array<i32>} : memref<128xf32, #tpu.memory_space<vmem>>, vector<16xf32>,
      %mul3A_147 = arith.constant 128 : i32
      %mul3A_148 = arith.muli %scan3A_76, %mul3A_147 : i32
      %add3A_149 = arith.constant 48 : i32
      %add3A_150 = arith.addi %mul3A_148, %add3A_149 : i32
      %get3A_151 = arith.index_cast %add3A_150 : i32 to index
      %get3A_152 = tpu.vector_load %arg9[%get3A_151] {strides = array<i32>} : memref<10368xi32, #tpu.memory_space<vmem>>, vector<16xi32>,
      %mul3A_153 = arith.constant 128 : i32
      %mul3A_154 = arith.muli %scan3A_76, %mul3A_153 : i32
      %add3A_155 = arith.constant 48 : i32
      %add3A_156 = arith.addi %mul3A_154, %add3A_155 : i32
      %get3A_157 = arith.index_cast %add3A_156 : i32 to index
      %get3A_158 = tpu.vector_load %arg8[%get3A_157] {strides = array<i32>} : memref<10368xi32, #tpu.memory_space<vmem>>, vector<16xi32>,
      %gather3A_159 = tpu.vector_load_idx %arg10[%get3A_152] : memref<10240xi32, #tpu.memory_space<vmem>>[vector<16xi32>], vector<16xi32>,
      %gather3A_160 = tpu.vector_load_idx %arg11[%get3A_152] : memref<10240xf32, #tpu.memory_space<vmem>>[vector<16xi32>], vector<16xf32>,
      %mul3A_161 = arith.constant 10240 : i32
      %mul3A_162 = vector.broadcast %mul3A_161 : i32 to vector<16xi32>
      %mul3A_163 = arith.muli %gather3A_159, %mul3A_162 : vector<16xi32>
      %add3A_164 = arith.addi %mul3A_163, %get3A_158 : vector<16xi32>
      %swap3A_165 = arith.constant 0 : i32
      %swap3A_166 = arith.index_cast %swap3A_165 : i32 to index
      %swap3A_167 = arith.constant 48 : index
      %swap3A_168 = tpu.vector_load %arg12[%swap3A_166, %swap3A_167] {strides = array<i32>} : memref<1x128xi32, #tpu.memory_space<vmem>>, vector<16xi32>,
      tpu.vector_store %arg12[%swap3A_166, %swap3A_167], %add3A_164 {strides = array<i32>} : memref<1x128xi32, #tpu.memory_space<vmem>>, vector<16xi32>,
      %swap3A_169 = arith.constant 48 : index
      %swap3A_170 = tpu.vector_load %arg13[%swap3A_169] {strides = array<i32>} : memref<128xf32, #tpu.memory_space<vmem>>, vector<16xf32>,
      tpu.vector_store %arg13[%swap3A_169], %gather3A_160 {strides = array<i32>} : memref<128xf32, #tpu.memory_space<vmem>>, vector<16xf32>,
      %mul3A_171 = arith.constant 128 : i32
      %mul3A_172 = arith.muli %scan3A_76, %mul3A_171 : i32
      %add3A_173 = arith.constant 64 : i32
      %add3A_174 = arith.addi %mul3A_172, %add3A_173 : i32
      %get3A_175 = arith.index_cast %add3A_174 : i32 to index
      %get3A_176 = tpu.vector_load %arg9[%get3A_175] {strides = array<i32>} : memref<10368xi32, #tpu.memory_space<vmem>>, vector<16xi32>,
      %mul3A_177 = arith.constant 128 : i32
      %mul3A_178 = arith.muli %scan3A_76, %mul3A_177 : i32
      %add3A_179 = arith.constant 64 : i32
      %add3A_180 = arith.addi %mul3A_178, %add3A_179 : i32
      %get3A_181 = arith.index_cast %add3A_180 : i32 to index
      %get3A_182 = tpu.vector_load %arg8[%get3A_181] {strides = array<i32>} : memref<10368xi32, #tpu.memory_space<vmem>>, vector<16xi32>,
      %gather3A_183 = tpu.vector_load_idx %arg10[%get3A_176] : memref<10240xi32, #tpu.memory_space<vmem>>[vector<16xi32>], vector<16xi32>,
      %gather3A_184 = tpu.vector_load_idx %arg11[%get3A_176] : memref<10240xf32, #tpu.memory_space<vmem>>[vector<16xi32>], vector<16xf32>,
      %mul3A_185 = arith.constant 10240 : i32
      %mul3A_186 = vector.broadcast %mul3A_185 : i32 to vector<16xi32>
      %mul3A_187 = arith.muli %gather3A_183, %mul3A_186 : vector<16xi32>
      %add3A_188 = arith.addi %mul3A_187, %get3A_182 : vector<16xi32>
      %swap3A_189 = arith.constant 0 : i32
      %swap3A_190 = arith.index_cast %swap3A_189 : i32 to index
      %swap3A_191 = arith.constant 64 : index
      %swap3A_192 = tpu.vector_load %arg12[%swap3A_190, %swap3A_191] {strides = array<i32>} : memref<1x128xi32, #tpu.memory_space<vmem>>, vector<16xi32>,
      tpu.vector_store %arg12[%swap3A_190, %swap3A_191], %add3A_188 {strides = array<i32>} : memref<1x128xi32, #tpu.memory_space<vmem>>, vector<16xi32>,
      %swap3A_193 = arith.constant 64 : index
      %swap3A_194 = tpu.vector_load %arg13[%swap3A_193] {strides = array<i32>} : memref<128xf32, #tpu.memory_space<vmem>>, vector<16xf32>,
      tpu.vector_store %arg13[%swap3A_193], %gather3A_184 {strides = array<i32>} : memref<128xf32, #tpu.memory_space<vmem>>, vector<16xf32>,
      %mul3A_195 = arith.constant 128 : i32
      %mul3A_196 = arith.muli %scan3A_76, %mul3A_195 : i32
      %add3A_197 = arith.constant 80 : i32
      %add3A_198 = arith.addi %mul3A_196, %add3A_197 : i32
      %get3A_199 = arith.index_cast %add3A_198 : i32 to index
      %get3A_200 = tpu.vector_load %arg9[%get3A_199] {strides = array<i32>} : memref<10368xi32, #tpu.memory_space<vmem>>, vector<16xi32>,
      %mul3A_201 = arith.constant 128 : i32
      %mul3A_202 = arith.muli %scan3A_76, %mul3A_201 : i32
      %add3A_203 = arith.constant 80 : i32
      %add3A_204 = arith.addi %mul3A_202, %add3A_203 : i32
      %get3A_205 = arith.index_cast %add3A_204 : i32 to index
      %get3A_206 = tpu.vector_load %arg8[%get3A_205] {strides = array<i32>} : memref<10368xi32, #tpu.memory_space<vmem>>, vector<16xi32>,
      %gather3A_207 = tpu.vector_load_idx %arg10[%get3A_200] : memref<10240xi32, #tpu.memory_space<vmem>>[vector<16xi32>], vector<16xi32>,
      %gather3A_208 = tpu.vector_load_idx %arg11[%get3A_200] : memref<10240xf32, #tpu.memory_space<vmem>>[vector<16xi32>], vector<16xf32>,
      %mul3A_209 = arith.constant 10240 : i32
      %mul3A_210 = vector.broadcast %mul3A_209 : i32 to vector<16xi32>
      %mul3A_211 = arith.muli %gather3A_207, %mul3A_210 : vector<16xi32>
      %add3A_212 = arith.addi %mul3A_211, %get3A_206 : vector<16xi32>
      %swap3A_213 = arith.constant 0 : i32
      %swap3A_214 = arith.index_cast %swap3A_213 : i32 to index
      %swap3A_215 = arith.constant 80 : index
      %swap3A_216 = tpu.vector_load %arg12[%swap3A_214, %swap3A_215] {strides = array<i32>} : memref<1x128xi32, #tpu.memory_space<vmem>>, vector<16xi32>,
      tpu.vector_store %arg12[%swap3A_214, %swap3A_215], %add3A_212 {strides = array<i32>} : memref<1x128xi32, #tpu.memory_space<vmem>>, vector<16xi32>,
      %swap3A_217 = arith.constant 80 : index
      %swap3A_218 = tpu.vector_load %arg13[%swap3A_217] {strides = array<i32>} : memref<128xf32, #tpu.memory_space<vmem>>, vector<16xf32>,
      tpu.vector_store %arg13[%swap3A_217], %gather3A_208 {strides = array<i32>} : memref<128xf32, #tpu.memory_space<vmem>>, vector<16xf32>,
      %mul3A_219 = arith.constant 128 : i32
      %mul3A_220 = arith.muli %scan3A_76, %mul3A_219 : i32
      %add3A_221 = arith.constant 96 : i32
      %add3A_222 = arith.addi %mul3A_220, %add3A_221 : i32
      %get3A_223 = arith.index_cast %add3A_222 : i32 to index
      %get3A_224 = tpu.vector_load %arg9[%get3A_223] {strides = array<i32>} : memref<10368xi32, #tpu.memory_space<vmem>>, vector<16xi32>,
      %mul3A_225 = arith.constant 128 : i32
      %mul3A_226 = arith.muli %scan3A_76, %mul3A_225 : i32
      %add3A_227 = arith.constant 96 : i32
      %add3A_228 = arith.addi %mul3A_226, %add3A_227 : i32
      %get3A_229 = arith.index_cast %add3A_228 : i32 to index
      %get3A_230 = tpu.vector_load %arg8[%get3A_229] {strides = array<i32>} : memref<10368xi32, #tpu.memory_space<vmem>>, vector<16xi32>,
      %gather3A_231 = tpu.vector_load_idx %arg10[%get3A_224] : memref<10240xi32, #tpu.memory_space<vmem>>[vector<16xi32>], vector<16xi32>,
      %gather3A_232 = tpu.vector_load_idx %arg11[%get3A_224] : memref<10240xf32, #tpu.memory_space<vmem>>[vector<16xi32>], vector<16xf32>,
      %mul3A_233 = arith.constant 10240 : i32
      %mul3A_234 = vector.broadcast %mul3A_233 : i32 to vector<16xi32>
      %mul3A_235 = arith.muli %gather3A_231, %mul3A_234 : vector<16xi32>
      %add3A_236 = arith.addi %mul3A_235, %get3A_230 : vector<16xi32>
      %swap3A_237 = arith.constant 0 : i32
      %swap3A_238 = arith.index_cast %swap3A_237 : i32 to index
      %swap3A_239 = arith.constant 96 : index
      %swap3A_240 = tpu.vector_load %arg12[%swap3A_238, %swap3A_239] {strides = array<i32>} : memref<1x128xi32, #tpu.memory_space<vmem>>, vector<16xi32>,
      tpu.vector_store %arg12[%swap3A_238, %swap3A_239], %add3A_236 {strides = array<i32>} : memref<1x128xi32, #tpu.memory_space<vmem>>, vector<16xi32>,
      %swap3A_241 = arith.constant 96 : index
      %swap3A_242 = tpu.vector_load %arg13[%swap3A_241] {strides = array<i32>} : memref<128xf32, #tpu.memory_space<vmem>>, vector<16xf32>,
      tpu.vector_store %arg13[%swap3A_241], %gather3A_232 {strides = array<i32>} : memref<128xf32, #tpu.memory_space<vmem>>, vector<16xf32>,
      %mul3A_243 = arith.constant 128 : i32
      %mul3A_244 = arith.muli %scan3A_76, %mul3A_243 : i32
      %add3A_245 = arith.constant 112 : i32
      %add3A_246 = arith.addi %mul3A_244, %add3A_245 : i32
      %get3A_247 = arith.index_cast %add3A_246 : i32 to index
      %get3A_248 = tpu.vector_load %arg9[%get3A_247] {strides = array<i32>} : memref<10368xi32, #tpu.memory_space<vmem>>, vector<16xi32>,
      %mul3A_249 = arith.constant 128 : i32
      %mul3A_250 = arith.muli %scan3A_76, %mul3A_249 : i32
      %add3A_251 = arith.constant 112 : i32
      %add3A_252 = arith.addi %mul3A_250, %add3A_251 : i32
      %get3A_253 = arith.index_cast %add3A_252 : i32 to index
      %get3A_254 = tpu.vector_load %arg8[%get3A_253] {strides = array<i32>} : memref<10368xi32, #tpu.memory_space<vmem>>, vector<16xi32>,
      %gather3A_255 = tpu.vector_load_idx %arg10[%get3A_248] : memref<10240xi32, #tpu.memory_space<vmem>>[vector<16xi32>], vector<16xi32>,
      %gather3A_256 = tpu.vector_load_idx %arg11[%get3A_248] : memref<10240xf32, #tpu.memory_space<vmem>>[vector<16xi32>], vector<16xf32>,
      %mul3A_257 = arith.constant 10240 : i32
      %mul3A_258 = vector.broadcast %mul3A_257 : i32 to vector<16xi32>
      %mul3A_259 = arith.muli %gather3A_255, %mul3A_258 : vector<16xi32>
      %add3A_260 = arith.addi %mul3A_259, %get3A_254 : vector<16xi32>
      %swap3A_261 = arith.constant 0 : i32
      %swap3A_262 = arith.index_cast %swap3A_261 : i32 to index
      %swap3A_263 = arith.constant 112 : index
      %swap3A_264 = tpu.vector_load %arg12[%swap3A_262, %swap3A_263] {strides = array<i32>} : memref<1x128xi32, #tpu.memory_space<vmem>>, vector<16xi32>,
      tpu.vector_store %arg12[%swap3A_262, %swap3A_263], %add3A_260 {strides = array<i32>} : memref<1x128xi32, #tpu.memory_space<vmem>>, vector<16xi32>,
      %swap3A_265 = arith.constant 112 : index
      %swap3A_266 = tpu.vector_load %arg13[%swap3A_265] {strides = array<i32>} : memref<128xf32, #tpu.memory_space<vmem>>, vector<16xf32>,
      tpu.vector_store %arg13[%swap3A_265], %gather3A_256 {strides = array<i32>} : memref<128xf32, #tpu.memory_space<vmem>>, vector<16xf32>,
      %run_scoped3A = arith.constant 0 : i32
      "tpu.region"() ({
        %run_scoped3A_268 = tpu.sem_alloc : memref<!tpu.dma_semaphore, #tpu.memory_space<semaphore_mem>>
        %dma_start3A = arith.constant 0 : i32
        %dma_start3A_269 = tpu.memref_slice %arg12[%run_scoped3A, %dma_start3A] : memref<1x128xi32, #tpu.memory_space<vmem>> -> memref<1x128xi32, #tpu.memory_space<vmem>>
        %dma_start3A_270 = tpu.memref_squeeze %dma_start3A_269 : memref<1x128xi32, #tpu.memory_space<vmem>> -> memref<128xi32, #tpu.memory_space<vmem>>
        %dma_start3A_271 = arith.constant 0 : i32
        %dma_start3A_272 = tpu.memref_slice %arg7[%dma_start3A_271] : memref<665600xf32, #tpu.memory_space<vmem_shared>> -> memref<665600xf32, #tpu.memory_space<vmem_shared>>
        tpu.enqueue_indirect_dma source(%arg13 : memref<128xf32, #tpu.memory_space<vmem>>) target(%dma_start3A_272 : memref<665600xf32, #tpu.memory_space<vmem_shared>>) offsets(%dma_start3A_270 : memref<128xi32, #tpu.memory_space<vmem>>) semaphore(%run_scoped3A_268 : memref<!tpu.dma_semaphore, #tpu.memory_space<semaphore_mem>>) {add = true}
        %dma_wait3A = arith.constant 0 : i32
        %dma_wait3A_273 = tpu.memref_slice %arg12[%run_scoped3A, %dma_wait3A] : memref<1x128xi32, #tpu.memory_space<vmem>> -> memref<1x128xi32, #tpu.memory_space<vmem>>
        %dma_wait3A_274 = tpu.memref_squeeze %dma_wait3A_273 : memref<1x128xi32, #tpu.memory_space<vmem>> -> memref<128xi32, #tpu.memory_space<vmem>>
        %dma_wait3A_275 = arith.constant 0 : i32
        %dma_wait3A_276 = tpu.memref_slice %arg7[%dma_wait3A_275] : memref<665600xf32, #tpu.memory_space<vmem_shared>> -> memref<665600xf32, #tpu.memory_space<vmem_shared>>
        tpu.wait_indirect_dma semaphore(%run_scoped3A_268 : memref<!tpu.dma_semaphore, #tpu.memory_space<semaphore_mem>>) src(%arg13 : memref<128xf32, #tpu.memory_space<vmem>>) dst(%dma_wait3A_276 : memref<665600xf32, #tpu.memory_space<vmem_shared>>)
        tpu.yield
      }) : () -> ()
      %scan3A_267 = arith.constant 0 : i32
      scf.yield %scan3A_267 : i32
    }
    %scan3A_70 = arith.constant 81 : i32
    %barrier3A_71 = arith.constant 0 : index
    tpu.barrier barrier_id(%barrier3A_71)
    %mul3A_72 = arith.constant 41600 : i32
    %mul3A_73 = arith.muli %arg1, %mul3A_72 : i32
    %mul3A_74 = arith.constant 41600 : i32
    %mul3A_75 = arith.muli %arg1, %mul3A_74 : i32
    "tpu.region"() ({
      %run_scoped3A = tpu.sem_alloc : memref<!tpu.dma_semaphore, #tpu.memory_space<semaphore_mem>>
      %dma_start3A = tpu.memref_slice %arg6[%arg0, %mul3A_75] : memref<2x665600xf32, #tpu.memory_space<hbm>> -> memref<1x41600xf32, #tpu.memory_space<hbm>>
      %dma_start3A_76 = tpu.memref_squeeze %dma_start3A : memref<1x41600xf32, #tpu.memory_space<hbm>> -> memref<41600xf32, #tpu.memory_space<hbm>>
      %dma_start3A_77 = tpu.memref_slice %arg7[%mul3A_73] : memref<665600xf32, #tpu.memory_space<vmem_shared>> -> memref<41600xf32, #tpu.memory_space<vmem_shared>>
      tpu.enqueue_dma source(%dma_start3A_77 : memref<41600xf32, #tpu.memory_space<vmem_shared>>) target(%dma_start3A_76 : memref<41600xf32, #tpu.memory_space<hbm>>) target_semaphore(%run_scoped3A : memref<!tpu.dma_semaphore, #tpu.memory_space<semaphore_mem>>)
      %dma_wait3A = tpu.memref_slice %arg6[%arg0, %mul3A_75] : memref<2x665600xf32, #tpu.memory_space<hbm>> -> memref<1x41600xf32, #tpu.memory_space<hbm>>
      %dma_wait3A_78 = tpu.memref_squeeze %dma_wait3A : memref<1x41600xf32, #tpu.memory_space<hbm>> -> memref<41600xf32, #tpu.memory_space<hbm>>
      %dma_wait3A_79 = tpu.memref_slice %arg7[%mul3A_73] : memref<665600xf32, #tpu.memory_space<vmem_shared>> -> memref<41600xf32, #tpu.memory_space<vmem_shared>>
      tpu.wait_dma2 semaphore(%run_scoped3A : memref<!tpu.dma_semaphore, #tpu.memory_space<semaphore_mem>>) src(%dma_wait3A_79 : memref<41600xf32, #tpu.memory_space<vmem_shared>>) dst(%dma_wait3A_78 : memref<41600xf32, #tpu.memory_space<hbm>>)
      tpu.yield
    }) : () -> ()
    return
  }
}

#map = affine_map<(d0, d1) -> (0)>
#map1 = affine_map<(d0, d1) -> (0, 0)>
module attributes {stable_mosaic.version = 14 : i64} {
  func.func @_deg_body(%arg0: i32, %arg1: i32, %arg2: memref<331776xi32, #tpu.memory_space<hbm>>, %arg3: memref<10240xi32, #tpu.memory_space<hbm>>, %arg4: memref<2x10240xf32, #tpu.memory_space<hbm>>, %arg5: memref<2x128xf32, #tpu.memory_space<hbm>>, %arg6: memref<10240xf32, #tpu.memory_space<vmem_shared>>, %arg7: memref<128xf32, #tpu.memory_space<vmem_shared>>, %arg8: memref<1x128xi32, #tpu.memory_space<vmem>>, %arg9: memref<1x128xi32, #tpu.memory_space<vmem>>, %arg10: memref<128xf32, #tpu.memory_space<vmem>>, %arg11: memref<640xf32, #tpu.memory_space<vmem>>, %arg12: memref<!tpu.dma_semaphore, #tpu.memory_space<semaphore_mem>>, %arg13: memref<!tpu.dma_semaphore, #tpu.memory_space<semaphore_mem>>, %arg14: memref<!tpu.dma_semaphore, #tpu.memory_space<semaphore_mem>>, %arg15: memref<!tpu.dma_semaphore, #tpu.memory_space<semaphore_mem>>) attributes {dimension_semantics = [#tpu.dimension_semantics<core_parallel>, #tpu.dimension_semantics<subcore_parallel>], iteration_bounds = array<i64: 2, 16>, scalar_prefetch = 0 : i64, scratch_operands = 10 : i64, tpu.core_type = #tpu.core_type<sc_vector_subcore>, window_params = [{transform_indices = #map}, {transform_indices = #map}, {transform_indices = #map1}, {transform_indices = #map1}]} {
    %mul3A = arith.constant 16 : i32
    %mul3A_0 = arith.muli %arg0, %mul3A : i32
    %add3A = arith.addi %mul3A_0, %arg1 : i32
    %broadcast_in_dim3A = arith.constant 0.000000e+00 : f32
    %broadcast_in_dim3A_1 = vector.broadcast %broadcast_in_dim3A : f32 to vector<16xf32>
    %scan3A = arith.constant 0 : i32
    %scan3A_2 = arith.constant 0 : i32
    %scan3A_3 = arith.constant 40 : i32
    %scan3A_4 = arith.addi %scan3A_2, %scan3A_3 : i32
    %scan3A_5 = arith.constant 1 : i32
    %scan3A_6 = scf.for %scan3A_70 = %scan3A_2 to %scan3A_4 step %scan3A_5 iter_args(%scan3A_71 = %scan3A) -> (i32)  : i32 {
      %mul3A_72 = arith.constant 16 : i32
      %mul3A_73 = arith.muli %scan3A_70, %mul3A_72 : i32
      %swap3A_74 = arith.index_cast %mul3A_73 : i32 to index
      %swap3A_75 = tpu.vector_load %arg11[%swap3A_74] {strides = array<i32>} : memref<640xf32, #tpu.memory_space<vmem>>, vector<16xf32>,
      tpu.vector_store %arg11[%swap3A_74], %broadcast_in_dim3A_1 {strides = array<i32>} : memref<640xf32, #tpu.memory_space<vmem>>, vector<16xf32>,
      %scan3A_76 = arith.constant 0 : i32
      scf.yield %scan3A_76 : i32
    }
    %scan3A_7 = arith.constant 40 : i32
    %broadcast_in_dim3A_8 = arith.constant 1.000000e+00 : f32
    %broadcast_in_dim3A_9 = vector.broadcast %broadcast_in_dim3A_8 : f32 to vector<16xf32>
    %swap3A = arith.constant 0 : index
    %swap3A_10 = tpu.vector_load %arg10[%swap3A] {strides = array<i32>} : memref<128xf32, #tpu.memory_space<vmem>>, vector<16xf32>,
    tpu.vector_store %arg10[%swap3A], %broadcast_in_dim3A_9 {strides = array<i32>} : memref<128xf32, #tpu.memory_space<vmem>>, vector<16xf32>,
    %swap3A_11 = arith.constant 16 : index
    %swap3A_12 = tpu.vector_load %arg10[%swap3A_11] {strides = array<i32>} : memref<128xf32, #tpu.memory_space<vmem>>, vector<16xf32>,
    tpu.vector_store %arg10[%swap3A_11], %broadcast_in_dim3A_9 {strides = array<i32>} : memref<128xf32, #tpu.memory_space<vmem>>, vector<16xf32>,
    %swap3A_13 = arith.constant 32 : index
    %swap3A_14 = tpu.vector_load %arg10[%swap3A_13] {strides = array<i32>} : memref<128xf32, #tpu.memory_space<vmem>>, vector<16xf32>,
    tpu.vector_store %arg10[%swap3A_13], %broadcast_in_dim3A_9 {strides = array<i32>} : memref<128xf32, #tpu.memory_space<vmem>>, vector<16xf32>,
    %swap3A_15 = arith.constant 48 : index
    %swap3A_16 = tpu.vector_load %arg10[%swap3A_15] {strides = array<i32>} : memref<128xf32, #tpu.memory_space<vmem>>, vector<16xf32>,
    tpu.vector_store %arg10[%swap3A_15], %broadcast_in_dim3A_9 {strides = array<i32>} : memref<128xf32, #tpu.memory_space<vmem>>, vector<16xf32>,
    %swap3A_17 = arith.constant 64 : index
    %swap3A_18 = tpu.vector_load %arg10[%swap3A_17] {strides = array<i32>} : memref<128xf32, #tpu.memory_space<vmem>>, vector<16xf32>,
    tpu.vector_store %arg10[%swap3A_17], %broadcast_in_dim3A_9 {strides = array<i32>} : memref<128xf32, #tpu.memory_space<vmem>>, vector<16xf32>,
    %swap3A_19 = arith.constant 80 : index
    %swap3A_20 = tpu.vector_load %arg10[%swap3A_19] {strides = array<i32>} : memref<128xf32, #tpu.memory_space<vmem>>, vector<16xf32>,
    tpu.vector_store %arg10[%swap3A_19], %broadcast_in_dim3A_9 {strides = array<i32>} : memref<128xf32, #tpu.memory_space<vmem>>, vector<16xf32>,
    %swap3A_21 = arith.constant 96 : index
    %swap3A_22 = tpu.vector_load %arg10[%swap3A_21] {strides = array<i32>} : memref<128xf32, #tpu.memory_space<vmem>>, vector<16xf32>,
    tpu.vector_store %arg10[%swap3A_21], %broadcast_in_dim3A_9 {strides = array<i32>} : memref<128xf32, #tpu.memory_space<vmem>>, vector<16xf32>,
    %swap3A_23 = arith.constant 112 : index
    %swap3A_24 = tpu.vector_load %arg10[%swap3A_23] {strides = array<i32>} : memref<128xf32, #tpu.memory_space<vmem>>, vector<16xf32>,
    tpu.vector_store %arg10[%swap3A_23], %broadcast_in_dim3A_9 {strides = array<i32>} : memref<128xf32, #tpu.memory_space<vmem>>, vector<16xf32>,
    %mul3A_25 = arith.constant 640 : i32
    %mul3A_26 = arith.muli %arg1, %mul3A_25 : i32
    "tpu.region"() ({
      %run_scoped3A = tpu.sem_alloc : memref<!tpu.dma_semaphore, #tpu.memory_space<semaphore_mem>>
      %dma_start3A_70 = tpu.memref_slice %arg6[%mul3A_26] : memref<10240xf32, #tpu.memory_space<vmem_shared>> -> memref<640xf32, #tpu.memory_space<vmem_shared>>
      %dma_start3A_71 = tpu.memref_slice %arg6[%mul3A_26] : memref<10240xf32, #tpu.memory_space<vmem_shared>> -> memref<640xf32, #tpu.memory_space<vmem_shared>>
      tpu.enqueue_dma source(%arg11 : memref<640xf32, #tpu.memory_space<vmem>>) target(%dma_start3A_71 : memref<640xf32, #tpu.memory_space<vmem_shared>>) target_semaphore(%run_scoped3A : memref<!tpu.dma_semaphore, #tpu.memory_space<semaphore_mem>>)
      %dma_wait3A_72 = tpu.memref_slice %arg6[%mul3A_26] : memref<10240xf32, #tpu.memory_space<vmem_shared>> -> memref<640xf32, #tpu.memory_space<vmem_shared>>
      %dma_wait3A_73 = tpu.memref_slice %arg6[%mul3A_26] : memref<10240xf32, #tpu.memory_space<vmem_shared>> -> memref<640xf32, #tpu.memory_space<vmem_shared>>
      tpu.wait_dma2 semaphore(%run_scoped3A : memref<!tpu.dma_semaphore, #tpu.memory_space<semaphore_mem>>) src(%arg11 : memref<640xf32, #tpu.memory_space<vmem>>) dst(%dma_wait3A_73 : memref<640xf32, #tpu.memory_space<vmem_shared>>)
      tpu.yield
    }) : () -> ()
    %eq3A = arith.constant 0 : i32
    %eq3A_27 = arith.cmpi eq, %arg1, %eq3A : i32
    %convert_element_type3A = arith.extui %eq3A_27 : i1 to i32
    %cond3A = arith.constant 0 : i32
    %cond3A_28 = arith.cmpi ne, %convert_element_type3A, %cond3A : i32
    scf.if %cond3A_28 {
      "tpu.region"() ({
        %run_scoped3A = tpu.sem_alloc : memref<!tpu.dma_semaphore, #tpu.memory_space<semaphore_mem>>
        %dma_start3A_70 = arith.constant 0 : i32
        %dma_start3A_71 = tpu.memref_slice %arg11[%dma_start3A_70] : memref<640xf32, #tpu.memory_space<vmem>> -> memref<128xf32, #tpu.memory_space<vmem>>
        %dma_start3A_72 = arith.constant 0 : i32
        %dma_start3A_73 = tpu.memref_slice %arg11[%dma_start3A_72] : memref<640xf32, #tpu.memory_space<vmem>> -> memref<128xf32, #tpu.memory_space<vmem>>
        tpu.enqueue_dma source(%dma_start3A_73 : memref<128xf32, #tpu.memory_space<vmem>>) target(%arg7 : memref<128xf32, #tpu.memory_space<vmem_shared>>) target_semaphore(%run_scoped3A : memref<!tpu.dma_semaphore, #tpu.memory_space<semaphore_mem>>)
        %dma_wait3A_74 = arith.constant 0 : i32
        %dma_wait3A_75 = tpu.memref_slice %arg11[%dma_wait3A_74] : memref<640xf32, #tpu.memory_space<vmem>> -> memref<128xf32, #tpu.memory_space<vmem>>
        %dma_wait3A_76 = arith.constant 0 : i32
        %dma_wait3A_77 = tpu.memref_slice %arg11[%dma_wait3A_76] : memref<640xf32, #tpu.memory_space<vmem>> -> memref<128xf32, #tpu.memory_space<vmem>>
        tpu.wait_dma2 semaphore(%run_scoped3A : memref<!tpu.dma_semaphore, #tpu.memory_space<semaphore_mem>>) src(%dma_wait3A_77 : memref<128xf32, #tpu.memory_space<vmem>>) dst(%arg7 : memref<128xf32, #tpu.memory_space<vmem_shared>>)
        tpu.yield
      }) : () -> ()
    } else {
    }
    %barrier3A = arith.constant 0 : index
    tpu.barrier barrier_id(%barrier3A)
    %mul3A_29 = arith.constant 81 : i32
    %mul3A_30 = arith.muli %add3A, %mul3A_29 : i32
    %mul3A_31 = arith.constant 128 : i32
    %mul3A_32 = arith.muli %mul3A_30, %mul3A_31 : i32
    %dma_start3A = arith.constant 0 : i32
    %dma_start3A_33 = arith.constant 0 : i32
    %dma_start3A_34 = tpu.memref_slice %arg8[%dma_start3A, %dma_start3A_33] : memref<1x128xi32, #tpu.memory_space<vmem>> -> memref<1x128xi32, #tpu.memory_space<vmem>>
    %dma_start3A_35 = tpu.memref_squeeze %dma_start3A_34 : memref<1x128xi32, #tpu.memory_space<vmem>> -> memref<128xi32, #tpu.memory_space<vmem>>
    %dma_start3A_36 = tpu.memref_slice %arg2[%mul3A_32] : memref<331776xi32, #tpu.memory_space<hbm>> -> memref<128xi32, #tpu.memory_space<hbm>>
    %dma_start3A_37 = arith.constant 0 : i32
    %dma_start3A_38 = tpu.memref_slice %arg8[%dma_start3A, %dma_start3A_37] : memref<1x128xi32, #tpu.memory_space<vmem>> -> memref<1x128xi32, #tpu.memory_space<vmem>>
    %dma_start3A_39 = tpu.memref_squeeze %dma_start3A_38 : memref<1x128xi32, #tpu.memory_space<vmem>> -> memref<128xi32, #tpu.memory_space<vmem>>
    %dma_start3A_40 = tpu.memref_slice %arg2[%mul3A_32] : memref<331776xi32, #tpu.memory_space<hbm>> -> memref<128xi32, #tpu.memory_space<hbm>>
    tpu.enqueue_dma source(%dma_start3A_40 : memref<128xi32, #tpu.memory_space<hbm>>) target(%dma_start3A_39 : memref<128xi32, #tpu.memory_space<vmem>>) target_semaphore(%arg12 : memref<!tpu.dma_semaphore, #tpu.memory_space<semaphore_mem>>)
    %scan3A_41 = arith.constant 0 : i32
    %scan3A_42 = arith.constant 0 : i32
    %scan3A_43 = arith.constant 81 : i32
    %scan3A_44 = arith.addi %scan3A_42, %scan3A_43 : i32
    %scan3A_45 = arith.constant 1 : i32
    %scan3A_46 = scf.for %scan3A_70 = %scan3A_42 to %scan3A_44 step %scan3A_45 iter_args(%scan3A_71 = %scan3A_41) -> (i32)  : i32 {
      %rem3A = arith.constant 2 : i32
      %rem3A_72 = arith.remsi %scan3A_70, %rem3A : i32
      %eq3A_73 = arith.constant 0 : i32
      %eq3A_74 = arith.cmpi eq, %rem3A_72, %eq3A_73 : i32
      %convert_element_type3A_75 = arith.extui %eq3A_74 : i1 to i32
      %cond3A_76 = arith.constant 0 : i32
      %cond3A_77 = arith.cmpi ne, %convert_element_type3A_75, %cond3A_76 : i32
      scf.if %cond3A_77 {
        %mul3A_86 = arith.constant 128 : i32
        %mul3A_87 = arith.muli %scan3A_70, %mul3A_86 : i32
        %add3A_88 = arith.addi %mul3A_32, %mul3A_87 : i32
        %dma_wait3A_89 = arith.constant 0 : i32
        %dma_wait3A_90 = arith.constant 0 : i32
        %dma_wait3A_91 = tpu.memref_slice %arg8[%dma_wait3A_89, %dma_wait3A_90] : memref<1x128xi32, #tpu.memory_space<vmem>> -> memref<1x128xi32, #tpu.memory_space<vmem>>
        %dma_wait3A_92 = tpu.memref_squeeze %dma_wait3A_91 : memref<1x128xi32, #tpu.memory_space<vmem>> -> memref<128xi32, #tpu.memory_space<vmem>>
        %dma_wait3A_93 = tpu.memref_slice %arg2[%add3A_88] : memref<331776xi32, #tpu.memory_space<hbm>> -> memref<128xi32, #tpu.memory_space<hbm>>
        %dma_wait3A_94 = arith.constant 0 : i32
        %dma_wait3A_95 = tpu.memref_slice %arg8[%dma_wait3A_89, %dma_wait3A_94] : memref<1x128xi32, #tpu.memory_space<vmem>> -> memref<1x128xi32, #tpu.memory_space<vmem>>
        %dma_wait3A_96 = tpu.memref_squeeze %dma_wait3A_95 : memref<1x128xi32, #tpu.memory_space<vmem>> -> memref<128xi32, #tpu.memory_space<vmem>>
        %dma_wait3A_97 = tpu.memref_slice %arg2[%add3A_88] : memref<331776xi32, #tpu.memory_space<hbm>> -> memref<128xi32, #tpu.memory_space<hbm>>
        tpu.wait_dma2 semaphore(%arg12 : memref<!tpu.dma_semaphore, #tpu.memory_space<semaphore_mem>>) src(%dma_wait3A_97 : memref<128xi32, #tpu.memory_space<hbm>>) dst(%dma_wait3A_96 : memref<128xi32, #tpu.memory_space<vmem>>)
        %dma_start3A_98 = arith.constant 0 : i32
        %dma_start3A_99 = arith.constant 0 : i32
        %dma_start3A_100 = tpu.memref_slice %arg8[%dma_start3A_98, %dma_start3A_99] : memref<1x128xi32, #tpu.memory_space<vmem>> -> memref<1x128xi32, #tpu.memory_space<vmem>>
        %dma_start3A_101 = tpu.memref_squeeze %dma_start3A_100 : memref<1x128xi32, #tpu.memory_space<vmem>> -> memref<128xi32, #tpu.memory_space<vmem>>
        %dma_start3A_102 = arith.constant 0 : i32
        %dma_start3A_103 = tpu.memref_slice %arg6[%dma_start3A_102] : memref<10240xf32, #tpu.memory_space<vmem_shared>> -> memref<10240xf32, #tpu.memory_space<vmem_shared>>
        tpu.enqueue_indirect_dma source(%arg10 : memref<128xf32, #tpu.memory_space<vmem>>) target(%dma_start3A_103 : memref<10240xf32, #tpu.memory_space<vmem_shared>>) offsets(%dma_start3A_101 : memref<128xi32, #tpu.memory_space<vmem>>) semaphore(%arg14 : memref<!tpu.dma_semaphore, #tpu.memory_space<semaphore_mem>>) {add = true}
        %ge3A = arith.constant 1 : i32
        %ge3A_104 = arith.cmpi sge, %scan3A_70, %ge3A : i32
        %convert_element_type3A_105 = arith.extui %ge3A_104 : i1 to i32
        %cond3A_106 = arith.constant 0 : i32
        %cond3A_107 = arith.cmpi ne, %convert_element_type3A_105, %cond3A_106 : i32
        scf.if %cond3A_107 {
          %dma_wait3A_114 = arith.constant 0 : i32
          %dma_wait3A_115 = arith.constant 0 : i32
          %dma_wait3A_116 = tpu.memref_slice %arg9[%dma_wait3A_114, %dma_wait3A_115] : memref<1x128xi32, #tpu.memory_space<vmem>> -> memref<1x128xi32, #tpu.memory_space<vmem>>
          %dma_wait3A_117 = tpu.memref_squeeze %dma_wait3A_116 : memref<1x128xi32, #tpu.memory_space<vmem>> -> memref<128xi32, #tpu.memory_space<vmem>>
          %dma_wait3A_118 = arith.constant 0 : i32
          %dma_wait3A_119 = tpu.memref_slice %arg6[%dma_wait3A_118] : memref<10240xf32, #tpu.memory_space<vmem_shared>> -> memref<10240xf32, #tpu.memory_space<vmem_shared>>
          tpu.wait_indirect_dma semaphore(%arg15 : memref<!tpu.dma_semaphore, #tpu.memory_space<semaphore_mem>>) src(%arg10 : memref<128xf32, #tpu.memory_space<vmem>>) dst(%dma_wait3A_119 : memref<10240xf32, #tpu.memory_space<vmem_shared>>)
        } else {
        }
        %add3A_108 = arith.constant 1 : i32
        %add3A_109 = arith.addi %scan3A_70, %add3A_108 : i32
        %lt3A = arith.constant 81 : i32
        %lt3A_110 = arith.cmpi slt, %add3A_109, %lt3A : i32
        %convert_element_type3A_111 = arith.extui %lt3A_110 : i1 to i32
        %cond3A_112 = arith.constant 0 : i32
        %cond3A_113 = arith.cmpi ne, %convert_element_type3A_111, %cond3A_112 : i32
        scf.if %cond3A_113 {
          %add3A_114 = arith.constant 1 : i32
          %add3A_115 = arith.addi %scan3A_70, %add3A_114 : i32
          %mul3A_116 = arith.constant 128 : i32
          %mul3A_117 = arith.muli %add3A_115, %mul3A_116 : i32
          %add3A_118 = arith.addi %mul3A_32, %mul3A_117 : i32
          %dma_start3A_119 = arith.constant 0 : i32
          %dma_start3A_120 = arith.constant 0 : i32
          %dma_start3A_121 = tpu.memref_slice %arg9[%dma_start3A_119, %dma_start3A_120] : memref<1x128xi32, #tpu.memory_space<vmem>> -> memref<1x128xi32, #tpu.memory_space<vmem>>
          %dma_start3A_122 = tpu.memref_squeeze %dma_start3A_121 : memref<1x128xi32, #tpu.memory_space<vmem>> -> memref<128xi32, #tpu.memory_space<vmem>>
          %dma_start3A_123 = tpu.memref_slice %arg2[%add3A_118] : memref<331776xi32, #tpu.memory_space<hbm>> -> memref<128xi32, #tpu.memory_space<hbm>>
          %dma_start3A_124 = arith.constant 0 : i32
          %dma_start3A_125 = tpu.memref_slice %arg9[%dma_start3A_119, %dma_start3A_124] : memref<1x128xi32, #tpu.memory_space<vmem>> -> memref<1x128xi32, #tpu.memory_space<vmem>>
          %dma_start3A_126 = tpu.memref_squeeze %dma_start3A_125 : memref<1x128xi32, #tpu.memory_space<vmem>> -> memref<128xi32, #tpu.memory_space<vmem>>
          %dma_start3A_127 = tpu.memref_slice %arg2[%add3A_118] : memref<331776xi32, #tpu.memory_space<hbm>> -> memref<128xi32, #tpu.memory_space<hbm>>
          tpu.enqueue_dma source(%dma_start3A_127 : memref<128xi32, #tpu.memory_space<hbm>>) target(%dma_start3A_126 : memref<128xi32, #tpu.memory_space<vmem>>) target_semaphore(%arg13 : memref<!tpu.dma_semaphore, #tpu.memory_space<semaphore_mem>>)
        } else {
        }
      } else {
      }
      %rem3A_78 = arith.constant 2 : i32
      %rem3A_79 = arith.remsi %scan3A_70, %rem3A_78 : i32
      %eq3A_80 = arith.constant 1 : i32
      %eq3A_81 = arith.cmpi eq, %rem3A_79, %eq3A_80 : i32
      %convert_element_type3A_82 = arith.extui %eq3A_81 : i1 to i32
      %cond3A_83 = arith.constant 0 : i32
      %cond3A_84 = arith.cmpi ne, %convert_element_type3A_82, %cond3A_83 : i32
      scf.if %cond3A_84 {
        %mul3A_86 = arith.constant 128 : i32
        %mul3A_87 = arith.muli %scan3A_70, %mul3A_86 : i32
        %add3A_88 = arith.addi %mul3A_32, %mul3A_87 : i32
        %dma_wait3A_89 = arith.constant 0 : i32
        %dma_wait3A_90 = arith.constant 0 : i32
        %dma_wait3A_91 = tpu.memref_slice %arg9[%dma_wait3A_89, %dma_wait3A_90] : memref<1x128xi32, #tpu.memory_space<vmem>> -> memref<1x128xi32, #tpu.memory_space<vmem>>
        %dma_wait3A_92 = tpu.memref_squeeze %dma_wait3A_91 : memref<1x128xi32, #tpu.memory_space<vmem>> -> memref<128xi32, #tpu.memory_space<vmem>>
        %dma_wait3A_93 = tpu.memref_slice %arg2[%add3A_88] : memref<331776xi32, #tpu.memory_space<hbm>> -> memref<128xi32, #tpu.memory_space<hbm>>
        %dma_wait3A_94 = arith.constant 0 : i32
        %dma_wait3A_95 = tpu.memref_slice %arg9[%dma_wait3A_89, %dma_wait3A_94] : memref<1x128xi32, #tpu.memory_space<vmem>> -> memref<1x128xi32, #tpu.memory_space<vmem>>
        %dma_wait3A_96 = tpu.memref_squeeze %dma_wait3A_95 : memref<1x128xi32, #tpu.memory_space<vmem>> -> memref<128xi32, #tpu.memory_space<vmem>>
        %dma_wait3A_97 = tpu.memref_slice %arg2[%add3A_88] : memref<331776xi32, #tpu.memory_space<hbm>> -> memref<128xi32, #tpu.memory_space<hbm>>
        tpu.wait_dma2 semaphore(%arg13 : memref<!tpu.dma_semaphore, #tpu.memory_space<semaphore_mem>>) src(%dma_wait3A_97 : memref<128xi32, #tpu.memory_space<hbm>>) dst(%dma_wait3A_96 : memref<128xi32, #tpu.memory_space<vmem>>)
        %dma_start3A_98 = arith.constant 0 : i32
        %dma_start3A_99 = arith.constant 0 : i32
        %dma_start3A_100 = tpu.memref_slice %arg9[%dma_start3A_98, %dma_start3A_99] : memref<1x128xi32, #tpu.memory_space<vmem>> -> memref<1x128xi32, #tpu.memory_space<vmem>>
        %dma_start3A_101 = tpu.memref_squeeze %dma_start3A_100 : memref<1x128xi32, #tpu.memory_space<vmem>> -> memref<128xi32, #tpu.memory_space<vmem>>
        %dma_start3A_102 = arith.constant 0 : i32
        %dma_start3A_103 = tpu.memref_slice %arg6[%dma_start3A_102] : memref<10240xf32, #tpu.memory_space<vmem_shared>> -> memref<10240xf32, #tpu.memory_space<vmem_shared>>
        tpu.enqueue_indirect_dma source(%arg10 : memref<128xf32, #tpu.memory_space<vmem>>) target(%dma_start3A_103 : memref<10240xf32, #tpu.memory_space<vmem_shared>>) offsets(%dma_start3A_101 : memref<128xi32, #tpu.memory_space<vmem>>) semaphore(%arg15 : memref<!tpu.dma_semaphore, #tpu.memory_space<semaphore_mem>>) {add = true}
        %ge3A = arith.constant 1 : i32
        %ge3A_104 = arith.cmpi sge, %scan3A_70, %ge3A : i32
        %convert_element_type3A_105 = arith.extui %ge3A_104 : i1 to i32
        %cond3A_106 = arith.constant 0 : i32
        %cond3A_107 = arith.cmpi ne, %convert_element_type3A_105, %cond3A_106 : i32
        scf.if %cond3A_107 {
          %dma_wait3A_114 = arith.constant 0 : i32
          %dma_wait3A_115 = arith.constant 0 : i32
          %dma_wait3A_116 = tpu.memref_slice %arg8[%dma_wait3A_114, %dma_wait3A_115] : memref<1x128xi32, #tpu.memory_space<vmem>> -> memref<1x128xi32, #tpu.memory_space<vmem>>
          %dma_wait3A_117 = tpu.memref_squeeze %dma_wait3A_116 : memref<1x128xi32, #tpu.memory_space<vmem>> -> memref<128xi32, #tpu.memory_space<vmem>>
          %dma_wait3A_118 = arith.constant 0 : i32
          %dma_wait3A_119 = tpu.memref_slice %arg6[%dma_wait3A_118] : memref<10240xf32, #tpu.memory_space<vmem_shared>> -> memref<10240xf32, #tpu.memory_space<vmem_shared>>
          tpu.wait_indirect_dma semaphore(%arg14 : memref<!tpu.dma_semaphore, #tpu.memory_space<semaphore_mem>>) src(%arg10 : memref<128xf32, #tpu.memory_space<vmem>>) dst(%dma_wait3A_119 : memref<10240xf32, #tpu.memory_space<vmem_shared>>)
        } else {
        }
        %add3A_108 = arith.constant 1 : i32
        %add3A_109 = arith.addi %scan3A_70, %add3A_108 : i32
        %lt3A = arith.constant 81 : i32
        %lt3A_110 = arith.cmpi slt, %add3A_109, %lt3A : i32
        %convert_element_type3A_111 = arith.extui %lt3A_110 : i1 to i32
        %cond3A_112 = arith.constant 0 : i32
        %cond3A_113 = arith.cmpi ne, %convert_element_type3A_111, %cond3A_112 : i32
        scf.if %cond3A_113 {
          %add3A_114 = arith.constant 1 : i32
          %add3A_115 = arith.addi %scan3A_70, %add3A_114 : i32
          %mul3A_116 = arith.constant 128 : i32
          %mul3A_117 = arith.muli %add3A_115, %mul3A_116 : i32
          %add3A_118 = arith.addi %mul3A_32, %mul3A_117 : i32
          %dma_start3A_119 = arith.constant 0 : i32
          %dma_start3A_120 = arith.constant 0 : i32
          %dma_start3A_121 = tpu.memref_slice %arg8[%dma_start3A_119, %dma_start3A_120] : memref<1x128xi32, #tpu.memory_space<vmem>> -> memref<1x128xi32, #tpu.memory_space<vmem>>
          %dma_start3A_122 = tpu.memref_squeeze %dma_start3A_121 : memref<1x128xi32, #tpu.memory_space<vmem>> -> memref<128xi32, #tpu.memory_space<vmem>>
          %dma_start3A_123 = tpu.memref_slice %arg2[%add3A_118] : memref<331776xi32, #tpu.memory_space<hbm>> -> memref<128xi32, #tpu.memory_space<hbm>>
          %dma_start3A_124 = arith.constant 0 : i32
          %dma_start3A_125 = tpu.memref_slice %arg8[%dma_start3A_119, %dma_start3A_124] : memref<1x128xi32, #tpu.memory_space<vmem>> -> memref<1x128xi32, #tpu.memory_space<vmem>>
          %dma_start3A_126 = tpu.memref_squeeze %dma_start3A_125 : memref<1x128xi32, #tpu.memory_space<vmem>> -> memref<128xi32, #tpu.memory_space<vmem>>
          %dma_start3A_127 = tpu.memref_slice %arg2[%add3A_118] : memref<331776xi32, #tpu.memory_space<hbm>> -> memref<128xi32, #tpu.memory_space<hbm>>
          tpu.enqueue_dma source(%dma_start3A_127 : memref<128xi32, #tpu.memory_space<hbm>>) target(%dma_start3A_126 : memref<128xi32, #tpu.memory_space<vmem>>) target_semaphore(%arg12 : memref<!tpu.dma_semaphore, #tpu.memory_space<semaphore_mem>>)
        } else {
        }
      } else {
      }
      %scan3A_85 = arith.constant 0 : i32
      scf.yield %scan3A_85 : i32
    }
    %scan3A_47 = arith.constant 81 : i32
    %dma_wait3A = arith.constant 0 : i32
    %dma_wait3A_48 = arith.constant 0 : i32
    %dma_wait3A_49 = tpu.memref_slice %arg8[%dma_wait3A, %dma_wait3A_48] : memref<1x128xi32, #tpu.memory_space<vmem>> -> memref<1x128xi32, #tpu.memory_space<vmem>>
    %dma_wait3A_50 = tpu.memref_squeeze %dma_wait3A_49 : memref<1x128xi32, #tpu.memory_space<vmem>> -> memref<128xi32, #tpu.memory_space<vmem>>
    %dma_wait3A_51 = arith.constant 0 : i32
    %dma_wait3A_52 = tpu.memref_slice %arg6[%dma_wait3A_51] : memref<10240xf32, #tpu.memory_space<vmem_shared>> -> memref<10240xf32, #tpu.memory_space<vmem_shared>>
    tpu.wait_indirect_dma semaphore(%arg14 : memref<!tpu.dma_semaphore, #tpu.memory_space<semaphore_mem>>) src(%arg10 : memref<128xf32, #tpu.memory_space<vmem>>) dst(%dma_wait3A_52 : memref<10240xf32, #tpu.memory_space<vmem_shared>>)
    %scan3A_53 = arith.constant 0 : i32
    %scan3A_54 = arith.constant 0 : i32
    %scan3A_55 = arith.constant 3 : i32
    %scan3A_56 = arith.addi %scan3A_54, %scan3A_55 : i32
    %scan3A_57 = arith.constant 1 : i32
    %scan3A_58 = scf.for %scan3A_70 = %scan3A_54 to %scan3A_56 step %scan3A_57 iter_args(%scan3A_71 = %scan3A_53) -> (i32)  : i32 {
      %mul3A_72 = arith.constant 32 : i32
      %mul3A_73 = arith.muli %scan3A_70, %mul3A_72 : i32
      %add3A_74 = arith.addi %add3A, %mul3A_73 : i32
      %lt3A = arith.constant 80 : i32
      %lt3A_75 = arith.cmpi slt, %add3A_74, %lt3A : i32
      %convert_element_type3A_76 = arith.extui %lt3A_75 : i1 to i32
      %cond3A_77 = arith.constant 0 : i32
      %cond3A_78 = arith.cmpi ne, %convert_element_type3A_76, %cond3A_77 : i32
      scf.if %cond3A_78 {
        %mul3A_80 = arith.constant 128 : i32
        %mul3A_81 = arith.muli %add3A_74, %mul3A_80 : i32
        %run_scoped3A = arith.constant 0 : i32
        "tpu.region"() ({
          %run_scoped3A_83 = tpu.sem_alloc : memref<!tpu.dma_semaphore, #tpu.memory_space<semaphore_mem>>
          %dma_start3A_84 = arith.constant 0 : i32
          %dma_start3A_85 = tpu.memref_slice %arg8[%run_scoped3A, %dma_start3A_84] : memref<1x128xi32, #tpu.memory_space<vmem>> -> memref<1x128xi32, #tpu.memory_space<vmem>>
          %dma_start3A_86 = tpu.memref_squeeze %dma_start3A_85 : memref<1x128xi32, #tpu.memory_space<vmem>> -> memref<128xi32, #tpu.memory_space<vmem>>
          %dma_start3A_87 = tpu.memref_slice %arg3[%mul3A_81] : memref<10240xi32, #tpu.memory_space<hbm>> -> memref<128xi32, #tpu.memory_space<hbm>>
          %dma_start3A_88 = arith.constant 0 : i32
          %dma_start3A_89 = tpu.memref_slice %arg8[%run_scoped3A, %dma_start3A_88] : memref<1x128xi32, #tpu.memory_space<vmem>> -> memref<1x128xi32, #tpu.memory_space<vmem>>
          %dma_start3A_90 = tpu.memref_squeeze %dma_start3A_89 : memref<1x128xi32, #tpu.memory_space<vmem>> -> memref<128xi32, #tpu.memory_space<vmem>>
          %dma_start3A_91 = tpu.memref_slice %arg3[%mul3A_81] : memref<10240xi32, #tpu.memory_space<hbm>> -> memref<128xi32, #tpu.memory_space<hbm>>
          tpu.enqueue_dma source(%dma_start3A_91 : memref<128xi32, #tpu.memory_space<hbm>>) target(%dma_start3A_90 : memref<128xi32, #tpu.memory_space<vmem>>) target_semaphore(%run_scoped3A_83 : memref<!tpu.dma_semaphore, #tpu.memory_space<semaphore_mem>>)
          %dma_wait3A_92 = arith.constant 0 : i32
          %dma_wait3A_93 = tpu.memref_slice %arg8[%run_scoped3A, %dma_wait3A_92] : memref<1x128xi32, #tpu.memory_space<vmem>> -> memref<1x128xi32, #tpu.memory_space<vmem>>
          %dma_wait3A_94 = tpu.memref_squeeze %dma_wait3A_93 : memref<1x128xi32, #tpu.memory_space<vmem>> -> memref<128xi32, #tpu.memory_space<vmem>>
          %dma_wait3A_95 = tpu.memref_slice %arg3[%mul3A_81] : memref<10240xi32, #tpu.memory_space<hbm>> -> memref<128xi32, #tpu.memory_space<hbm>>
          %dma_wait3A_96 = arith.constant 0 : i32
          %dma_wait3A_97 = tpu.memref_slice %arg8[%run_scoped3A, %dma_wait3A_96] : memref<1x128xi32, #tpu.memory_space<vmem>> -> memref<1x128xi32, #tpu.memory_space<vmem>>
          %dma_wait3A_98 = tpu.memref_squeeze %dma_wait3A_97 : memref<1x128xi32, #tpu.memory_space<vmem>> -> memref<128xi32, #tpu.memory_space<vmem>>
          %dma_wait3A_99 = tpu.memref_slice %arg3[%mul3A_81] : memref<10240xi32, #tpu.memory_space<hbm>> -> memref<128xi32, #tpu.memory_space<hbm>>
          tpu.wait_dma2 semaphore(%run_scoped3A_83 : memref<!tpu.dma_semaphore, #tpu.memory_space<semaphore_mem>>) src(%dma_wait3A_99 : memref<128xi32, #tpu.memory_space<hbm>>) dst(%dma_wait3A_98 : memref<128xi32, #tpu.memory_space<vmem>>)
          tpu.yield
        }) : () -> ()
        %run_scoped3A_82 = arith.constant 0 : i32
        "tpu.region"() ({
          %run_scoped3A_83 = tpu.sem_alloc : memref<!tpu.dma_semaphore, #tpu.memory_space<semaphore_mem>>
          %dma_start3A_84 = arith.constant 0 : i32
          %dma_start3A_85 = tpu.memref_slice %arg8[%run_scoped3A_82, %dma_start3A_84] : memref<1x128xi32, #tpu.memory_space<vmem>> -> memref<1x128xi32, #tpu.memory_space<vmem>>
          %dma_start3A_86 = tpu.memref_squeeze %dma_start3A_85 : memref<1x128xi32, #tpu.memory_space<vmem>> -> memref<128xi32, #tpu.memory_space<vmem>>
          %dma_start3A_87 = arith.constant 0 : i32
          %dma_start3A_88 = tpu.memref_slice %arg7[%dma_start3A_87] : memref<128xf32, #tpu.memory_space<vmem_shared>> -> memref<128xf32, #tpu.memory_space<vmem_shared>>
          tpu.enqueue_indirect_dma source(%arg10 : memref<128xf32, #tpu.memory_space<vmem>>) target(%dma_start3A_88 : memref<128xf32, #tpu.memory_space<vmem_shared>>) offsets(%dma_start3A_86 : memref<128xi32, #tpu.memory_space<vmem>>) semaphore(%run_scoped3A_83 : memref<!tpu.dma_semaphore, #tpu.memory_space<semaphore_mem>>) {add = true}
          %dma_wait3A_89 = arith.constant 0 : i32
          %dma_wait3A_90 = tpu.memref_slice %arg8[%run_scoped3A_82, %dma_wait3A_89] : memref<1x128xi32, #tpu.memory_space<vmem>> -> memref<1x128xi32, #tpu.memory_space<vmem>>
          %dma_wait3A_91 = tpu.memref_squeeze %dma_wait3A_90 : memref<1x128xi32, #tpu.memory_space<vmem>> -> memref<128xi32, #tpu.memory_space<vmem>>
          %dma_wait3A_92 = arith.constant 0 : i32
          %dma_wait3A_93 = tpu.memref_slice %arg7[%dma_wait3A_92] : memref<128xf32, #tpu.memory_space<vmem_shared>> -> memref<128xf32, #tpu.memory_space<vmem_shared>>
          tpu.wait_indirect_dma semaphore(%run_scoped3A_83 : memref<!tpu.dma_semaphore, #tpu.memory_space<semaphore_mem>>) src(%arg10 : memref<128xf32, #tpu.memory_space<vmem>>) dst(%dma_wait3A_93 : memref<128xf32, #tpu.memory_space<vmem_shared>>)
          tpu.yield
        }) : () -> ()
      } else {
      }
      %scan3A_79 = arith.constant 0 : i32
      scf.yield %scan3A_79 : i32
    }
    %scan3A_59 = arith.constant 3 : i32
    %barrier3A_60 = arith.constant 0 : index
    tpu.barrier barrier_id(%barrier3A_60)
    %mul3A_61 = arith.constant 640 : i32
    %mul3A_62 = arith.muli %arg1, %mul3A_61 : i32
    %mul3A_63 = arith.constant 640 : i32
    %mul3A_64 = arith.muli %arg1, %mul3A_63 : i32
    "tpu.region"() ({
      %run_scoped3A = tpu.sem_alloc : memref<!tpu.dma_semaphore, #tpu.memory_space<semaphore_mem>>
      %dma_start3A_70 = tpu.memref_slice %arg4[%arg0, %mul3A_64] : memref<2x10240xf32, #tpu.memory_space<hbm>> -> memref<1x640xf32, #tpu.memory_space<hbm>>
      %dma_start3A_71 = tpu.memref_squeeze %dma_start3A_70 : memref<1x640xf32, #tpu.memory_space<hbm>> -> memref<640xf32, #tpu.memory_space<hbm>>
      %dma_start3A_72 = tpu.memref_slice %arg6[%mul3A_62] : memref<10240xf32, #tpu.memory_space<vmem_shared>> -> memref<640xf32, #tpu.memory_space<vmem_shared>>
      tpu.enqueue_dma source(%dma_start3A_72 : memref<640xf32, #tpu.memory_space<vmem_shared>>) target(%dma_start3A_71 : memref<640xf32, #tpu.memory_space<hbm>>) target_semaphore(%run_scoped3A : memref<!tpu.dma_semaphore, #tpu.memory_space<semaphore_mem>>)
      %dma_wait3A_73 = tpu.memref_slice %arg4[%arg0, %mul3A_64] : memref<2x10240xf32, #tpu.memory_space<hbm>> -> memref<1x640xf32, #tpu.memory_space<hbm>>
      %dma_wait3A_74 = tpu.memref_squeeze %dma_wait3A_73 : memref<1x640xf32, #tpu.memory_space<hbm>> -> memref<640xf32, #tpu.memory_space<hbm>>
      %dma_wait3A_75 = tpu.memref_slice %arg6[%mul3A_62] : memref<10240xf32, #tpu.memory_space<vmem_shared>> -> memref<640xf32, #tpu.memory_space<vmem_shared>>
      tpu.wait_dma2 semaphore(%run_scoped3A : memref<!tpu.dma_semaphore, #tpu.memory_space<semaphore_mem>>) src(%dma_wait3A_75 : memref<640xf32, #tpu.memory_space<vmem_shared>>) dst(%dma_wait3A_74 : memref<640xf32, #tpu.memory_space<hbm>>)
      tpu.yield
    }) : () -> ()
    %eq3A_65 = arith.constant 0 : i32
    %eq3A_66 = arith.cmpi eq, %arg1, %eq3A_65 : i32
    %convert_element_type3A_67 = arith.extui %eq3A_66 : i1 to i32
    %cond3A_68 = arith.constant 0 : i32
    %cond3A_69 = arith.cmpi ne, %convert_element_type3A_67, %cond3A_68 : i32
    scf.if %cond3A_69 {
      "tpu.region"() ({
        %run_scoped3A = tpu.sem_alloc : memref<!tpu.dma_semaphore, #tpu.memory_space<semaphore_mem>>
        %dma_start3A_70 = arith.constant 0 : i32
        %dma_start3A_71 = tpu.memref_slice %arg5[%arg0, %dma_start3A_70] : memref<2x128xf32, #tpu.memory_space<hbm>> -> memref<1x128xf32, #tpu.memory_space<hbm>>
        %dma_start3A_72 = tpu.memref_squeeze %dma_start3A_71 : memref<1x128xf32, #tpu.memory_space<hbm>> -> memref<128xf32, #tpu.memory_space<hbm>>
        tpu.enqueue_dma source(%arg7 : memref<128xf32, #tpu.memory_space<vmem_shared>>) target(%dma_start3A_72 : memref<128xf32, #tpu.memory_space<hbm>>) target_semaphore(%run_scoped3A : memref<!tpu.dma_semaphore, #tpu.memory_space<semaphore_mem>>)
        %dma_wait3A_73 = arith.constant 0 : i32
        %dma_wait3A_74 = tpu.memref_slice %arg5[%arg0, %dma_wait3A_73] : memref<2x128xf32, #tpu.memory_space<hbm>> -> memref<1x128xf32, #tpu.memory_space<hbm>>
        %dma_wait3A_75 = tpu.memref_squeeze %dma_wait3A_74 : memref<1x128xf32, #tpu.memory_space<hbm>> -> memref<128xf32, #tpu.memory_space<hbm>>
        tpu.wait_dma2 semaphore(%run_scoped3A : memref<!tpu.dma_semaphore, #tpu.memory_space<semaphore_mem>>) src(%arg7 : memref<128xf32, #tpu.memory_space<vmem_shared>>) dst(%dma_wait3A_75 : memref<128xf32, #tpu.memory_space<hbm>>)
        tpu.yield
      }) : () -> ()
    } else {
    }
    return
  }
}

#map = affine_map<(d0, d1) -> (0, 0)>
#map1 = affine_map<(d0, d1) -> (0)>
#map2 = affine_map<(d0, d1) -> (0, 0, 0)>
module attributes {stable_mosaic.version = 14 : i64} {
  func.func @_rows_body(%arg0: i32, %arg1: i32, %arg2: memref<10000x128xf32, #tpu.memory_space<hbm>>, %arg3: memref<331776xi32, #tpu.memory_space<hbm>>, %arg4: memref<331776xi32, #tpu.memory_space<hbm>>, %arg5: memref<2x10240x128xf32, #tpu.memory_space<hbm>>, %arg6: memref<10240x128xf32, #tpu.memory_space<vmem_shared>>, %arg7: memref<3456xi32, #tpu.memory_space<vmem>>, %arg8: memref<3456xi32, #tpu.memory_space<vmem>>, %arg9: memref<1x128xi32, #tpu.memory_space<vmem>>, %arg10: memref<128x128xf32, #tpu.memory_space<vmem>>, %arg11: memref<128x128xf32, #tpu.memory_space<vmem>>, %arg12: memref<!tpu.dma_semaphore, #tpu.memory_space<semaphore_mem>>, %arg13: memref<!tpu.dma_semaphore, #tpu.memory_space<semaphore_mem>>) attributes {dimension_semantics = [#tpu.dimension_semantics<core_parallel>, #tpu.dimension_semantics<subcore_parallel>], iteration_bounds = array<i64: 2, 16>, scalar_prefetch = 0 : i64, scratch_operands = 8 : i64, tpu.core_type = #tpu.core_type<sc_vector_subcore>, window_params = [{transform_indices = #map}, {transform_indices = #map1}, {transform_indices = #map1}, {transform_indices = #map2}]} {
    %mul3A = arith.constant 16 : i32
    %mul3A_0 = arith.muli %arg0, %mul3A : i32
    %add3A = arith.addi %mul3A_0, %arg1 : i32
    %scan3A = arith.constant 0 : i32
    %scan3A_1 = arith.constant 0 : i32
    %scan3A_2 = arith.constant 128 : i32
    %scan3A_3 = arith.addi %scan3A_1, %scan3A_2 : i32
    %scan3A_4 = arith.constant 1 : i32
    %scan3A_5 = scf.for %scan3A_43 = %scan3A_1 to %scan3A_3 step %scan3A_4 iter_args(%scan3A_44 = %scan3A) -> (i32)  : i32 {
      %broadcast_in_dim3A = arith.constant 0.000000e+00 : f32
      %broadcast_in_dim3A_45 = vector.broadcast %broadcast_in_dim3A : f32 to vector<16xf32>
      %swap3A = arith.index_cast %scan3A_43 : i32 to index
      %swap3A_46 = arith.constant 0 : index
      %swap3A_47 = tpu.vector_load %arg10[%swap3A, %swap3A_46] {strides = array<i32>} : memref<128x128xf32, #tpu.memory_space<vmem>>, vector<16xf32>,
      tpu.vector_store %arg10[%swap3A, %swap3A_46], %broadcast_in_dim3A_45 {strides = array<i32>} : memref<128x128xf32, #tpu.memory_space<vmem>>, vector<16xf32>,
      %swap3A_48 = arith.index_cast %scan3A_43 : i32 to index
      %swap3A_49 = arith.constant 16 : index
      %swap3A_50 = tpu.vector_load %arg10[%swap3A_48, %swap3A_49] {strides = array<i32>} : memref<128x128xf32, #tpu.memory_space<vmem>>, vector<16xf32>,
      tpu.vector_store %arg10[%swap3A_48, %swap3A_49], %broadcast_in_dim3A_45 {strides = array<i32>} : memref<128x128xf32, #tpu.memory_space<vmem>>, vector<16xf32>,
      %swap3A_51 = arith.index_cast %scan3A_43 : i32 to index
      %swap3A_52 = arith.constant 32 : index
      %swap3A_53 = tpu.vector_load %arg10[%swap3A_51, %swap3A_52] {strides = array<i32>} : memref<128x128xf32, #tpu.memory_space<vmem>>, vector<16xf32>,
      tpu.vector_store %arg10[%swap3A_51, %swap3A_52], %broadcast_in_dim3A_45 {strides = array<i32>} : memref<128x128xf32, #tpu.memory_space<vmem>>, vector<16xf32>,
      %swap3A_54 = arith.index_cast %scan3A_43 : i32 to index
      %swap3A_55 = arith.constant 48 : index
      %swap3A_56 = tpu.vector_load %arg10[%swap3A_54, %swap3A_55] {strides = array<i32>} : memref<128x128xf32, #tpu.memory_space<vmem>>, vector<16xf32>,
      tpu.vector_store %arg10[%swap3A_54, %swap3A_55], %broadcast_in_dim3A_45 {strides = array<i32>} : memref<128x128xf32, #tpu.memory_space<vmem>>, vector<16xf32>,
      %swap3A_57 = arith.index_cast %scan3A_43 : i32 to index
      %swap3A_58 = arith.constant 64 : index
      %swap3A_59 = tpu.vector_load %arg10[%swap3A_57, %swap3A_58] {strides = array<i32>} : memref<128x128xf32, #tpu.memory_space<vmem>>, vector<16xf32>,
      tpu.vector_store %arg10[%swap3A_57, %swap3A_58], %broadcast_in_dim3A_45 {strides = array<i32>} : memref<128x128xf32, #tpu.memory_space<vmem>>, vector<16xf32>,
      %swap3A_60 = arith.index_cast %scan3A_43 : i32 to index
      %swap3A_61 = arith.constant 80 : index
      %swap3A_62 = tpu.vector_load %arg10[%swap3A_60, %swap3A_61] {strides = array<i32>} : memref<128x128xf32, #tpu.memory_space<vmem>>, vector<16xf32>,
      tpu.vector_store %arg10[%swap3A_60, %swap3A_61], %broadcast_in_dim3A_45 {strides = array<i32>} : memref<128x128xf32, #tpu.memory_space<vmem>>, vector<16xf32>,
      %swap3A_63 = arith.index_cast %scan3A_43 : i32 to index
      %swap3A_64 = arith.constant 96 : index
      %swap3A_65 = tpu.vector_load %arg10[%swap3A_63, %swap3A_64] {strides = array<i32>} : memref<128x128xf32, #tpu.memory_space<vmem>>, vector<16xf32>,
      tpu.vector_store %arg10[%swap3A_63, %swap3A_64], %broadcast_in_dim3A_45 {strides = array<i32>} : memref<128x128xf32, #tpu.memory_space<vmem>>, vector<16xf32>,
      %swap3A_66 = arith.index_cast %scan3A_43 : i32 to index
      %swap3A_67 = arith.constant 112 : index
      %swap3A_68 = tpu.vector_load %arg10[%swap3A_66, %swap3A_67] {strides = array<i32>} : memref<128x128xf32, #tpu.memory_space<vmem>>, vector<16xf32>,
      tpu.vector_store %arg10[%swap3A_66, %swap3A_67], %broadcast_in_dim3A_45 {strides = array<i32>} : memref<128x128xf32, #tpu.memory_space<vmem>>, vector<16xf32>,
      %scan3A_69 = arith.constant 0 : i32
      scf.yield %scan3A_69 : i32
    }
    %scan3A_6 = arith.constant 128 : i32
    %mul3A_7 = arith.constant 640 : i32
    %mul3A_8 = arith.muli %arg1, %mul3A_7 : i32
    %add3A_9 = arith.constant 0 : i32
    %add3A_10 = arith.addi %mul3A_8, %add3A_9 : i32
    "tpu.region"() ({
      %run_scoped3A = tpu.sem_alloc : memref<!tpu.dma_semaphore, #tpu.memory_space<semaphore_mem>>
      %dma_start3A = arith.constant 0 : i32
      %dma_start3A_43 = tpu.memref_slice %arg6[%add3A_10, %dma_start3A] : memref<10240x128xf32, #tpu.memory_space<vmem_shared>> -> memref<128x128xf32, #tpu.memory_space<vmem_shared>>
      %dma_start3A_44 = arith.constant 0 : i32
      %dma_start3A_45 = tpu.memref_slice %arg6[%add3A_10, %dma_start3A_44] : memref<10240x128xf32, #tpu.memory_space<vmem_shared>> -> memref<128x128xf32, #tpu.memory_space<vmem_shared>>
      tpu.enqueue_dma source(%arg10 : memref<128x128xf32, #tpu.memory_space<vmem>>) target(%dma_start3A_45 : memref<128x128xf32, #tpu.memory_space<vmem_shared>>) target_semaphore(%run_scoped3A : memref<!tpu.dma_semaphore, #tpu.memory_space<semaphore_mem>>)
      %dma_wait3A = arith.constant 0 : i32
      %dma_wait3A_46 = tpu.memref_slice %arg6[%add3A_10, %dma_wait3A] : memref<10240x128xf32, #tpu.memory_space<vmem_shared>> -> memref<128x128xf32, #tpu.memory_space<vmem_shared>>
      %dma_wait3A_47 = arith.constant 0 : i32
      %dma_wait3A_48 = tpu.memref_slice %arg6[%add3A_10, %dma_wait3A_47] : memref<10240x128xf32, #tpu.memory_space<vmem_shared>> -> memref<128x128xf32, #tpu.memory_space<vmem_shared>>
      tpu.wait_dma2 semaphore(%run_scoped3A : memref<!tpu.dma_semaphore, #tpu.memory_space<semaphore_mem>>) src(%arg10 : memref<128x128xf32, #tpu.memory_space<vmem>>) dst(%dma_wait3A_48 : memref<128x128xf32, #tpu.memory_space<vmem_shared>>)
      tpu.yield
    }) : () -> ()
    %mul3A_11 = arith.constant 640 : i32
    %mul3A_12 = arith.muli %arg1, %mul3A_11 : i32
    %add3A_13 = arith.constant 128 : i32
    %add3A_14 = arith.addi %mul3A_12, %add3A_13 : i32
    "tpu.region"() ({
      %run_scoped3A = tpu.sem_alloc : memref<!tpu.dma_semaphore, #tpu.memory_space<semaphore_mem>>
      %dma_start3A = arith.constant 0 : i32
      %dma_start3A_43 = tpu.memref_slice %arg6[%add3A_14, %dma_start3A] : memref<10240x128xf32, #tpu.memory_space<vmem_shared>> -> memref<128x128xf32, #tpu.memory_space<vmem_shared>>
      %dma_start3A_44 = arith.constant 0 : i32
      %dma_start3A_45 = tpu.memref_slice %arg6[%add3A_14, %dma_start3A_44] : memref<10240x128xf32, #tpu.memory_space<vmem_shared>> -> memref<128x128xf32, #tpu.memory_space<vmem_shared>>
      tpu.enqueue_dma source(%arg10 : memref<128x128xf32, #tpu.memory_space<vmem>>) target(%dma_start3A_45 : memref<128x128xf32, #tpu.memory_space<vmem_shared>>) target_semaphore(%run_scoped3A : memref<!tpu.dma_semaphore, #tpu.memory_space<semaphore_mem>>)
      %dma_wait3A = arith.constant 0 : i32
      %dma_wait3A_46 = tpu.memref_slice %arg6[%add3A_14, %dma_wait3A] : memref<10240x128xf32, #tpu.memory_space<vmem_shared>> -> memref<128x128xf32, #tpu.memory_space<vmem_shared>>
      %dma_wait3A_47 = arith.constant 0 : i32
      %dma_wait3A_48 = tpu.memref_slice %arg6[%add3A_14, %dma_wait3A_47] : memref<10240x128xf32, #tpu.memory_space<vmem_shared>> -> memref<128x128xf32, #tpu.memory_space<vmem_shared>>
      tpu.wait_dma2 semaphore(%run_scoped3A : memref<!tpu.dma_semaphore, #tpu.memory_space<semaphore_mem>>) src(%arg10 : memref<128x128xf32, #tpu.memory_space<vmem>>) dst(%dma_wait3A_48 : memref<128x128xf32, #tpu.memory_space<vmem_shared>>)
      tpu.yield
    }) : () -> ()
    %mul3A_15 = arith.constant 640 : i32
    %mul3A_16 = arith.muli %arg1, %mul3A_15 : i32
    %add3A_17 = arith.constant 256 : i32
    %add3A_18 = arith.addi %mul3A_16, %add3A_17 : i32
    "tpu.region"() ({
      %run_scoped3A = tpu.sem_alloc : memref<!tpu.dma_semaphore, #tpu.memory_space<semaphore_mem>>
      %dma_start3A = arith.constant 0 : i32
      %dma_start3A_43 = tpu.memref_slice %arg6[%add3A_18, %dma_start3A] : memref<10240x128xf32, #tpu.memory_space<vmem_shared>> -> memref<128x128xf32, #tpu.memory_space<vmem_shared>>
      %dma_start3A_44 = arith.constant 0 : i32
      %dma_start3A_45 = tpu.memref_slice %arg6[%add3A_18, %dma_start3A_44] : memref<10240x128xf32, #tpu.memory_space<vmem_shared>> -> memref<128x128xf32, #tpu.memory_space<vmem_shared>>
      tpu.enqueue_dma source(%arg10 : memref<128x128xf32, #tpu.memory_space<vmem>>) target(%dma_start3A_45 : memref<128x128xf32, #tpu.memory_space<vmem_shared>>) target_semaphore(%run_scoped3A : memref<!tpu.dma_semaphore, #tpu.memory_space<semaphore_mem>>)
      %dma_wait3A = arith.constant 0 : i32
      %dma_wait3A_46 = tpu.memref_slice %arg6[%add3A_18, %dma_wait3A] : memref<10240x128xf32, #tpu.memory_space<vmem_shared>> -> memref<128x128xf32, #tpu.memory_space<vmem_shared>>
      %dma_wait3A_47 = arith.constant 0 : i32
      %dma_wait3A_48 = tpu.memref_slice %arg6[%add3A_18, %dma_wait3A_47] : memref<10240x128xf32, #tpu.memory_space<vmem_shared>> -> memref<128x128xf32, #tpu.memory_space<vmem_shared>>
      tpu.wait_dma2 semaphore(%run_scoped3A : memref<!tpu.dma_semaphore, #tpu.memory_space<semaphore_mem>>) src(%arg10 : memref<128x128xf32, #tpu.memory_space<vmem>>) dst(%dma_wait3A_48 : memref<128x128xf32, #tpu.memory_space<vmem_shared>>)
      tpu.yield
    }) : () -> ()
    %mul3A_19 = arith.constant 640 : i32
    %mul3A_20 = arith.muli %arg1, %mul3A_19 : i32
    %add3A_21 = arith.constant 384 : i32
    %add3A_22 = arith.addi %mul3A_20, %add3A_21 : i32
    "tpu.region"() ({
      %run_scoped3A = tpu.sem_alloc : memref<!tpu.dma_semaphore, #tpu.memory_space<semaphore_mem>>
      %dma_start3A = arith.constant 0 : i32
      %dma_start3A_43 = tpu.memref_slice %arg6[%add3A_22, %dma_start3A] : memref<10240x128xf32, #tpu.memory_space<vmem_shared>> -> memref<128x128xf32, #tpu.memory_space<vmem_shared>>
      %dma_start3A_44 = arith.constant 0 : i32
      %dma_start3A_45 = tpu.memref_slice %arg6[%add3A_22, %dma_start3A_44] : memref<10240x128xf32, #tpu.memory_space<vmem_shared>> -> memref<128x128xf32, #tpu.memory_space<vmem_shared>>
      tpu.enqueue_dma source(%arg10 : memref<128x128xf32, #tpu.memory_space<vmem>>) target(%dma_start3A_45 : memref<128x128xf32, #tpu.memory_space<vmem_shared>>) target_semaphore(%run_scoped3A : memref<!tpu.dma_semaphore, #tpu.memory_space<semaphore_mem>>)
      %dma_wait3A = arith.constant 0 : i32
      %dma_wait3A_46 = tpu.memref_slice %arg6[%add3A_22, %dma_wait3A] : memref<10240x128xf32, #tpu.memory_space<vmem_shared>> -> memref<128x128xf32, #tpu.memory_space<vmem_shared>>
      %dma_wait3A_47 = arith.constant 0 : i32
      %dma_wait3A_48 = tpu.memref_slice %arg6[%add3A_22, %dma_wait3A_47] : memref<10240x128xf32, #tpu.memory_space<vmem_shared>> -> memref<128x128xf32, #tpu.memory_space<vmem_shared>>
      tpu.wait_dma2 semaphore(%run_scoped3A : memref<!tpu.dma_semaphore, #tpu.memory_space<semaphore_mem>>) src(%arg10 : memref<128x128xf32, #tpu.memory_space<vmem>>) dst(%dma_wait3A_48 : memref<128x128xf32, #tpu.memory_space<vmem_shared>>)
      tpu.yield
    }) : () -> ()
    %mul3A_23 = arith.constant 640 : i32
    %mul3A_24 = arith.muli %arg1, %mul3A_23 : i32
    %add3A_25 = arith.constant 512 : i32
    %add3A_26 = arith.addi %mul3A_24, %add3A_25 : i32
    "tpu.region"() ({
      %run_scoped3A = tpu.sem_alloc : memref<!tpu.dma_semaphore, #tpu.memory_space<semaphore_mem>>
      %dma_start3A = arith.constant 0 : i32
      %dma_start3A_43 = tpu.memref_slice %arg6[%add3A_26, %dma_start3A] : memref<10240x128xf32, #tpu.memory_space<vmem_shared>> -> memref<128x128xf32, #tpu.memory_space<vmem_shared>>
      %dma_start3A_44 = arith.constant 0 : i32
      %dma_start3A_45 = tpu.memref_slice %arg6[%add3A_26, %dma_start3A_44] : memref<10240x128xf32, #tpu.memory_space<vmem_shared>> -> memref<128x128xf32, #tpu.memory_space<vmem_shared>>
      tpu.enqueue_dma source(%arg10 : memref<128x128xf32, #tpu.memory_space<vmem>>) target(%dma_start3A_45 : memref<128x128xf32, #tpu.memory_space<vmem_shared>>) target_semaphore(%run_scoped3A : memref<!tpu.dma_semaphore, #tpu.memory_space<semaphore_mem>>)
      %dma_wait3A = arith.constant 0 : i32
      %dma_wait3A_46 = tpu.memref_slice %arg6[%add3A_26, %dma_wait3A] : memref<10240x128xf32, #tpu.memory_space<vmem_shared>> -> memref<128x128xf32, #tpu.memory_space<vmem_shared>>
      %dma_wait3A_47 = arith.constant 0 : i32
      %dma_wait3A_48 = tpu.memref_slice %arg6[%add3A_26, %dma_wait3A_47] : memref<10240x128xf32, #tpu.memory_space<vmem_shared>> -> memref<128x128xf32, #tpu.memory_space<vmem_shared>>
      tpu.wait_dma2 semaphore(%run_scoped3A : memref<!tpu.dma_semaphore, #tpu.memory_space<semaphore_mem>>) src(%arg10 : memref<128x128xf32, #tpu.memory_space<vmem>>) dst(%dma_wait3A_48 : memref<128x128xf32, #tpu.memory_space<vmem_shared>>)
      tpu.yield
    }) : () -> ()
    %barrier3A = arith.constant 0 : index
    tpu.barrier barrier_id(%barrier3A)
    %mul3A_27 = arith.constant 81 : i32
    %mul3A_28 = arith.muli %add3A, %mul3A_27 : i32
    %mul3A_29 = arith.constant 128 : i32
    %mul3A_30 = arith.muli %mul3A_28, %mul3A_29 : i32
    %scan3A_31 = arith.constant 0 : i32
    %scan3A_32 = arith.constant 0 : i32
    %scan3A_33 = arith.constant 3 : i32
    %scan3A_34 = arith.addi %scan3A_32, %scan3A_33 : i32
    %scan3A_35 = arith.constant 1 : i32
    %scan3A_36 = scf.for %scan3A_43 = %scan3A_32 to %scan3A_34 step %scan3A_35 iter_args(%scan3A_44 = %scan3A_31) -> (i32)  : i32 {
      %mul3A_45 = arith.constant 27 : i32
      %mul3A_46 = arith.muli %scan3A_43, %mul3A_45 : i32
      %mul3A_47 = arith.constant 128 : i32
      %mul3A_48 = arith.muli %mul3A_46, %mul3A_47 : i32
      %add3A_49 = arith.addi %mul3A_30, %mul3A_48 : i32
      "tpu.region"() ({
        %run_scoped3A = tpu.sem_alloc : memref<!tpu.dma_semaphore, #tpu.memory_space<semaphore_mem>>
        %dma_start3A_62 = tpu.memref_slice %arg3[%add3A_49] : memref<331776xi32, #tpu.memory_space<hbm>> -> memref<3456xi32, #tpu.memory_space<hbm>>
        %dma_start3A_63 = tpu.memref_slice %arg3[%add3A_49] : memref<331776xi32, #tpu.memory_space<hbm>> -> memref<3456xi32, #tpu.memory_space<hbm>>
        tpu.enqueue_dma source(%dma_start3A_63 : memref<3456xi32, #tpu.memory_space<hbm>>) target(%arg7 : memref<3456xi32, #tpu.memory_space<vmem>>) target_semaphore(%run_scoped3A : memref<!tpu.dma_semaphore, #tpu.memory_space<semaphore_mem>>)
        %dma_wait3A = tpu.memref_slice %arg3[%add3A_49] : memref<331776xi32, #tpu.memory_space<hbm>> -> memref<3456xi32, #tpu.memory_space<hbm>>
        %dma_wait3A_64 = tpu.memref_slice %arg3[%add3A_49] : memref<331776xi32, #tpu.memory_space<hbm>> -> memref<3456xi32, #tpu.memory_space<hbm>>
        tpu.wait_dma2 semaphore(%run_scoped3A : memref<!tpu.dma_semaphore, #tpu.memory_space<semaphore_mem>>) src(%dma_wait3A_64 : memref<3456xi32, #tpu.memory_space<hbm>>) dst(%arg7 : memref<3456xi32, #tpu.memory_space<vmem>>)
        tpu.yield
      }) : () -> ()
      "tpu.region"() ({
        %run_scoped3A = tpu.sem_alloc : memref<!tpu.dma_semaphore, #tpu.memory_space<semaphore_mem>>
        %dma_start3A_62 = tpu.memref_slice %arg4[%add3A_49] : memref<331776xi32, #tpu.memory_space<hbm>> -> memref<3456xi32, #tpu.memory_space<hbm>>
        %dma_start3A_63 = tpu.memref_slice %arg4[%add3A_49] : memref<331776xi32, #tpu.memory_space<hbm>> -> memref<3456xi32, #tpu.memory_space<hbm>>
        tpu.enqueue_dma source(%dma_start3A_63 : memref<3456xi32, #tpu.memory_space<hbm>>) target(%arg8 : memref<3456xi32, #tpu.memory_space<vmem>>) target_semaphore(%run_scoped3A : memref<!tpu.dma_semaphore, #tpu.memory_space<semaphore_mem>>)
        %dma_wait3A = tpu.memref_slice %arg4[%add3A_49] : memref<331776xi32, #tpu.memory_space<hbm>> -> memref<3456xi32, #tpu.memory_space<hbm>>
        %dma_wait3A_64 = tpu.memref_slice %arg4[%add3A_49] : memref<331776xi32, #tpu.memory_space<hbm>> -> memref<3456xi32, #tpu.memory_space<hbm>>
        tpu.wait_dma2 semaphore(%run_scoped3A : memref<!tpu.dma_semaphore, #tpu.memory_space<semaphore_mem>>) src(%dma_wait3A_64 : memref<3456xi32, #tpu.memory_space<hbm>>) dst(%arg8 : memref<3456xi32, #tpu.memory_space<vmem>>)
        tpu.yield
      }) : () -> ()
      %dma_start3A = arith.constant 0 : i32
      %dma_start3A_50 = tpu.memref_slice %arg7[%dma_start3A] : memref<3456xi32, #tpu.memory_space<vmem>> -> memref<128xi32, #tpu.memory_space<vmem>>
      %dma_start3A_51 = arith.constant 0 : i32
      %dma_start3A_52 = arith.constant 0 : i32
      %dma_start3A_53 = tpu.memref_slice %arg2[%dma_start3A_51, %dma_start3A_52] : memref<10000x128xf32, #tpu.memory_space<hbm>> -> memref<10000x128xf32, #tpu.memory_space<hbm>>
      tpu.enqueue_indirect_dma source(%dma_start3A_53 : memref<10000x128xf32, #tpu.memory_space<hbm>>) target(%arg10 : memref<128x128xf32, #tpu.memory_space<vmem>>) offsets(%dma_start3A_50 : memref<128xi32, #tpu.memory_space<vmem>>) semaphore(%arg12 : memref<!tpu.dma_semaphore, #tpu.memory_space<semaphore_mem>>)
      %scan3A_54 = arith.constant 0 : i32
      %scan3A_55 = arith.constant 0 : i32
      %scan3A_56 = arith.constant 27 : i32
      %scan3A_57 = arith.addi %scan3A_55, %scan3A_56 : i32
      %scan3A_58 = arith.constant 1 : i32
      %scan3A_59 = scf.for %scan3A_62 = %scan3A_55 to %scan3A_57 step %scan3A_58 iter_args(%scan3A_63 = %scan3A_54) -> (i32)  : i32 {
        %add3A_64 = arith.constant 1 : i32
        %add3A_65 = arith.addi %scan3A_62, %add3A_64 : i32
        %lt3A = arith.constant 27 : i32
        %lt3A_66 = arith.cmpi slt, %add3A_65, %lt3A : i32
        %convert_element_type3A = arith.extui %lt3A_66 : i1 to i32
        %cond3A = arith.constant 0 : i32
        %cond3A_67 = arith.cmpi ne, %convert_element_type3A, %cond3A : i32
        scf.if %cond3A_67 {
          %mul3A_161 = arith.constant 128 : i32
          %mul3A_162 = arith.muli %add3A_65, %mul3A_161 : i32
          %rem3A_163 = arith.constant 2 : i32
          %rem3A_164 = arith.remsi %add3A_65, %rem3A_163 : i32
          %eq3A_165 = arith.constant 0 : i32
          %eq3A_166 = arith.cmpi eq, %rem3A_164, %eq3A_165 : i32
          %convert_element_type3A_167 = arith.extui %eq3A_166 : i1 to i32
          %cond3A_168 = arith.constant 0 : i32
          %cond3A_169 = arith.cmpi ne, %convert_element_type3A_167, %cond3A_168 : i32
          scf.if %cond3A_169 {
            %dma_start3A_177 = tpu.memref_slice %arg7[%mul3A_162] : memref<3456xi32, #tpu.memory_space<vmem>> -> memref<128xi32, #tpu.memory_space<vmem>>
            %dma_start3A_178 = arith.constant 0 : i32
            %dma_start3A_179 = arith.constant 0 : i32
            %dma_start3A_180 = tpu.memref_slice %arg2[%dma_start3A_178, %dma_start3A_179] : memref<10000x128xf32, #tpu.memory_space<hbm>> -> memref<10000x128xf32, #tpu.memory_space<hbm>>
            tpu.enqueue_indirect_dma source(%dma_start3A_180 : memref<10000x128xf32, #tpu.memory_space<hbm>>) target(%arg10 : memref<128x128xf32, #tpu.memory_space<vmem>>) offsets(%dma_start3A_177 : memref<128xi32, #tpu.memory_space<vmem>>) semaphore(%arg12 : memref<!tpu.dma_semaphore, #tpu.memory_space<semaphore_mem>>)
          } else {
          }
          %rem3A_170 = arith.constant 2 : i32
          %rem3A_171 = arith.remsi %add3A_65, %rem3A_170 : i32
          %eq3A_172 = arith.constant 1 : i32
          %eq3A_173 = arith.cmpi eq, %rem3A_171, %eq3A_172 : i32
          %convert_element_type3A_174 = arith.extui %eq3A_173 : i1 to i32
          %cond3A_175 = arith.constant 0 : i32
          %cond3A_176 = arith.cmpi ne, %convert_element_type3A_174, %cond3A_175 : i32
          scf.if %cond3A_176 {
            %dma_start3A_177 = tpu.memref_slice %arg7[%mul3A_162] : memref<3456xi32, #tpu.memory_space<vmem>> -> memref<128xi32, #tpu.memory_space<vmem>>
            %dma_start3A_178 = arith.constant 0 : i32
            %dma_start3A_179 = arith.constant 0 : i32
            %dma_start3A_180 = tpu.memref_slice %arg2[%dma_start3A_178, %dma_start3A_179] : memref<10000x128xf32, #tpu.memory_space<hbm>> -> memref<10000x128xf32, #tpu.memory_space<hbm>>
            tpu.enqueue_indirect_dma source(%dma_start3A_180 : memref<10000x128xf32, #tpu.memory_space<hbm>>) target(%arg11 : memref<128x128xf32, #tpu.memory_space<vmem>>) offsets(%dma_start3A_177 : memref<128xi32, #tpu.memory_space<vmem>>) semaphore(%arg13 : memref<!tpu.dma_semaphore, #tpu.memory_space<semaphore_mem>>)
          } else {
          }
        } else {
        }
        %mul3A_68 = arith.constant 128 : i32
        %mul3A_69 = arith.muli %scan3A_62, %mul3A_68 : i32
        %add3A_70 = arith.constant 0 : i32
        %add3A_71 = arith.addi %mul3A_69, %add3A_70 : i32
        %get3A = arith.index_cast %add3A_71 : i32 to index
        %get3A_72 = tpu.vector_load %arg8[%get3A] {strides = array<i32>} : memref<3456xi32, #tpu.memory_space<vmem>>, vector<16xi32>,
        %swap3A = arith.constant 0 : i32
        %swap3A_73 = arith.index_cast %swap3A : i32 to index
        %swap3A_74 = arith.constant 0 : index
        %swap3A_75 = tpu.vector_load %arg9[%swap3A_73, %swap3A_74] {strides = array<i32>} : memref<1x128xi32, #tpu.memory_space<vmem>>, vector<16xi32>,
        tpu.vector_store %arg9[%swap3A_73, %swap3A_74], %get3A_72 {strides = array<i32>} : memref<1x128xi32, #tpu.memory_space<vmem>>, vector<16xi32>,
        %mul3A_76 = arith.constant 128 : i32
        %mul3A_77 = arith.muli %scan3A_62, %mul3A_76 : i32
        %add3A_78 = arith.constant 16 : i32
        %add3A_79 = arith.addi %mul3A_77, %add3A_78 : i32
        %get3A_80 = arith.index_cast %add3A_79 : i32 to index
        %get3A_81 = tpu.vector_load %arg8[%get3A_80] {strides = array<i32>} : memref<3456xi32, #tpu.memory_space<vmem>>, vector<16xi32>,
        %swap3A_82 = arith.constant 0 : i32
        %swap3A_83 = arith.index_cast %swap3A_82 : i32 to index
        %swap3A_84 = arith.constant 16 : index
        %swap3A_85 = tpu.vector_load %arg9[%swap3A_83, %swap3A_84] {strides = array<i32>} : memref<1x128xi32, #tpu.memory_space<vmem>>, vector<16xi32>,
        tpu.vector_store %arg9[%swap3A_83, %swap3A_84], %get3A_81 {strides = array<i32>} : memref<1x128xi32, #tpu.memory_space<vmem>>, vector<16xi32>,
        %mul3A_86 = arith.constant 128 : i32
        %mul3A_87 = arith.muli %scan3A_62, %mul3A_86 : i32
        %add3A_88 = arith.constant 32 : i32
        %add3A_89 = arith.addi %mul3A_87, %add3A_88 : i32
        %get3A_90 = arith.index_cast %add3A_89 : i32 to index
        %get3A_91 = tpu.vector_load %arg8[%get3A_90] {strides = array<i32>} : memref<3456xi32, #tpu.memory_space<vmem>>, vector<16xi32>,
        %swap3A_92 = arith.constant 0 : i32
        %swap3A_93 = arith.index_cast %swap3A_92 : i32 to index
        %swap3A_94 = arith.constant 32 : index
        %swap3A_95 = tpu.vector_load %arg9[%swap3A_93, %swap3A_94] {strides = array<i32>} : memref<1x128xi32, #tpu.memory_space<vmem>>, vector<16xi32>,
        tpu.vector_store %arg9[%swap3A_93, %swap3A_94], %get3A_91 {strides = array<i32>} : memref<1x128xi32, #tpu.memory_space<vmem>>, vector<16xi32>,
        %mul3A_96 = arith.constant 128 : i32
        %mul3A_97 = arith.muli %scan3A_62, %mul3A_96 : i32
        %add3A_98 = arith.constant 48 : i32
        %add3A_99 = arith.addi %mul3A_97, %add3A_98 : i32
        %get3A_100 = arith.index_cast %add3A_99 : i32 to index
        %get3A_101 = tpu.vector_load %arg8[%get3A_100] {strides = array<i32>} : memref<3456xi32, #tpu.memory_space<vmem>>, vector<16xi32>,
        %swap3A_102 = arith.constant 0 : i32
        %swap3A_103 = arith.index_cast %swap3A_102 : i32 to index
        %swap3A_104 = arith.constant 48 : index
        %swap3A_105 = tpu.vector_load %arg9[%swap3A_103, %swap3A_104] {strides = array<i32>} : memref<1x128xi32, #tpu.memory_space<vmem>>, vector<16xi32>,
        tpu.vector_store %arg9[%swap3A_103, %swap3A_104], %get3A_101 {strides = array<i32>} : memref<1x128xi32, #tpu.memory_space<vmem>>, vector<16xi32>,
        %mul3A_106 = arith.constant 128 : i32
        %mul3A_107 = arith.muli %scan3A_62, %mul3A_106 : i32
        %add3A_108 = arith.constant 64 : i32
        %add3A_109 = arith.addi %mul3A_107, %add3A_108 : i32
        %get3A_110 = arith.index_cast %add3A_109 : i32 to index
        %get3A_111 = tpu.vector_load %arg8[%get3A_110] {strides = array<i32>} : memref<3456xi32, #tpu.memory_space<vmem>>, vector<16xi32>,
        %swap3A_112 = arith.constant 0 : i32
        %swap3A_113 = arith.index_cast %swap3A_112 : i32 to index
        %swap3A_114 = arith.constant 64 : index
        %swap3A_115 = tpu.vector_load %arg9[%swap3A_113, %swap3A_114] {strides = array<i32>} : memref<1x128xi32, #tpu.memory_space<vmem>>, vector<16xi32>,
        tpu.vector_store %arg9[%swap3A_113, %swap3A_114], %get3A_111 {strides = array<i32>} : memref<1x128xi32, #tpu.memory_space<vmem>>, vector<16xi32>,
        %mul3A_116 = arith.constant 128 : i32
        %mul3A_117 = arith.muli %scan3A_62, %mul3A_116 : i32
        %add3A_118 = arith.constant 80 : i32
        %add3A_119 = arith.addi %mul3A_117, %add3A_118 : i32
        %get3A_120 = arith.index_cast %add3A_119 : i32 to index
        %get3A_121 = tpu.vector_load %arg8[%get3A_120] {strides = array<i32>} : memref<3456xi32, #tpu.memory_space<vmem>>, vector<16xi32>,
        %swap3A_122 = arith.constant 0 : i32
        %swap3A_123 = arith.index_cast %swap3A_122 : i32 to index
        %swap3A_124 = arith.constant 80 : index
        %swap3A_125 = tpu.vector_load %arg9[%swap3A_123, %swap3A_124] {strides = array<i32>} : memref<1x128xi32, #tpu.memory_space<vmem>>, vector<16xi32>,
        tpu.vector_store %arg9[%swap3A_123, %swap3A_124], %get3A_121 {strides = array<i32>} : memref<1x128xi32, #tpu.memory_space<vmem>>, vector<16xi32>,
        %mul3A_126 = arith.constant 128 : i32
        %mul3A_127 = arith.muli %scan3A_62, %mul3A_126 : i32
        %add3A_128 = arith.constant 96 : i32
        %add3A_129 = arith.addi %mul3A_127, %add3A_128 : i32
        %get3A_130 = arith.index_cast %add3A_129 : i32 to index
        %get3A_131 = tpu.vector_load %arg8[%get3A_130] {strides = array<i32>} : memref<3456xi32, #tpu.memory_space<vmem>>, vector<16xi32>,
        %swap3A_132 = arith.constant 0 : i32
        %swap3A_133 = arith.index_cast %swap3A_132 : i32 to index
        %swap3A_134 = arith.constant 96 : index
        %swap3A_135 = tpu.vector_load %arg9[%swap3A_133, %swap3A_134] {strides = array<i32>} : memref<1x128xi32, #tpu.memory_space<vmem>>, vector<16xi32>,
        tpu.vector_store %arg9[%swap3A_133, %swap3A_134], %get3A_131 {strides = array<i32>} : memref<1x128xi32, #tpu.memory_space<vmem>>, vector<16xi32>,
        %mul3A_136 = arith.constant 128 : i32
        %mul3A_137 = arith.muli %scan3A_62, %mul3A_136 : i32
        %add3A_138 = arith.constant 112 : i32
        %add3A_139 = arith.addi %mul3A_137, %add3A_138 : i32
        %get3A_140 = arith.index_cast %add3A_139 : i32 to index
        %get3A_141 = tpu.vector_load %arg8[%get3A_140] {strides = array<i32>} : memref<3456xi32, #tpu.memory_space<vmem>>, vector<16xi32>,
        %swap3A_142 = arith.constant 0 : i32
        %swap3A_143 = arith.index_cast %swap3A_142 : i32 to index
        %swap3A_144 = arith.constant 112 : index
        %swap3A_145 = tpu.vector_load %arg9[%swap3A_143, %swap3A_144] {strides = array<i32>} : memref<1x128xi32, #tpu.memory_space<vmem>>, vector<16xi32>,
        tpu.vector_store %arg9[%swap3A_143, %swap3A_144], %get3A_141 {strides = array<i32>} : memref<1x128xi32, #tpu.memory_space<vmem>>, vector<16xi32>,
        %mul3A_146 = arith.constant 128 : i32
        %mul3A_147 = arith.muli %scan3A_62, %mul3A_146 : i32
        %rem3A = arith.constant 2 : i32
        %rem3A_148 = arith.remsi %scan3A_62, %rem3A : i32
        %eq3A = arith.constant 0 : i32
        %eq3A_149 = arith.cmpi eq, %rem3A_148, %eq3A : i32
        %convert_element_type3A_150 = arith.extui %eq3A_149 : i1 to i32
        %cond3A_151 = arith.constant 0 : i32
        %cond3A_152 = arith.cmpi ne, %convert_element_type3A_150, %cond3A_151 : i32
        scf.if %cond3A_152 {
          %dma_wait3A = tpu.memref_slice %arg7[%mul3A_147] : memref<3456xi32, #tpu.memory_space<vmem>> -> memref<128xi32, #tpu.memory_space<vmem>>
          %dma_wait3A_161 = arith.constant 0 : i32
          %dma_wait3A_162 = arith.constant 0 : i32
          %dma_wait3A_163 = tpu.memref_slice %arg2[%dma_wait3A_161, %dma_wait3A_162] : memref<10000x128xf32, #tpu.memory_space<hbm>> -> memref<10000x128xf32, #tpu.memory_space<hbm>>
          tpu.wait_indirect_dma semaphore(%arg12 : memref<!tpu.dma_semaphore, #tpu.memory_space<semaphore_mem>>) src(%dma_wait3A_163 : memref<10000x128xf32, #tpu.memory_space<hbm>>) dst(%arg10 : memref<128x128xf32, #tpu.memory_space<vmem>>)
          %run_scoped3A = arith.constant 0 : i32
          "tpu.region"() ({
            %run_scoped3A_164 = tpu.sem_alloc : memref<!tpu.dma_semaphore, #tpu.memory_space<semaphore_mem>>
            %dma_start3A_165 = arith.constant 0 : i32
            %dma_start3A_166 = tpu.memref_slice %arg9[%run_scoped3A, %dma_start3A_165] : memref<1x128xi32, #tpu.memory_space<vmem>> -> memref<1x128xi32, #tpu.memory_space<vmem>>
            %dma_start3A_167 = tpu.memref_squeeze %dma_start3A_166 : memref<1x128xi32, #tpu.memory_space<vmem>> -> memref<128xi32, #tpu.memory_space<vmem>>
            %dma_start3A_168 = arith.constant 0 : i32
            %dma_start3A_169 = arith.constant 0 : i32
            %dma_start3A_170 = tpu.memref_slice %arg6[%dma_start3A_168, %dma_start3A_169] : memref<10240x128xf32, #tpu.memory_space<vmem_shared>> -> memref<10240x128xf32, #tpu.memory_space<vmem_shared>>
            tpu.enqueue_indirect_dma source(%arg10 : memref<128x128xf32, #tpu.memory_space<vmem>>) target(%dma_start3A_170 : memref<10240x128xf32, #tpu.memory_space<vmem_shared>>) offsets(%dma_start3A_167 : memref<128xi32, #tpu.memory_space<vmem>>) semaphore(%run_scoped3A_164 : memref<!tpu.dma_semaphore, #tpu.memory_space<semaphore_mem>>) {add = true}
            %dma_wait3A_171 = arith.constant 0 : i32
            %dma_wait3A_172 = tpu.memref_slice %arg9[%run_scoped3A, %dma_wait3A_171] : memref<1x128xi32, #tpu.memory_space<vmem>> -> memref<1x128xi32, #tpu.memory_space<vmem>>
            %dma_wait3A_173 = tpu.memref_squeeze %dma_wait3A_172 : memref<1x128xi32, #tpu.memory_space<vmem>> -> memref<128xi32, #tpu.memory_space<vmem>>
            %dma_wait3A_174 = arith.constant 0 : i32
            %dma_wait3A_175 = arith.constant 0 : i32
            %dma_wait3A_176 = tpu.memref_slice %arg6[%dma_wait3A_174, %dma_wait3A_175] : memref<10240x128xf32, #tpu.memory_space<vmem_shared>> -> memref<10240x128xf32, #tpu.memory_space<vmem_shared>>
            tpu.wait_indirect_dma semaphore(%run_scoped3A_164 : memref<!tpu.dma_semaphore, #tpu.memory_space<semaphore_mem>>) src(%arg10 : memref<128x128xf32, #tpu.memory_space<vmem>>) dst(%dma_wait3A_176 : memref<10240x128xf32, #tpu.memory_space<vmem_shared>>)
            tpu.yield
          }) : () -> ()
        } else {
        }
        %rem3A_153 = arith.constant 2 : i32
        %rem3A_154 = arith.remsi %scan3A_62, %rem3A_153 : i32
        %eq3A_155 = arith.constant 1 : i32
        %eq3A_156 = arith.cmpi eq, %rem3A_154, %eq3A_155 : i32
        %convert_element_type3A_157 = arith.extui %eq3A_156 : i1 to i32
        %cond3A_158 = arith.constant 0 : i32
        %cond3A_159 = arith.cmpi ne, %convert_element_type3A_157, %cond3A_158 : i32
        scf.if %cond3A_159 {
          %dma_wait3A = tpu.memref_slice %arg7[%mul3A_147] : memref<3456xi32, #tpu.memory_space<vmem>> -> memref<128xi32, #tpu.memory_space<vmem>>
          %dma_wait3A_161 = arith.constant 0 : i32
          %dma_wait3A_162 = arith.constant 0 : i32
          %dma_wait3A_163 = tpu.memref_slice %arg2[%dma_wait3A_161, %dma_wait3A_162] : memref<10000x128xf32, #tpu.memory_space<hbm>> -> memref<10000x128xf32, #tpu.memory_space<hbm>>
          tpu.wait_indirect_dma semaphore(%arg13 : memref<!tpu.dma_semaphore, #tpu.memory_space<semaphore_mem>>) src(%dma_wait3A_163 : memref<10000x128xf32, #tpu.memory_space<hbm>>) dst(%arg11 : memref<128x128xf32, #tpu.memory_space<vmem>>)
          %run_scoped3A = arith.constant 0 : i32
          "tpu.region"() ({
            %run_scoped3A_164 = tpu.sem_alloc : memref<!tpu.dma_semaphore, #tpu.memory_space<semaphore_mem>>
            %dma_start3A_165 = arith.constant 0 : i32
            %dma_start3A_166 = tpu.memref_slice %arg9[%run_scoped3A, %dma_start3A_165] : memref<1x128xi32, #tpu.memory_space<vmem>> -> memref<1x128xi32, #tpu.memory_space<vmem>>
            %dma_start3A_167 = tpu.memref_squeeze %dma_start3A_166 : memref<1x128xi32, #tpu.memory_space<vmem>> -> memref<128xi32, #tpu.memory_space<vmem>>
            %dma_start3A_168 = arith.constant 0 : i32
            %dma_start3A_169 = arith.constant 0 : i32
            %dma_start3A_170 = tpu.memref_slice %arg6[%dma_start3A_168, %dma_start3A_169] : memref<10240x128xf32, #tpu.memory_space<vmem_shared>> -> memref<10240x128xf32, #tpu.memory_space<vmem_shared>>
            tpu.enqueue_indirect_dma source(%arg11 : memref<128x128xf32, #tpu.memory_space<vmem>>) target(%dma_start3A_170 : memref<10240x128xf32, #tpu.memory_space<vmem_shared>>) offsets(%dma_start3A_167 : memref<128xi32, #tpu.memory_space<vmem>>) semaphore(%run_scoped3A_164 : memref<!tpu.dma_semaphore, #tpu.memory_space<semaphore_mem>>) {add = true}
            %dma_wait3A_171 = arith.constant 0 : i32
            %dma_wait3A_172 = tpu.memref_slice %arg9[%run_scoped3A, %dma_wait3A_171] : memref<1x128xi32, #tpu.memory_space<vmem>> -> memref<1x128xi32, #tpu.memory_space<vmem>>
            %dma_wait3A_173 = tpu.memref_squeeze %dma_wait3A_172 : memref<1x128xi32, #tpu.memory_space<vmem>> -> memref<128xi32, #tpu.memory_space<vmem>>
            %dma_wait3A_174 = arith.constant 0 : i32
            %dma_wait3A_175 = arith.constant 0 : i32
            %dma_wait3A_176 = tpu.memref_slice %arg6[%dma_wait3A_174, %dma_wait3A_175] : memref<10240x128xf32, #tpu.memory_space<vmem_shared>> -> memref<10240x128xf32, #tpu.memory_space<vmem_shared>>
            tpu.wait_indirect_dma semaphore(%run_scoped3A_164 : memref<!tpu.dma_semaphore, #tpu.memory_space<semaphore_mem>>) src(%arg11 : memref<128x128xf32, #tpu.memory_space<vmem>>) dst(%dma_wait3A_176 : memref<10240x128xf32, #tpu.memory_space<vmem_shared>>)
            tpu.yield
          }) : () -> ()
        } else {
        }
        %scan3A_160 = arith.constant 0 : i32
        scf.yield %scan3A_160 : i32
      }
      %scan3A_60 = arith.constant 27 : i32
      %scan3A_61 = arith.constant 0 : i32
      scf.yield %scan3A_61 : i32
    }
    %scan3A_37 = arith.constant 3 : i32
    %barrier3A_38 = arith.constant 0 : index
    tpu.barrier barrier_id(%barrier3A_38)
    %mul3A_39 = arith.constant 640 : i32
    %mul3A_40 = arith.muli %arg1, %mul3A_39 : i32
    %mul3A_41 = arith.constant 640 : i32
    %mul3A_42 = arith.muli %arg1, %mul3A_41 : i32
    "tpu.region"() ({
      %run_scoped3A = tpu.sem_alloc : memref<!tpu.dma_semaphore, #tpu.memory_space<semaphore_mem>>
      %dma_start3A = arith.constant 0 : i32
      %dma_start3A_43 = tpu.memref_slice %arg5[%arg0, %mul3A_42, %dma_start3A] : memref<2x10240x128xf32, #tpu.memory_space<hbm>> -> memref<1x640x128xf32, #tpu.memory_space<hbm>>
      %dma_start3A_44 = tpu.memref_squeeze %dma_start3A_43 : memref<1x640x128xf32, #tpu.memory_space<hbm>> -> memref<640x128xf32, #tpu.memory_space<hbm>>
      %dma_start3A_45 = arith.constant 0 : i32
      %dma_start3A_46 = tpu.memref_slice %arg6[%mul3A_40, %dma_start3A_45] : memref<10240x128xf32, #tpu.memory_space<vmem_shared>> -> memref<640x128xf32, #tpu.memory_space<vmem_shared>>
      tpu.enqueue_dma source(%dma_start3A_46 : memref<640x128xf32, #tpu.memory_space<vmem_shared>>) target(%dma_start3A_44 : memref<640x128xf32, #tpu.memory_space<hbm>>) target_semaphore(%run_scoped3A : memref<!tpu.dma_semaphore, #tpu.memory_space<semaphore_mem>>)
      %dma_wait3A = arith.constant 0 : i32
      %dma_wait3A_47 = tpu.memref_slice %arg5[%arg0, %mul3A_42, %dma_wait3A] : memref<2x10240x128xf32, #tpu.memory_space<hbm>> -> memref<1x640x128xf32, #tpu.memory_space<hbm>>
      %dma_wait3A_48 = tpu.memref_squeeze %dma_wait3A_47 : memref<1x640x128xf32, #tpu.memory_space<hbm>> -> memref<640x128xf32, #tpu.memory_space<hbm>>
      %dma_wait3A_49 = arith.constant 0 : i32
      %dma_wait3A_50 = tpu.memref_slice %arg6[%mul3A_40, %dma_wait3A_49] : memref<10240x128xf32, #tpu.memory_space<vmem_shared>> -> memref<640x128xf32, #tpu.memory_space<vmem_shared>>
      tpu.wait_dma2 semaphore(%run_scoped3A : memref<!tpu.dma_semaphore, #tpu.memory_space<semaphore_mem>>) src(%dma_wait3A_50 : memref<640x128xf32, #tpu.memory_space<vmem_shared>>) dst(%dma_wait3A_48 : memref<640x128xf32, #tpu.memory_space<hbm>>)
      tpu.yield
    }) : () -> ()
    return
  }
}

module attributes {stable_mosaic.version = 14 : i64} {
  func.func @_prep1_body(%arg0: memref<2x80x128xf32, #tpu.memory_space<vmem>>, %arg1: memref<2x1x128xf32, #tpu.memory_space<vmem>>, %arg2: memref<80x128xf32, #tpu.memory_space<vmem>>, %arg3: memref<1x128xf32, #tpu.memory_space<vmem>>, %arg4: memref<1x128xf32, #tpu.memory_space<vmem>>) attributes {dimension_semantics = [], scalar_prefetch = 0 : i64, scratch_operands = 0 : i64, tpu.core_type = #tpu.core_type<tc>} {
    %get3A = arith.constant 0 : index
    %get3A_0 = arith.constant 0 : index
    %get3A_1 = arith.constant 0 : index
    %get3A_2 = vector.load %arg0[%get3A, %get3A_0, %get3A_1] : memref<2x80x128xf32, #tpu.memory_space<vmem>>, vector<1x80x128xf32>
    %get3A_3 = vector.shape_cast %get3A_2 : vector<1x80x128xf32> to vector<80x128xf32>
    %get3A_4 = arith.constant 1 : index
    %get3A_5 = arith.constant 0 : index
    %get3A_6 = arith.constant 0 : index
    %get3A_7 = vector.load %arg0[%get3A_4, %get3A_5, %get3A_6] : memref<2x80x128xf32, #tpu.memory_space<vmem>>, vector<1x80x128xf32>
    %get3A_8 = vector.shape_cast %get3A_7 : vector<1x80x128xf32> to vector<80x128xf32>
    %add3A = arith.addf %get3A_3, %get3A_8 : vector<80x128xf32>
    %max3A = arith.constant 1.000000e+00 : f32
    %max3A_9 = vector.broadcast %max3A : f32 to vector<80x128xf32>
    %max3A_10 = arith.maximumf %add3A, %max3A_9 : vector<80x128xf32>
    %rsqrt3A = math.rsqrt %max3A_10 : vector<80x128xf32>
    %swap3A = arith.constant 0 : index
    %swap3A_11 = arith.constant 0 : index
    %swap3A_12 = vector.load %arg2[%swap3A, %swap3A_11] : memref<80x128xf32, #tpu.memory_space<vmem>>, vector<80x128xf32>
    tpu.vector_store %arg2[%swap3A, %swap3A_11], %rsqrt3A {strides = array<i32>} : memref<80x128xf32, #tpu.memory_space<vmem>>, vector<80x128xf32>,
    %get3A_13 = arith.constant 0 : index
    %get3A_14 = arith.constant 0 : index
    %get3A_15 = arith.constant 0 : index
    %get3A_16 = vector.load %arg1[%get3A_13, %get3A_14, %get3A_15] : memref<2x1x128xf32, #tpu.memory_space<vmem>>, vector<1x1x128xf32>
    %get3A_17 = vector.shape_cast %get3A_16 : vector<1x1x128xf32> to vector<1x128xf32>
    %get3A_18 = arith.constant 1 : index
    %get3A_19 = arith.constant 0 : index
    %get3A_20 = arith.constant 0 : index
    %get3A_21 = vector.load %arg1[%get3A_18, %get3A_19, %get3A_20] : memref<2x1x128xf32, #tpu.memory_space<vmem>>, vector<1x1x128xf32>
    %get3A_22 = vector.shape_cast %get3A_21 : vector<1x1x128xf32> to vector<1x128xf32>
    %add3A_23 = arith.addf %get3A_17, %get3A_22 : vector<1x128xf32>
    %swap3A_24 = arith.constant 0 : index
    %swap3A_25 = arith.constant 0 : index
    %swap3A_26 = vector.load %arg3[%swap3A_24, %swap3A_25] : memref<1x128xf32, #tpu.memory_space<vmem>>, vector<1x128xf32>
    tpu.vector_store %arg3[%swap3A_24, %swap3A_25], %add3A_23 {strides = array<i32>} : memref<1x128xf32, #tpu.memory_space<vmem>>, vector<1x128xf32>,
    %max3A_27 = arith.constant 1.000000e+00 : f32
    %max3A_28 = vector.broadcast %max3A_27 : f32 to vector<1x128xf32>
    %max3A_29 = arith.maximumf %add3A_23, %max3A_28 : vector<1x128xf32>
    %div3A = arith.constant 1.000000e+00 : f32
    %div3A_30 = vector.broadcast %div3A : f32 to vector<1x128xf32>
    %div3A_31 = arith.divf %div3A_30, %max3A_29 : vector<1x128xf32>
    %swap3A_32 = arith.constant 0 : index
    %swap3A_33 = arith.constant 0 : index
    %swap3A_34 = vector.load %arg4[%swap3A_32, %swap3A_33] : memref<1x128xf32, #tpu.memory_space<vmem>>, vector<1x128xf32>
    tpu.vector_store %arg4[%swap3A_32, %swap3A_33], %div3A_31 {strides = array<i32>} : memref<1x128xf32, #tpu.memory_space<vmem>>, vector<1x128xf32>,
    return
  }
}

module attributes {stable_mosaic.version = 14 : i64} {
  func.func @_prep2_body(%arg0: i32, %arg1: memref<1000x128xf32, #tpu.memory_space<vmem>>, %arg2: memref<1000x1xf32, #tpu.memory_space<vmem>>, %arg3: memref<1000x128xf32, #tpu.memory_space<vmem>>) attributes {dimension_semantics = [#tpu.dimension_semantics<arbitrary>], iteration_bounds = array<i64: 10>, scalar_prefetch = 0 : i64, scratch_operands = 0 : i64, tpu.core_type = #tpu.core_type<tc>, window_params = [{transform_indices = @transform_0, window_bounds = array<i64: 1000, 128>}, {transform_indices = @transform_1, window_bounds = array<i64: 1000, 1>}, {transform_indices = @transform_2, window_bounds = array<i64: 1000, 128>}]} {
    %get3A = arith.constant 0 : index
    %get3A_0 = arith.constant 0 : index
    %get3A_1 = vector.load %arg1[%get3A, %get3A_0] : memref<1000x128xf32, #tpu.memory_space<vmem>>, vector<1000x128xf32>
    %get3A_2 = arith.constant 0 : index
    %get3A_3 = arith.constant 0 : index
    %get3A_4 = vector.load %arg2[%get3A_2, %get3A_3] : memref<1000x1xf32, #tpu.memory_space<vmem>>, vector<1000x1xf32>
    %mul3A = vector.broadcast %get3A_4 : vector<1000x1xf32> to vector<1000x128xf32>
    %mul3A_5 = arith.mulf %get3A_1, %mul3A : vector<1000x128xf32>
    %swap3A = arith.constant 0 : index
    %swap3A_6 = arith.constant 0 : index
    %swap3A_7 = vector.load %arg3[%swap3A, %swap3A_6] : memref<1000x128xf32, #tpu.memory_space<vmem>>, vector<1000x128xf32>
    tpu.vector_store %arg3[%swap3A, %swap3A_6], %mul3A_5 {strides = array<i32>} : memref<1000x128xf32, #tpu.memory_space<vmem>>, vector<1000x128xf32>,
    return
  }
  func.func @transform_0(%arg0: i32) -> (i32, i32) {
    %c0_i32 = arith.constant 0 : i32
    %c0_i32_0 = arith.constant 0 : i32
    return %arg0, %c0_i32 : i32, i32
  }
  func.func @transform_1(%arg0: i32) -> (i32, i32) {
    %c0_i32 = arith.constant 0 : i32
    %c0_i32_0 = arith.constant 0 : i32
    return %arg0, %c0_i32 : i32, i32
  }
  func.func @transform_2(%arg0: i32) -> (i32, i32) {
    %c0_i32 = arith.constant 0 : i32
    %c0_i32_0 = arith.constant 0 : i32
    return %arg0, %c0_i32 : i32, i32
  }
}

module attributes {stable_mosaic.version = 14 : i64} {
  func.func @_dense_body(%arg0: i32, %arg1: memref<2x1024x128xf32, #tpu.memory_space<vmem>>, %arg2: memref<1024x1xf32, #tpu.memory_space<vmem>>, %arg3: memref<2x64x1024xf32, #tpu.memory_space<vmem>>, %arg4: memref<128x256xf32, #tpu.memory_space<vmem>>, %arg5: memref<1x256xf32, #tpu.memory_space<vmem>>, %arg6: memref<1x256xf32, #tpu.memory_space<vmem>>, %arg7: memref<1x256xf32, #tpu.memory_space<vmem>>, %arg8: memref<256x128xf32, #tpu.memory_space<vmem>>, %arg9: memref<256x256xf32, #tpu.memory_space<vmem>>, %arg10: memref<64x1xf32, #tpu.memory_space<vmem>>, %arg11: memref<64x1xf32, #tpu.memory_space<vmem>>, %arg12: memref<1x128xf32, #tpu.memory_space<vmem>>, %arg13: memref<64x128xf32, #tpu.memory_space<vmem>>, %arg14: memref<64x128xf32, #tpu.memory_space<vmem>>) attributes {dimension_semantics = [#tpu.dimension_semantics<arbitrary>], iteration_bounds = array<i64: 10>, scalar_prefetch = 0 : i64, scratch_operands = 1 : i64, tpu.core_type = #tpu.core_type<tc>, window_params = [{transform_indices = @transform_0, window_bounds = array<i64: 2, 1024, 128>}, {transform_indices = @transform_1, window_bounds = array<i64: 1024, 1>}, {transform_indices = @transform_2, window_bounds = array<i64: 2, 64, 1024>}, {pipeline_mode = #tpu.pipeline_mode<synchronous>, transform_indices = @transform_3, window_bounds = array<i64: 128, 256>}, {pipeline_mode = #tpu.pipeline_mode<synchronous>, transform_indices = @transform_4, window_bounds = array<i64: 1, 256>}, {pipeline_mode = #tpu.pipeline_mode<synchronous>, transform_indices = @transform_5, window_bounds = array<i64: 1, 256>}, {pipeline_mode = #tpu.pipeline_mode<synchronous>, transform_indices = @transform_6, window_bounds = array<i64: 1, 256>}, {pipeline_mode = #tpu.pipeline_mode<synchronous>, transform_indices = @transform_7, window_bounds = array<i64: 256, 128>}, {pipeline_mode = #tpu.pipeline_mode<synchronous>, transform_indices = @transform_8, window_bounds = array<i64: 256, 256>}, {pipeline_mode = #tpu.pipeline_mode<synchronous>, transform_indices = @transform_9, window_bounds = array<i64: 64, 1>}, {pipeline_mode = #tpu.pipeline_mode<synchronous>, transform_indices = @transform_10, window_bounds = array<i64: 64, 1>}, {pipeline_mode = #tpu.pipeline_mode<synchronous>, transform_indices = @transform_11, window_bounds = array<i64: 1, 128>}, {pipeline_mode = #tpu.pipeline_mode<synchronous>, transform_indices = @transform_12, window_bounds = array<i64: 64, 128>}]} {
    %get3A = arith.constant 0 : index
    %get3A_0 = arith.constant 0 : index
    %get3A_1 = vector.load %arg2[%get3A, %get3A_0] : memref<1024x1xf32, #tpu.memory_space<vmem>>, vector<1024x1xf32>
    %get3A_2 = arith.constant 0 : index
    %get3A_3 = arith.constant 0 : index
    %get3A_4 = arith.constant 0 : index
    %get3A_5 = vector.load %arg1[%get3A_2, %get3A_3, %get3A_4] : memref<2x1024x128xf32, #tpu.memory_space<vmem>>, vector<1x1024x128xf32>
    %get3A_6 = vector.shape_cast %get3A_5 : vector<1x1024x128xf32> to vector<1024x128xf32>
    %get3A_7 = arith.constant 1 : index
    %get3A_8 = arith.constant 0 : index
    %get3A_9 = arith.constant 0 : index
    %get3A_10 = vector.load %arg1[%get3A_7, %get3A_8, %get3A_9] : memref<2x1024x128xf32, #tpu.memory_space<vmem>>, vector<1x1024x128xf32>
    %get3A_11 = vector.shape_cast %get3A_10 : vector<1x1024x128xf32> to vector<1024x128xf32>
    %add3A = arith.addf %get3A_6, %get3A_11 : vector<1024x128xf32>
    %mul3A = vector.broadcast %get3A_1 : vector<1024x1xf32> to vector<1024x128xf32>
    %mul3A_12 = arith.mulf %add3A, %mul3A : vector<1024x128xf32>
    %get3A_13 = arith.constant 0 : index
    %get3A_14 = arith.constant 0 : index
    %get3A_15 = vector.load %arg4[%get3A_13, %get3A_14] : memref<128x256xf32, #tpu.memory_space<vmem>>, vector<128x256xf32>
    %dot_general3A = arith.constant dense<0.000000e+00> : vector<1024x256xf32>
    %dot_general3A_16 = tpu.matmul %mul3A_12, %get3A_15, %dot_general3A {dimension_numbers = #tpu.dot_dimension_numbers<[1], [0], [0], [1], [0, 0, 1, 1], [], []>, transpose_lhs_hint = false} : vector<1024x128xf32>, vector<128x256xf32>, vector<1024x256xf32> -> vector<1024x256xf32>
    %get3A_17 = arith.constant 0 : index
    %get3A_18 = arith.constant 0 : index
    %get3A_19 = vector.load %arg5[%get3A_17, %get3A_18] : memref<1x256xf32, #tpu.memory_space<vmem>>, vector<1x256xf32>
    %add3A_20 = vector.broadcast %get3A_19 : vector<1x256xf32> to vector<1024x256xf32>
    %add3A_21 = arith.addf %dot_general3A_16, %add3A_20 : vector<1024x256xf32>
    %get3A_22 = arith.constant 0 : index
    %get3A_23 = arith.constant 0 : index
    %get3A_24 = vector.load %arg9[%get3A_22, %get3A_23] : memref<256x256xf32, #tpu.memory_space<vmem>>, vector<256x256xf32>
    %dot_general3A_25 = arith.constant dense<0.000000e+00> : vector<1024x256xf32>
    %dot_general3A_26 = tpu.matmul %add3A_21, %get3A_24, %dot_general3A_25 {dimension_numbers = #tpu.dot_dimension_numbers<[1], [0], [0], [1], [0, 0, 1, 1], [], []>, transpose_lhs_hint = false} : vector<1024x256xf32>, vector<256x256xf32>, vector<1024x256xf32> -> vector<1024x256xf32>
    %sub3A = arith.subf %add3A_21, %dot_general3A_26 : vector<1024x256xf32>
    %mul3A_27 = arith.mulf %sub3A, %sub3A : vector<1024x256xf32>
    %get3A_28 = arith.constant 0 : index
    %get3A_29 = arith.constant 0 : index
    %get3A_30 = vector.load %arg9[%get3A_28, %get3A_29] : memref<256x256xf32, #tpu.memory_space<vmem>>, vector<256x256xf32>
    %dot_general3A_31 = arith.constant dense<0.000000e+00> : vector<1024x256xf32>
    %dot_general3A_32 = tpu.matmul %mul3A_27, %get3A_30, %dot_general3A_31 {dimension_numbers = #tpu.dot_dimension_numbers<[1], [0], [0], [1], [0, 0, 1, 1], [], []>, transpose_lhs_hint = false} : vector<1024x256xf32>, vector<256x256xf32>, vector<1024x256xf32> -> vector<1024x256xf32>
    %add3A_33 = arith.constant 9.99999974E-6 : f32
    %add3A_34 = vector.broadcast %add3A_33 : f32 to vector<1024x256xf32>
    %add3A_35 = arith.addf %dot_general3A_32, %add3A_34 : vector<1024x256xf32>
    %rsqrt3A = math.rsqrt %add3A_35 : vector<1024x256xf32>
    %mul3A_36 = arith.mulf %sub3A, %rsqrt3A : vector<1024x256xf32>
    %get3A_37 = arith.constant 0 : index
    %get3A_38 = arith.constant 0 : index
    %get3A_39 = vector.load %arg6[%get3A_37, %get3A_38] : memref<1x256xf32, #tpu.memory_space<vmem>>, vector<1x256xf32>
    %mul3A_40 = vector.broadcast %get3A_39 : vector<1x256xf32> to vector<1024x256xf32>
    %mul3A_41 = arith.mulf %mul3A_36, %mul3A_40 : vector<1024x256xf32>
    %get3A_42 = arith.constant 0 : index
    %get3A_43 = arith.constant 0 : index
    %get3A_44 = vector.load %arg7[%get3A_42, %get3A_43] : memref<1x256xf32, #tpu.memory_space<vmem>>, vector<1x256xf32>
    %add3A_45 = vector.broadcast %get3A_44 : vector<1x256xf32> to vector<1024x256xf32>
    %add3A_46 = arith.addf %mul3A_41, %add3A_45 : vector<1024x256xf32>
    %max3A = arith.constant 0.000000e+00 : f32
    %max3A_47 = vector.broadcast %max3A : f32 to vector<1024x256xf32>
    %max3A_48 = arith.maximumf %add3A_46, %max3A_47 : vector<1024x256xf32>
    %get3A_49 = arith.constant 0 : index
    %get3A_50 = arith.constant 0 : index
    %get3A_51 = vector.load %arg8[%get3A_49, %get3A_50] : memref<256x128xf32, #tpu.memory_space<vmem>>, vector<256x128xf32>
    %dot_general3A_52 = arith.constant dense<0.000000e+00> : vector<1024x128xf32>
    %dot_general3A_53 = tpu.matmul %max3A_48, %get3A_51, %dot_general3A_52 {dimension_numbers = #tpu.dot_dimension_numbers<[1], [0], [0], [1], [0, 0, 1, 1], [], []>, transpose_lhs_hint = false} : vector<1024x256xf32>, vector<256x128xf32>, vector<1024x128xf32> -> vector<1024x128xf32>
    %mul3A_54 = vector.broadcast %get3A_1 : vector<1024x1xf32> to vector<1024x128xf32>
    %mul3A_55 = arith.mulf %dot_general3A_53, %mul3A_54 : vector<1024x128xf32>
    %get3A_56 = arith.constant 0 : index
    %get3A_57 = arith.constant 0 : index
    %get3A_58 = arith.constant 0 : index
    %get3A_59 = vector.load %arg3[%get3A_56, %get3A_57, %get3A_58] : memref<2x64x1024xf32, #tpu.memory_space<vmem>>, vector<1x64x1024xf32>
    %get3A_60 = vector.shape_cast %get3A_59 : vector<1x64x1024xf32> to vector<64x1024xf32>
    %get3A_61 = arith.constant 1 : index
    %get3A_62 = arith.constant 0 : index
    %get3A_63 = arith.constant 0 : index
    %get3A_64 = vector.load %arg3[%get3A_61, %get3A_62, %get3A_63] : memref<2x64x1024xf32, #tpu.memory_space<vmem>>, vector<1x64x1024xf32>
    %get3A_65 = vector.shape_cast %get3A_64 : vector<1x64x1024xf32> to vector<64x1024xf32>
    %add3A_66 = arith.addf %get3A_60, %get3A_65 : vector<64x1024xf32>
    %dot_general3A_67 = arith.constant dense<0.000000e+00> : vector<64x128xf32>
    %dot_general3A_68 = tpu.matmul %add3A_66, %mul3A_55, %dot_general3A_67 {dimension_numbers = #tpu.dot_dimension_numbers<[1], [0], [0], [1], [0, 0, 1, 1], [], []>, transpose_lhs_hint = false} : vector<64x1024xf32>, vector<1024x128xf32>, vector<64x128xf32> -> vector<64x128xf32>
    %eq3A = arith.constant 0 : i32
    %eq3A_69 = arith.cmpi eq, %arg0, %eq3A : i32
    %convert_element_type3A = arith.extui %eq3A_69 : i1 to i32
    %cond3A = arith.constant 0 : i32
    %cond3A_70 = arith.cmpi ne, %convert_element_type3A, %cond3A : i32
    scf.if %cond3A_70 {
      %swap3A = arith.constant 0 : index
      %swap3A_80 = arith.constant 0 : index
      %swap3A_81 = vector.load %arg14[%swap3A, %swap3A_80] : memref<64x128xf32, #tpu.memory_space<vmem>>, vector<64x128xf32>
      tpu.vector_store %arg14[%swap3A, %swap3A_80], %dot_general3A_68 {strides = array<i32>} : memref<64x128xf32, #tpu.memory_space<vmem>>, vector<64x128xf32>,
    } else {
    }
    %gt3A = arith.constant 0 : i32
    %gt3A_71 = arith.cmpi sgt, %arg0, %gt3A : i32
    %convert_element_type3A_72 = arith.extui %gt3A_71 : i1 to i32
    %cond3A_73 = arith.constant 0 : i32
    %cond3A_74 = arith.cmpi ne, %convert_element_type3A_72, %cond3A_73 : i32
    scf.if %cond3A_74 {
      %get3A_80 = arith.constant 0 : index
      %get3A_81 = arith.constant 0 : index
      %get3A_82 = vector.load %arg14[%get3A_80, %get3A_81] : memref<64x128xf32, #tpu.memory_space<vmem>>, vector<64x128xf32>
      %add3A_83 = arith.addf %get3A_82, %dot_general3A_68 : vector<64x128xf32>
      %swap3A = arith.constant 0 : index
      %swap3A_84 = arith.constant 0 : index
      %swap3A_85 = vector.load %arg14[%swap3A, %swap3A_84] : memref<64x128xf32, #tpu.memory_space<vmem>>, vector<64x128xf32>
      tpu.vector_store %arg14[%swap3A, %swap3A_84], %add3A_83 {strides = array<i32>} : memref<64x128xf32, #tpu.memory_space<vmem>>, vector<64x128xf32>,
    } else {
    }
    %eq3A_75 = arith.constant 9 : i32
    %eq3A_76 = arith.cmpi eq, %arg0, %eq3A_75 : i32
    %convert_element_type3A_77 = arith.extui %eq3A_76 : i1 to i32
    %cond3A_78 = arith.constant 0 : i32
    %cond3A_79 = arith.cmpi ne, %convert_element_type3A_77, %cond3A_78 : i32
    scf.if %cond3A_79 {
      %get3A_80 = arith.constant 0 : index
      %get3A_81 = arith.constant 0 : index
      %get3A_82 = vector.load %arg14[%get3A_80, %get3A_81] : memref<64x128xf32, #tpu.memory_space<vmem>>, vector<64x128xf32>
      %get3A_83 = arith.constant 0 : index
      %get3A_84 = arith.constant 0 : index
      %get3A_85 = vector.load %arg10[%get3A_83, %get3A_84] : memref<64x1xf32, #tpu.memory_space<vmem>>, vector<64x1xf32>
      %get3A_86 = arith.constant 0 : index
      %get3A_87 = arith.constant 0 : index
      %get3A_88 = vector.load %arg12[%get3A_86, %get3A_87] : memref<1x128xf32, #tpu.memory_space<vmem>>, vector<1x128xf32>
      %mul3A_89 = vector.broadcast %get3A_85 : vector<64x1xf32> to vector<64x128xf32>
      %mul3A_90 = vector.broadcast %get3A_88 : vector<1x128xf32> to vector<64x128xf32>
      %mul3A_91 = arith.mulf %mul3A_89, %mul3A_90 : vector<64x128xf32>
      %add3A_92 = arith.addf %get3A_82, %mul3A_91 : vector<64x128xf32>
      %get3A_93 = arith.constant 0 : index
      %get3A_94 = arith.constant 0 : index
      %get3A_95 = vector.load %arg11[%get3A_93, %get3A_94] : memref<64x1xf32, #tpu.memory_space<vmem>>, vector<64x1xf32>
      %mul3A_96 = vector.broadcast %get3A_95 : vector<64x1xf32> to vector<64x128xf32>
      %mul3A_97 = arith.mulf %add3A_92, %mul3A_96 : vector<64x128xf32>
      %swap3A = arith.constant 0 : index
      %swap3A_98 = arith.constant 0 : index
      %swap3A_99 = vector.load %arg13[%swap3A, %swap3A_98] : memref<64x128xf32, #tpu.memory_space<vmem>>, vector<64x128xf32>
      tpu.vector_store %arg13[%swap3A, %swap3A_98], %mul3A_97 {strides = array<i32>} : memref<64x128xf32, #tpu.memory_space<vmem>>, vector<64x128xf32>,
    } else {
    }
    return
  }
  func.func @transform_0(%arg0: i32) -> (i32, i32, i32) {
    %c0_i32 = arith.constant 0 : i32
    %c0_i32_0 = arith.constant 0 : i32
    %c0_i32_1 = arith.constant 0 : i32
    return %c0_i32, %arg0, %c0_i32_0 : i32, i32, i32
  }
  func.func @transform_1(%arg0: i32) -> (i32, i32) {
    %c0_i32 = arith.constant 0 : i32
    %c0_i32_0 = arith.constant 0 : i32
    return %arg0, %c0_i32 : i32, i32
  }
  func.func @transform_2(%arg0: i32) -> (i32, i32, i32) {
    %c0_i32 = arith.constant 0 : i32
    %c0_i32_0 = arith.constant 0 : i32
    %c0_i32_1 = arith.constant 0 : i32
    return %c0_i32, %c0_i32_0, %arg0 : i32, i32, i32
  }
  func.func @transform_3(%arg0: i32) -> (i32, i32) {
    %c0_i32 = arith.constant 0 : i32
    %c0_i32_0 = arith.constant 0 : i32
    %c0_i32_1 = arith.constant 0 : i32
    return %c0_i32, %c0_i32_0 : i32, i32
  }
  func.func @transform_4(%arg0: i32) -> (i32, i32) {
    %c0_i32 = arith.constant 0 : i32
    %c0_i32_0 = arith.constant 0 : i32
    %c0_i32_1 = arith.constant 0 : i32
    return %c0_i32, %c0_i32_0 : i32, i32
  }
  func.func @transform_5(%arg0: i32) -> (i32, i32) {
    %c0_i32 = arith.constant 0 : i32
    %c0_i32_0 = arith.constant 0 : i32
    %c0_i32_1 = arith.constant 0 : i32
    return %c0_i32, %c0_i32_0 : i32, i32
  }
  func.func @transform_6(%arg0: i32) -> (i32, i32) {
    %c0_i32 = arith.constant 0 : i32
    %c0_i32_0 = arith.constant 0 : i32
    %c0_i32_1 = arith.constant 0 : i32
    return %c0_i32, %c0_i32_0 : i32, i32
  }
  func.func @transform_7(%arg0: i32) -> (i32, i32) {
    %c0_i32 = arith.constant 0 : i32
    %c0_i32_0 = arith.constant 0 : i32
    %c0_i32_1 = arith.constant 0 : i32
    return %c0_i32, %c0_i32_0 : i32, i32
  }
  func.func @transform_8(%arg0: i32) -> (i32, i32) {
    %c0_i32 = arith.constant 0 : i32
    %c0_i32_0 = arith.constant 0 : i32
    %c0_i32_1 = arith.constant 0 : i32
    return %c0_i32, %c0_i32_0 : i32, i32
  }
  func.func @transform_9(%arg0: i32) -> (i32, i32) {
    %c0_i32 = arith.constant 0 : i32
    %c0_i32_0 = arith.constant 0 : i32
    %c0_i32_1 = arith.constant 0 : i32
    return %c0_i32, %c0_i32_0 : i32, i32
  }
  func.func @transform_10(%arg0: i32) -> (i32, i32) {
    %c0_i32 = arith.constant 0 : i32
    %c0_i32_0 = arith.constant 0 : i32
    %c0_i32_1 = arith.constant 0 : i32
    return %c0_i32, %c0_i32_0 : i32, i32
  }
  func.func @transform_11(%arg0: i32) -> (i32, i32) {
    %c0_i32 = arith.constant 0 : i32
    %c0_i32_0 = arith.constant 0 : i32
    %c0_i32_1 = arith.constant 0 : i32
    return %c0_i32, %c0_i32_0 : i32, i32
  }
  func.func @transform_12(%arg0: i32) -> (i32, i32) {
    %c0_i32 = arith.constant 0 : i32
    %c0_i32_0 = arith.constant 0 : i32
    %c0_i32_1 = arith.constant 0 : i32
    return %c0_i32, %c0_i32_0 : i32, i32
  }
}

</mosaic_0001>

<sc_bundles>
// kernel: kernel.11.cloned.1.call-start
scs
__scs_entry_jumppad:
0x0: {  	(pc) =	sbr.rel $0x88, $3  }
0x1: {  	(tag) =	ssettag $0x0;
	lr =	simm.s32 $0x1  }
0x2: {  	[smem:$0x3F98] =	sst lr;
	_ =	strace $0xD0000000  }
0x3: {  	_ = 	snop  }
0x4: {  	_ = 	snop  }
0x5: {  	_ = 	snop  }
0x6: {  	_ = 	snop  }
0x7: {  	_ = 	snop  }
__scs_overlays_trampoline_lowered:
0x8: {  	[smem:$0x3FA7] =	sst s0  }
0x9: {  	[smem:$0x3FA8] =	sst s1  }
0xa: {  	[smem:$0x3FA9] =	sst s2  }
0xb: {  	[smem:$0x3FAA] =	sst s3  }
0xc: {  	[smem:$0x3FAB] =	sst s4  }
0xd: {  	[smem:$0x3FAC] =	sst s5  }
0xe: {  	[smem:$0x3FAD] =	sst s6  }
0xf: {  	[smem:$0x3FAE] =	sst s7  }
0x10: {  	[smem:$0x3FAF] =	sst s8  }
0x11: {  	[smem:$0x3FB0] =	sst s9;
	s0 =	simm.s32 @!p0 $0x0  }
0x12: {  	s1 =	sld [smem:$0x3F96];
	s0 =	simm.s32 @p0 $0x1  }
0x13: {  	[smem:$0x3FB1] =	sst s0;
	s0 =	simm.s32 @!p1 $0x0  }
0x14: {  	s2 =	sld [smem:$0x3F95];
	s0 =	simm.s32 @p1 $0x1  }
0x15: {  	[smem:$0x3FB2] =	sst s0;
	s0 =	simm.s32 @!p2 $0x0  }
0x16: {  	s3 =	sld [smem:$0x3FDB];
	s0 =	simm.s32 @p2 $0x1  }
0x17: {  	s4 =	simm.s32 $0x1BF5;
	[smem:$0x3FB4] =	sst s0  }
0x18: {  	s0 =	sld [smem:$0x3F97];
	_ =	swait.ge [sflag:s4], $0x0  }
0x19: {  	s7 =	sld [smem:$0x3F98]  }
0x1a: {  	s8 =	sadd.s32 $0xFFFFE003, lr  }
0x1b: {  	s9 =	sadd.s32 $0xFFFFFEF7, lr;
	s5 =	simm.s32 $0xFFFFFFFF;
	p2 =	slt.u32 s8, $0xFFFFF086  }
0x1c: {  	p1 =	slt.u32 s9, $0xF7A;
	s5 =	simm.s32 @!p2 $0x0  }
0x1d: {  	s5 =	simm.s32 @p1 $0x1;
	p0 =	seq.s32 s7, s2  }
0x1e: {  	s7 =	smul.u32 @!p0 $0xF7A, s2;
	p2 =	seq.s32 @!p0 s5, $0x0  }
0x1f: {  	s9 =	smul.u32 $0xF7A, s1;
	s8 =	simm.s32 @!p0 $0x1BF5;
	p2 =	por !p2, p0  }
0x20: {  	[sflag:s8] =	ssyncset.s32 @!p0 $0xFFFFF086;
	s6 =	sadd.s32 @!p0 s3, s7;
	s7 =	simm.s32 @!p0 $0x108  }
0x21: {  	s3 =	sadd.s32 s3, s9;
	s6 =	sadd.s32 @!p0 $0x88, s6;
	s7 =	simm.s32 @p2 $0x1082  }
0x22: {  	[simem:s7], [sflag:s8] =	dma.local @!p0 [hbm:s6], $0xF7A  }
0x23: {  	s9 =	sor.u32 $0xD0000000, s2;
	s6 =	simm.s32 $0x108;
	_ =	swait.ge @!p0 [sflag:s8], $0x0  }
0x24: {  	s3 =	sadd.s32 $0x88, s3;
	s6 =	simm.s32 @!p1 $0x1082;
	[sflag:s4] =	ssyncset.s32 $0xFFFFF086  }
0x25: {  	[simem:s6], [sflag:s4] =	dma.local [hbm:s3], $0xF7A  }
0x26: {  	[smem:$0x3F98] =	sst s1;
	(tag) =	ssettag s2;
	_ =	strace s9  }
0x27: {  	s1 =	sld [smem:$0x3FA8]  }
0x28: {  	s2 =	sld [smem:$0x3FA9]  }
0x29: {  	s4 =	sld [smem:$0x3FAB]  }
0x2a: {  	p0 =	seq.s32 s5, $0x0;
	s5 =	sld [smem:$0x3FAC]  }
0x2b: {  	s6 =	sld [smem:$0x3FAD]  }
0x2c: {  	s7 =	sld [smem:$0x3FAE]  }
0x2d: {  	s3 =	simm.s32 $0x108;
	s8 =	sld [smem:$0x3FAF]  }
0x2e: {  	s3 =	simm.s32 @!p0 $0x1082;
	s9 =	sld [smem:$0x3FB0]  }
0x2f: {  	lr =	sadd.s32 s0, s3;
	s0 =	sld [smem:$0x3FA7]  }
0x30: {  	s3 =	sld [smem:$0x3FAA]  }
0x31: {  	[smem:$0x3FB3] =	sst s10  }
0x32: {  	s10 =	sld [smem:$0x3FB1];
	_ =	sdelay $0x3  }
0x33: {  	p0 =	seq.s32 s10, $0x1;
	s10 =	sld [smem:$0x3FB3];
	_ =	sdelay $0x3  }
0x34: {  	[smem:$0x3FB3] =	sst s10  }
0x35: {  	s10 =	sld [smem:$0x3FB2];
	_ =	sdelay $0x3  }
0x36: {  	p1 =	seq.s32 s10, $0x1;
	s10 =	sld [smem:$0x3FB3];
	_ =	sdelay $0x3  }
0x37: {  	[smem:$0x3FB3] =	sst s10  }
0x38: {  	s10 =	sld [smem:$0x3FB4]  }
0x39: {  	_ = 	snop;
	(pc) =	sbr.ind lr, $3  }
0x3a: {  	_ = 	snop  }
0x3b: {  	_ = 	snop  }
0x3c: {  	p2 =	seq.s32 s10, $0x1;
	s10 =	sld [smem:$0x3FB3]  }
0x3d: {  	_ =	shalt  }
0x3e: {  	_ =	shalt  }
0x3f: {  	_ =	shalt  }
0x40: {  	_ =	shalt  }
0x41: {  	_ =	shalt  }
0x42: {  	_ =	shalt  }
0x43: {  	_ =	shalt  }
0x44: {  	_ =	shalt  }
0x45: {  	_ =	shalt  }
0x46: {  	_ =	shalt  }
0x47: {  	_ =	shalt  }
0x48: {  	_ =	shalt  }
0x49: {  	_ =	shalt  }
0x4a: {  	_ =	shalt  }
0x4b: {  	_ =	shalt  }
0x4c: {  	_ =	shalt  }
0x4d: {  	_ =	shalt  }
0x4e: {  	_ =	shalt  }
0x4f: {  	_ =	shalt  }
0x50: {  	_ =	shalt  }
0x51: {  	_ =	shalt  }
0x52: {  	_ =	shalt  }
0x53: {  	_ =	shalt  }
0x54: {  	_ =	shalt  }
0x55: {  	_ =	shalt  }
0x56: {  	_ =	shalt  }
0x57: {  	_ =	shalt  }
0x58: {  	_ =	shalt  }
0x59: {  	_ =	shalt  }
0x5a: {  	_ =	shalt  }
0x5b: {  	_ =	shalt  }
0x5c: {  	_ =	shalt  }
0x5d: {  	_ =	shalt  }
0x5e: {  	_ =	shalt  }
0x5f: {  	_ =	shalt  }
0x60: {  	_ =	shalt  }
0x61: {  	_ =	shalt  }
0x62: {  	_ =	shalt  }
0x63: {  	_ =	shalt  }
0x64: {  	_ =	shalt  }
0x65: {  	_ =	shalt  }
0x66: {  	_ =	shalt  }
0x67: {  	_ =	shalt  }
0x68: {  	_ =	shalt  }
0x69: {  	_ =	shalt  }
0x6a: {  	_ =	shalt  }
0x6b: {  	_ =	shalt  }
0x6c: {  	_ =	shalt  }
0x6d: {  	_ =	shalt  }
0x6e: {  	_ =	shalt  }
0x6f: {  	_ =	shalt  }
0x70: {  	_ =	shalt  }
0x71: {  	_ =	shalt  }
0x72: {  	_ =	shalt  }
0x73: {  	_ =	shalt  }
0x74: {  	_ =	shalt  }
0x75: {  	_ =	shalt  }
0x76: {  	_ =	shalt  }
0x77: {  	_ =	shalt  }
0x78: {  	_ =	shalt  }
0x79: {  	_ =	shalt  }
0x7a: {  	_ =	shalt  }
0x7b: {  	_ =	shalt  }
0x7c: {  	_ =	shalt  }
0x7d: {  	_ =	shalt  }
0x7e: {  	_ =	shalt  }
0x7f: {  	_ =	shalt  }
0x80: {  	_ =	shalt  }
0x81: {  	_ =	shalt  }
0x82: {  	_ =	shalt  }
0x83: {  	_ =	shalt  }
0x84: {  	_ =	shalt  }
0x85: {  	_ =	shalt  }
0x86: {  	_ =	shalt  }
0x87: {  	_ =	shalt  }
.Lfunc_end0:
.L_simem_size_0:
called_computation.1_lowered:
.L_overlay_start_0:
0x88: {  	s2 =	sld [smem:$0x3FD9]  }
0x89: {  	s3 =	sld [smem:$0x3FFE];
	_ =	sdelay $0x1  }
0x8a: {  	s1 =	srdreg.scid  }
0x8b: {  	s0 =	sand.u32 $0x1, s1  }
0x8c: {  	s17 =	sshll.u32 s0, $0xA;
	s2 =	sadd.s32 s3, s2  }
0x8d: {  	s2 =	sadd.s32 s2, s17  }
0x8e: {  	[smem:$0x3FBF] =	sst s2  }
0x8f: {  	_ = 	snop  }
0x90: {  	(tm) =	ssettm $0x1  }
0x91: {  	s18 =	sld [smem:$0x3FFB];
	_ =	sdelay $0x3  }
0x92: {  	_ =	strace s18  }
0x93: {  	s2 =	sld [smem:$0x3FFC];
	_ =	sdelay $0x3  }
0x94: {  	_ =	strace s2  }
0x95: {  	s2 =	sld [smem:$0x3FFD];
	_ =	sdelay $0x3  }
0x96: {  	_ =	strace s2  }
0x97: {  	_ =	strace $0x8FFFFFFF  }
0x98: {  	s19 =	sld [smem:$0x3FDB];
	_ =	sdelay $0x1  }
0x99: {  	s20 =	simm.s32 $_scs_section_size  }
0x9a: {  	s4 =	simm.s32 $_size__tile_overlayer_lowered;
	s5 =	simm.s32 $_tile_overlayer_lowered  }
0x9b: {  	s6 =	simm.s32 $0x1BFF;
	s21 =	sshll.u32 s5, $0x1;
	s3 =	sadd.s32 s20, s19  }
0x9c: {  	s22 =	simm.s32 $0x0;
	s4 =	sshll.u32 s4, $0x1;
	s5 =	sadd.s32 s21, s3  }
0x9d: {  	[timem:s22], [sflag:s6] =	dma.local [hbm:s5], s4  }
0x9e: {  	_ =	swait.ge [sflag:s6], s4  }
0x9f: {  	s4 =	ssub.s32 $0x0, s4;
	[sflag:s6] =	ssyncset.done $0x0  }
0xa0: {  	[sflag:s6] =	ssyncadd.s32 s4;
	_ =	sdelay $0x1  }
0xa1: {  	s23 =	simm.s32 $0x1B8B  }
0xa2: {  	_ =	swait.ge [sflag:s23], $0x1  }
0xa3: {  	[sflag:s23] =	ssyncset.done $0x0  }
0xa4: {  	[sflag:s23] =	ssyncadd.s32 $0xFFFFFFFF  }
0xa5: {  	s4 =	sld [smem:$0x0]  }
0xa6: {  	s5 =	sand.u32 $0xFFFFFFFE, s1  }
0xa7: {  	p0 =	sne.s32 s1, s5  }
0xa8: {  	s5 =	sshll.u32 @p0 s5, $0xE  }
0xa9: {  	s5 =	sadd.s32 @p0 $0x11B8D, s5;
	s6 =	sshll.u32 @p0 s4, $0x11  }
0xaa: {  	s5 =	sor.u32 @p0 s6, s5  }
0xab: {  	[sflag:s5] =	ssyncadd.remote.s32 @p0 $0x1;
	_ =	sdelay $0x1  }
0xac: {  	s5 =	simm.s32 @p0 $0x1B8D  }
0xad: {  	_ =	swait.eq @p0 [sflag:s5], $0x1  }
0xae: {  	[sflag:s5] =	ssyncadd.s32 @p0 $0xFFFFFFFF  }
0xaf: {  	s6 =	sshll.u32 @!p0 s1, $0xE  }
0xb0: {  	s6 =	sor.u32 @!p0 $0x4000, s6;
	s5 =	simm.s32 @!p0 $0x1B8D  }
0xb1: {  	s4 =	sshll.u32 @!p0 s4, $0x11;
	s6 =	sadd.s32 @!p0 $0x11B8D, s6;
	_ =	swait.eq @!p0 [sflag:s5], $0x1  }
0xb2: {  	s4 =	sor.u32 @!p0 s4, s6;
	[sflag:s5] =	ssyncadd.s32 @!p0 $0xFFFFFFFF  }
0xb3: {  	s25 =	simm.s32 $0x1B8E;
	s24 =	sld [smem:$0x3FFE];
	[sflag:s4] =	ssyncadd.remote.s32 @!p0 $0x1  }
0xb4: {  	s26 =	simm.s32 $execute0_lowered;
	[smem:$0x3FD2] =	sst s25  }
0xb5: {  	s5 =	sshll.u32 s26, $0x1;
	_ =	strace $0x8000004C;
	[dreg:$0x1] =	wrdreg $0xFFFFFFFF  }
0xb6: {  	s28 =	simm.s32 $_size_execute0_lowered;
	s3 =	sadd.s32 s3, s5;
	[dreg:$0x0] =	wrdreg $0x0  }
0xb7: {  	s5 =	sshll.u32 s28, $0x1;
	[dreg:$0x2] =	wrdreg s3  }
0xb8: {  	[dreg:$0x3] =	wrdreg s5  }
0xb9: {  	[dreg:$0x4] =	wrdreg $0xC0  }
0xba: {  	_ =	task [dreg:s22], $0x5FFFF  }
0xbb: {  	[dreg:$0x1] =	wrdreg $0xFFFFFFFF  }
0xbc: {  	[dreg:$0x0] =	wrdreg $0x60  }
0xbd: {  	[dreg:$0x2] =	wrdreg s24  }
0xbe: {  	[dreg:$0x3] =	wrdreg $0x0  }
0xbf: {  	[dreg:$0x4] =	wrdreg $0x9  }
0xc0: {  	_ =	task.clear_ibuf [dreg:s22], $0x5FFFF;
	_ =	strace $0x9000004C  }
0xc1: {  	s29 =	simm.s32 $0x9;
	_ =	strace $0x8000004E  }
0xc2: {  	_ =	swait.ge [sflag:s29], $0x1  }
0xc3: {  	[sflag:s29] =	ssyncadd.s32 $0xFFFFFFFF  }
0xc4: {  	_ =	strace $0x9000004E  }
0xc5: {  	_ =	sfence  }
0xc6: {  	s30 =	sld [smem:$0x0];
	_ =	sdelay $0x2  }
0xc7: {  	s31 =	sshll.u32 s1, $0xD;
	s1 =	sshrl.u32 s1, $0x2  }
0xc8: {  	s4 =	sand.u32 $0x4000, s31;
	s1 =	sadd.s32 s1, s30  }
0xc9: {  	s0 =	sor.u32 s4, s0;
	s1 =	sshll.u32 s1, $0x11  }
0xca: {  	s0 =	sor.u32 s1, s0  }
0xcb: {  	s0 =	sadd.s32 $0x8F2B, s0  }
0xcc: {  	[sflag:s0] =	ssyncadd.remote.s32 $0x1  }
0xcd: {  	_ =	sfence.sel $0xFFFF  }
0xce: {  	[dreg:$0x0] =	wrdreg $0xFFFFFFFF;
	(pc) =	sbr.abs _section_cstart, $3  }
0xcf: {  	[dreg:$0x1] =	wrdreg $0xFFFFFFFF  }
0xd0: {  	_ =	task.clear_ibuf [dreg:s22], $0x2FFFF;
	_ =	strace $0x9FFFFFFF  }
0xd1: {  	(tm) =	ssettm $0x7FFFFFFF  }
tec
execute0_lowered:
.L_overlay_start_1:
0x0: {  	(tag) =	ssettag $0x1  }
0x1: {  	s0 =	rddreg [dreg:$0x0];
	s1 =	srdreg.scid  }
0x2: {  	s2 =	rddreg [dreg:$0x1];
	s10 =	stileid.u32  }
0x3: {  	s3 =	simm.s32 $0x0;
	s15 =	simm.s32 $0x15B80;
	s16 =	simm.s32 $0x3  }
0x4: {  	s17 =	simm.s32 $0x14000;
	s18 =	simm.s32 $0x14D80;
	s19 =	simm.s32 $0x80  }
0x5: {  	s20 =	simm.s32 $0x1;
	s21 =	simm.s32 $0x15B00;
	s6 =	smul.u32 $0x14000, s10  }
0x6: {  	s22 =	simm.s32 $0x4;
	s1 =	sand.u32 $0x1, s1;
	s8 =	smul.u32 $0x50000, s10  }
0x7: {  	[smem:$0x7FF] =	sst s3;
	s4 =	sadd.s32 $0x40A00, s0;
	s5 =	smul.u32 $0x140000, s1  }
0x8: {  	_ =	strace $0x8000004D;
	s31 =	ssub.s32 $0x2, s1;
	s1 =	sshll.u32 s1, $0x4  }
0x9: {  	s9 =	sshrl.u32 s31, $0x1;
	s8 =	sshrl.u32 s8, $0x2;
	s1 =	sor.u32 s10, s1  }
0xa: {  	s6 =	sadd.s32 s6, s5;
	s5 =	sadd.s32 $0xDE00, s0;
	s14 =	ssub.s32 s31, s9  }
0xb: {  	s12 =	smul.u32 $0x2880, s1;
	s7 =	sshrl.u32 s6, $0x3;
	s6 =	sadd.s32 $0x3200, s0  }
0xc: {  	s14 =	smax.u32 s14, $0x1;
	s0 =	sadd.s32 s7, s0;
	s7 =	sadd.s32 s8, s2  }
0xd: {  	s8 =	sadd.s32 $0x4000, s7;
	s9 =	sadd.s32 $0x8000, s7;
	s10 =	sadd.s32 $0xC000, s7  }
0xe: {  	v0 =	vimm.f32 $0.0e+00;
	s11 =	sadd.s32 $0x10000, s7;
	s13 =	sadd.s32 $0x67C00, s0;
	[dreg:$0x3] =	wrdreg s8  }
.LBB2_1:
0xf: {  	s23 =	simm.s32 $0x0;
	s24 =	simm.s32 $0x200  }
.LBB2_2:
0x10: {  	p0 =	sne.s32 s24, $0xFE00;
	[tilespmem:s23+$0x15BF0] =	vst v0  }
0x11: {  	[tilespmem:s23+$0x15B80] =	vst v0  }
0x12: {  	[tilespmem:s23+$0x15B90] =	vst v0  }
.Ltmp0:
0x13: {  	[tilespmem:s23+$0x15BA0] =	vst v0;
	(pc) =	sbr.rel @p0 .LBB2_2-.Ltmp0, $4  }
0x14: {  	[tilespmem:s23+$0x15BB0] =	vst v0  }
0x15: {  	[tilespmem:s23+$0x15BC0] =	vst v0  }
0x16: {  	[tilespmem:s23+$0x15BD0] =	vst v0  }
0x17: {  	[tilespmem:s23+$0x15BE0] =	vst v0;
	s23 =	sshra.s32 s24, $0x2;
	s24 =	sadd.s32 $0x200, s24  }
0x18: {  	[tilespmem:s23+$0x15BF0] =	vst v0  }
0x19: {  	[tilespmem:s23+$0x15B80] =	vst v0  }
0x1a: {  	[tilespmem:s23+$0x15B90] =	vst v0  }
0x1b: {  	[tilespmem:s23+$0x15BA0] =	vst v0  }
0x1c: {  	[tilespmem:s23+$0x15BB0] =	vst v0  }
0x1d: {  	[tilespmem:s23+$0x15BC0] =	vst v0  }
0x1e: {  	[tilespmem:s23+$0x15BD0] =	vst v0  }
0x1f: {  	[tilespmem:s23+$0x15BE0] =	vst v0  }
0x20: {  	[spmem:s7] =	stream.linear.scatter [tilespmem:s15], [sflag:$0x3], $0x4000, $0x38;
	[tilespmem:$0x1DB80] =	vst v63  }
0x21: {  	_ =	swait.ge [sflag:s16], $0x4000  }
0x22: {  	[sflag:s16] =	ssyncset.done $0x0  }
0x23: {  	s0 =	rddreg [dreg:$0x3];
	[sflag:s16] =	ssyncadd.s32 $0xFFFFC000  }
0x24: {  	[spmem:s0] =	stream.linear.scatter [tilespmem:s15], [sflag:$0x3], $0x4000, $0x38;
	[tilespmem:$0x1DB80] =	vst v63  }
0x25: {  	_ =	swait.ge [sflag:s16], $0x4000  }
0x26: {  	[sflag:s16] =	ssyncset.done $0x0  }
0x27: {  	[sflag:s16] =	ssyncadd.s32 $0xFFFFC000  }
0x28: {  	[spmem:s9] =	stream.linear.scatter [tilespmem:s15], [sflag:$0x3], $0x4000, $0x38;
	[tilespmem:$0x1DB80] =	vst v63  }
0x29: {  	_ =	swait.ge [sflag:s16], $0x4000  }
0x2a: {  	[sflag:s16] =	ssyncset.done $0x0  }
0x2b: {  	[sflag:s16] =	ssyncadd.s32 $0xFFFFC000  }
0x2c: {  	[spmem:s10] =	stream.linear.scatter [tilespmem:s15], [sflag:$0x3], $0x4000, $0x38;
	[tilespmem:$0x1DB80] =	vst v63  }
0x2d: {  	_ =	swait.ge [sflag:s16], $0x4000  }
0x2e: {  	[sflag:s16] =	ssyncset.done $0x0  }
0x2f: {  	[sflag:s16] =	ssyncadd.s32 $0xFFFFC000  }
0x30: {  	[spmem:s11] =	stream.linear.scatter [tilespmem:s15], [sflag:$0x3], $0x4000, $0x38;
	[tilespmem:$0x1DB80] =	vst v63  }
0x31: {  	_ =	swait.ge [sflag:s16], $0x4000  }
0x32: {  	[sflag:s16] =	ssyncset.done $0x0  }
0x33: {  	[sflag:s16] =	ssyncadd.s32 $0xFFFFC000  }
0x34: {  	s23 =	simm.s32 $0x0;
	s24 =	simm.s32 $0x0;
	[bflag:$0x0] =	sbarrier.arrive $0xFFFF  }
.LBB2_4:
0x35: {  	s0 =	smul.u32 $0xD80, s24;
	_ =	sdelay $0x1  }
0x36: {  	s0 =	sadd.s32 s12, s0  }
0x37: {  	s0 =	sshrl.u32 s0, $0x3  }
0x38: {  	s1 =	sadd.s32 s5, s0  }
0x39: {  	[tilespmem:s17], [sflag:$0x3] =	stream.linear.gather [hbm4b:s1+s23], $0xD80, $0x38;
	[tilespmem:$0x1DB80] =	vst v63  }
0x3a: {  	_ =	swait.ge [sflag:s16], $0xD80  }
0x3b: {  	[sflag:s16] =	ssyncset.done $0x0  }
0x3c: {  	s0 =	sadd.s32 s6, s0;
	[sflag:s16] =	ssyncadd.s32 $0xFFFFF280  }
0x3d: {  	[tilespmem:s18], [sflag:$0x3] =	stream.linear.gather [hbm4b:s0+s23], $0xD80, $0x38;
	[tilespmem:$0x1DB80] =	vst v63  }
0x3e: {  	s25 =	simm.s32 $0x1;
	_ =	swait.ge [sflag:s16], $0xD80  }
0x3f: {  	s1 =	sand.u32 $0x1, s25;
	[sflag:s16] =	ssyncset.done $0x0  }
0x40: {  	p0 =	seq.s32 s1, $0x1;
	[sflag:s16] =	ssyncadd.s32 $0xFFFFF280  }
0x41: {  	[tilespmem:s15], [sflag:$0x1] =	stream.indirect.gather [hbm4b:s4+s19], $0x80, s17, s19, $0xb8;
	[tilespmem:$0x1DB80] =	vst v63  }
0x42: {  	s26 =	simm.s32 $0x14080;
	s1 =	simm.s32 @p0 $0x19B80;
	s0 =	simm.s32 @p0 $0x80  }
0x43: {  	[tilespmem:s1], [sflag:$0x2] =	stream.indirect.gather @p0 [hbm4b:s4+s0], $0x80, s26, s0, $0xb8;
	[tilespmem:$0x1DB80] =	vst v63  }
0x44: {  	s28 =	simm.s32 $0x14DC0;
	s0 =	simm.s32 @!p0 $0x80;
	s1 =	simm.s32 @!p0 $0x15B80  }
0x45: {  	[tilespmem:s1], [sflag:$0x1] =	stream.indirect.gather @!p0 [hbm4b:s4+s0], $0x80, s26, s0, $0xb8;
	[tilespmem:$0x1DB80] =	vst v63  }
0x46: {  	v1 =	vld [tilespmem:s28+$0xFFFFFFC0];
	_ =	sdelay $0x4  }
0x47: {  	[tilespmem:$0x15B00] =	vst v1  }
0x48: {  	v1 =	vld [tilespmem:s28+$0xFFFFFFD0];
	_ =	sdelay $0x4  }
0x49: {  	[tilespmem:$0x15B10] =	vst v1  }
0x4a: {  	v1 =	vld [tilespmem:s28+$0xFFFFFFE0];
	_ =	sdelay $0x4  }
0x4b: {  	[tilespmem:$0x15B20] =	vst v1  }
0x4c: {  	v1 =	vld [tilespmem:s28+$0xFFFFFFF0];
	_ =	sdelay $0x4  }
0x4d: {  	[tilespmem:$0x15B30] =	vst v1  }
0x4e: {  	v1 =	vld [tilespmem:s28+$0x0];
	_ =	sdelay $0x4  }
0x4f: {  	[tilespmem:$0x15B40] =	vst v1  }
0x50: {  	v1 =	vld [tilespmem:s28+$0x10];
	_ =	sdelay $0x4  }
0x51: {  	[tilespmem:$0x15B50] =	vst v1  }
0x52: {  	v1 =	vld [tilespmem:s28+$0x20];
	_ =	sdelay $0x4  }
0x53: {  	[tilespmem:$0x15B60] =	vst v1  }
0x54: {  	v1 =	vld [tilespmem:s28+$0x30];
	_ =	sdelay $0x2  }
0x55: {  	s8 =	sand.u32 $0x1, s23  }
0x56: {  	p1 =	seq.s32 s8, $0x1  }
0x57: {  	s0 =	simm.s32 @p1 $0x2;
	[tilespmem:$0x15B70] =	vst v1  }
0x58: {  	s30 =	simm.s32 @!p1 $0x4;
	_ =	swait.ge @p1 [sflag:s0], $0x4000  }
0x59: {  	s29 =	simm.s32 @!p1 $0x1;
	s31 =	simm.s32 @p1 $0x15B00;
	[sflag:s0] =	ssyncset.done @p1 $0x0  }
0x5a: {  	s1 =	simm.s32 @p1 $0x19B80;
	[sflag:s0] =	ssyncadd.s32 @p1 $0xFFFFC000;
	s0 =	simm.s32 @p1 $0x80  }
0x5b: {  	[spmem:s2] =	stream.indirect.scatter.add.f32 @p1 [tilespmem:s1], [sflag:$0x3], $0x80, s31, s0, $0xb8;
	[tilespmem:$0x1DB80] =	vst v63  }
0x5c: {  	s30 =	simm.s32 @p1 $0x3;
	s31 =	simm.s32 @!p1 $0x80;
	_ =	swait.ge @!p1 [sflag:s29], $0x4000  }
0x5d: {  	s0 =	simm.s32 @!p1 $0x15B00;
	s1 =	simm.s32 @!p1 $0x15B80;
	[sflag:s29] =	ssyncset.done @!p1 $0x0  }
.LBB2_5:
0x5e: {  	[sflag:s29] =	ssyncadd.s32 @!p1 $0xFFFFC000;
	s29 =	smov.u32 s25;
	s25 =	sadd.s32 $0x1, s25  }
0x5f: {  	[spmem:s2] =	stream.indirect.scatter.add.f32 @!p1 [tilespmem:s1], [sflag:$0x4], $0x80, s0, s31, $0xb8;
	[tilespmem:$0x1DB80] =	vst v63  }
0x60: {  	s0 =	sand.u32 $0x1, s25;
	p0 =	sne.s32 s25, $0x1A;
	_ =	swait.ge [sflag:s30], $0x4000  }
0x61: {  	s26 =	sadd.s32 $0x80, s26;
	p1 =	seq.s32 s0, $0x1;
	[sflag:s30] =	ssyncset.done $0x0  }
0x62: {  	s0 =	simm.s32 @p1 $0x80;
	s1 =	simm.s32 @p1 $0x19B80;
	[sflag:s30] =	ssyncadd.s32 $0xFFFFC000  }
0x63: {  	[tilespmem:s1], [sflag:$0x2] =	stream.indirect.gather @p1 [hbm4b:s4+s0], $0x80, s26, s0, $0xb8;
	[tilespmem:$0x1DB80] =	vst v63  }
0x64: {  	s28 =	sadd.s32 $0x80, s28;
	s0 =	simm.s32 @!p1 $0x80;
	s1 =	simm.s32 @!p1 $0x15B80  }
0x65: {  	[tilespmem:s1], [sflag:$0x1] =	stream.indirect.gather @!p1 [hbm4b:s4+s0], $0x80, s26, s0, $0xb8;
	[tilespmem:$0x1DB80] =	vst v63  }
0x66: {  	v1 =	vld [tilespmem:s28+$0xFFFFFFC0];
	_ =	sdelay $0x4  }
0x67: {  	[tilespmem:$0x15B00] =	vst v1  }
0x68: {  	v1 =	vld [tilespmem:s28+$0xFFFFFFD0];
	_ =	sdelay $0x4  }
0x69: {  	[tilespmem:$0x15B10] =	vst v1  }
0x6a: {  	v1 =	vld [tilespmem:s28+$0xFFFFFFE0];
	_ =	sdelay $0x4  }
0x6b: {  	[tilespmem:$0x15B20] =	vst v1  }
0x6c: {  	v1 =	vld [tilespmem:s28+$0xFFFFFFF0];
	_ =	sdelay $0x4  }
0x6d: {  	[tilespmem:$0x15B30] =	vst v1  }
0x6e: {  	v1 =	vld [tilespmem:s28+$0x0];
	_ =	sdelay $0x4  }
0x6f: {  	[tilespmem:$0x15B40] =	vst v1  }
0x70: {  	v1 =	vld [tilespmem:s28+$0x10];
	_ =	sdelay $0x4  }
0x71: {  	[tilespmem:$0x15B50] =	vst v1  }
0x72: {  	v1 =	vld [tilespmem:s28+$0x20];
	_ =	sdelay $0x4  }
0x73: {  	[tilespmem:$0x15B60] =	vst v1  }
0x74: {  	v1 =	vld [tilespmem:s28+$0x30];
	_ =	sdelay $0x2  }
0x75: {  	s0 =	sand.u32 $0x1, s29  }
0x76: {  	p1 =	seq.s32 s0, $0x1  }
0x77: {  	s0 =	simm.s32 @p1 $0x2;
	s31 =	simm.s32 @!p1 $0x80;
	s30 =	simm.s32 @!p1 $0x4;
	[tilespmem:$0x15B70] =	vst v1  }
0x78: {  	s29 =	simm.s32 @!p1 $0x1;
	s30 =	simm.s32 @p1 $0x3;
	_ =	swait.ge @p1 [sflag:s0], $0x4000  }
.Ltmp1:
0x79: {  	s1 =	simm.s32 @p1 $0x19B80;
	[sflag:s0] =	ssyncset.done @p1 $0x0;
	(pc) =	sbr.rel @p0 .LBB2_5-.Ltmp1, $4  }
0x7a: {  	s8 =	simm.s32 @p1 $0x15B00;
	[sflag:s0] =	ssyncadd.s32 @p1 $0xFFFFC000;
	s0 =	simm.s32 @p1 $0x80  }
0x7b: {  	[spmem:s2] =	stream.indirect.scatter.add.f32 @p1 [tilespmem:s1], [sflag:$0x3], $0x80, s8, s0, $0xb8;
	[tilespmem:$0x1DB80] =	vst v63  }
0x7c: {  	s0 =	simm.s32 @!p1 $0x15B00;
	s1 =	simm.s32 @!p1 $0x15B80;
	_ =	swait.ge @!p1 [sflag:s29], $0x4000  }
0x7d: {  	[sflag:s29] =	ssyncset.done @!p1 $0x0  }
0x7e: {  	[sflag:s29] =	ssyncadd.s32 @!p1 $0xFFFFC000  }
0x7f: {  	[spmem:s2] =	stream.indirect.scatter.add.f32 @!p1 [tilespmem:s1], [sflag:$0x4], $0x80, s0, s31, $0xb8;
	[tilespmem:$0x1DB80] =	vst v63  }
0x80: {  	_ =	swait.ge [sflag:s30], $0x4000  }
0x81: {  	[sflag:s30] =	ssyncset.done $0x0  }
0x82: {  	[sflag:s30] =	ssyncadd.s32 $0xFFFFC000  }
0x83: {  	v1 =	vld [tilespmem:$0x15A80]  }
0x84: {  	v2 =	vld [tilespmem:$0x15A90]  }
0x85: {  	v3 =	vld [tilespmem:$0x15AA0]  }
0x86: {  	v4 =	vld [tilespmem:$0x15AB0]  }
0x87: {  	v5 =	vld [tilespmem:$0x15AC0]  }
0x88: {  	[tilespmem:$0x15B00] =	vst v1;
	v1 =	vld [tilespmem:$0x15AD0]  }
0x89: {  	[tilespmem:$0x15B10] =	vst v2;
	v2 =	vld [tilespmem:$0x15AE0]  }
0x8a: {  	[tilespmem:$0x15B20] =	vst v3;
	v3 =	vld [tilespmem:$0x15AF0]  }
0x8b: {  	[tilespmem:$0x15B30] =	vst v4  }
0x8c: {  	[tilespmem:$0x15B40] =	vst v5  }
0x8d: {  	[tilespmem:$0x15B50] =	vst v1  }
0x8e: {  	[tilespmem:$0x15B60] =	vst v2  }
0x8f: {  	[tilespmem:$0x15B70] =	vst v3  }
0x90: {  	s24 =	sadd.s32 $0x1, s24;
	_ =	swait.ge [sflag:s20], $0x4000  }
0x91: {  	p0 =	sne.s32 s24, $0x3;
	[sflag:s20] =	ssyncset.done $0x0  }
.Ltmp2:
0x92: {  	[sflag:s20] =	ssyncadd.s32 $0xFFFFC000;
	(pc) =	sbr.rel @p0 .LBB2_4-.Ltmp2, $4  }
0x93: {  	[spmem:s2] =	stream.indirect.scatter.add.f32 [tilespmem:s15], [sflag:$0x4], $0x80, s21, s19, $0xb8;
	[tilespmem:$0x1DB80] =	vst v63  }
0x94: {  	_ =	swait.ge [sflag:s22], $0x4000  }
0x95: {  	[sflag:s22] =	ssyncset.done $0x0  }
0x96: {  	[sflag:s22] =	ssyncadd.s32 $0xFFFFC000  }
0x97: {  	s0 =	stileid.u32;
	s3 =	sadd.s32 $0x1, s3  }
0x98: {  	[bflag:$0x0] =	sbarrier.arrive $0xFFFF;
	s0 =	sshll.u32 s0, $0x6;
	p0 =	sne.s32 s3, s14  }
.Ltmp3:
0x99: {  	s1 =	sshrl.u32 s7, $0x3;
	s0 =	sor.u32 $0x1C03, s0;
	(pc) =	sbr.rel @p0 .LBB2_1-.Ltmp3, $4  }
0x9a: {  	[hbm:s13], [sflag:s0] =	dma.local [spmem:s1], $0x2800  }
0x9b: {  	_ =	swait.ge [sflag:s16], $0x2800  }
0x9c: {  	[sflag:s16] =	ssyncset.done $0x0  }
0x9d: {  	[sflag:s16] =	ssyncadd.s32 $0xFFFFD800  }
0x9e: {  	_ =	sfence.sel $0x180000  }
0x9f: {  	[bflag:$0x0] =	sbarrier.arrive $0xFFFF  }
0xa0: {  	_ =	strace $0x9000004D  }
0xa1: {  	s0 =	stileid.u32;
	[bflag:$0x2] =	sbarrier.arrive $0xFFFF  }
0xa2: {  	p0 =	sne.s32 s0, $0x0;
	s0 =	rddreg [dreg:$0x2]  }
0xa3: {  	s0 =	sadd.s32 @!p0 $0x100000, s0  }
0xa4: {  	[sflag:s0] =	ssyncadd.tile.s32 @!p0 $0x1;
	_ =	shalt  }
.Lfunc_end2:
_tile_overlayer_lowered:
.L_overlay_start_2:
0xa5: {  	(tag) =	ssettag $0x2  }
0xa6: {  	s0 =	rddreg [dreg:$0x0];
	s2 =	stileid.u32  }
0xa7: {  	s1 =	rddreg [dreg:$0x1];
	p0 =	sne.s32 s2, $0x0  }
0xa8: {  	s3 =	rddreg [dreg:$0x2];
	[bflag:$0x3] =	sbarrier.arrive $0xFFFF;
	s2 =	simm.s32 @!p0 $0x1C03  }
0xa9: {  	[timem:s3], [sflag:s2] =	dma.local @!p0 [hbm:s0], s1  }
0xaa: {  	s0 =	simm.s32 @!p0 $0x3  }
0xab: {  	_ =	swait.ge @!p0 [sflag:s0], s1  }
0xac: {  	s1 =	ssub.s32 @!p0 $0x0, s1;
	[sflag:s0] =	ssyncset.done @!p0 $0x0  }
0xad: {  	[sflag:s0] =	ssyncadd.s32 @!p0 s1  }
0xae: {  	[bflag:$0x3] =	sbarrier.arrive $0xFFFF  }
0xaf: {  	_ =	shalt  }

// kernel: kernel.14.cloned.1.call-start
scs
__scs_entry_jumppad:
0x0: {  	(pc) =	sbr.rel $0x88, $3  }
0x1: {  	(tag) =	ssettag $0x0;
	lr =	simm.s32 $0x1  }
0x2: {  	[smem:$0x3F98] =	sst lr;
	_ =	strace $0xD0000000  }
0x3: {  	_ = 	snop  }
0x4: {  	_ = 	snop  }
0x5: {  	_ = 	snop  }
0x6: {  	_ = 	snop  }
0x7: {  	_ = 	snop  }
__scs_overlays_trampoline_lowered:
0x8: {  	[smem:$0x3FA7] =	sst s0  }
0x9: {  	[smem:$0x3FA8] =	sst s1  }
0xa: {  	[smem:$0x3FA9] =	sst s2  }
0xb: {  	[smem:$0x3FAA] =	sst s3  }
0xc: {  	[smem:$0x3FAB] =	sst s4  }
0xd: {  	[smem:$0x3FAC] =	sst s5  }
0xe: {  	[smem:$0x3FAD] =	sst s6  }
0xf: {  	[smem:$0x3FAE] =	sst s7  }
0x10: {  	[smem:$0x3FAF] =	sst s8  }
0x11: {  	[smem:$0x3FB0] =	sst s9;
	s0 =	simm.s32 @!p0 $0x0  }
0x12: {  	s1 =	sld [smem:$0x3F96];
	s0 =	simm.s32 @p0 $0x1  }
0x13: {  	[smem:$0x3FB1] =	sst s0;
	s0 =	simm.s32 @!p1 $0x0  }
0x14: {  	s2 =	sld [smem:$0x3F95];
	s0 =	simm.s32 @p1 $0x1  }
0x15: {  	[smem:$0x3FB2] =	sst s0;
	s0 =	simm.s32 @!p2 $0x0  }
0x16: {  	s3 =	sld [smem:$0x3FDB];
	s0 =	simm.s32 @p2 $0x1  }
0x17: {  	s4 =	simm.s32 $0x1BF5;
	[smem:$0x3FB4] =	sst s0  }
0x18: {  	s0 =	sld [smem:$0x3F97];
	_ =	swait.ge [sflag:s4], $0x0  }
0x19: {  	s7 =	sld [smem:$0x3F98]  }
0x1a: {  	s8 =	sadd.s32 $0xFFFFE003, lr  }
0x1b: {  	s9 =	sadd.s32 $0xFFFFFEF7, lr;
	s5 =	simm.s32 $0xFFFFFFFF;
	p2 =	slt.u32 s8, $0xFFFFF086  }
0x1c: {  	p1 =	slt.u32 s9, $0xF7A;
	s5 =	simm.s32 @!p2 $0x0  }
0x1d: {  	s5 =	simm.s32 @p1 $0x1;
	p0 =	seq.s32 s7, s2  }
0x1e: {  	s7 =	smul.u32 @!p0 $0xF7A, s2;
	p2 =	seq.s32 @!p0 s5, $0x0  }
0x1f: {  	s9 =	smul.u32 $0xF7A, s1;
	s8 =	simm.s32 @!p0 $0x1BF5;
	p2 =	por !p2, p0  }
0x20: {  	[sflag:s8] =	ssyncset.s32 @!p0 $0xFFFFF086;
	s6 =	sadd.s32 @!p0 s3, s7;
	s7 =	simm.s32 @!p0 $0x108  }
0x21: {  	s3 =	sadd.s32 s3, s9;
	s6 =	sadd.s32 @!p0 $0x88, s6;
	s7 =	simm.s32 @p2 $0x1082  }
0x22: {  	[simem:s7], [sflag:s8] =	dma.local @!p0 [hbm:s6], $0xF7A  }
0x23: {  	s9 =	sor.u32 $0xD0000000, s2;
	s6 =	simm.s32 $0x108;
	_ =	swait.ge @!p0 [sflag:s8], $0x0  }
0x24: {  	s3 =	sadd.s32 $0x88, s3;
	s6 =	simm.s32 @!p1 $0x1082;
	[sflag:s4] =	ssyncset.s32 $0xFFFFF086  }
0x25: {  	[simem:s6], [sflag:s4] =	dma.local [hbm:s3], $0xF7A  }
0x26: {  	[smem:$0x3F98] =	sst s1;
	(tag) =	ssettag s2;
	_ =	strace s9  }
0x27: {  	s1 =	sld [smem:$0x3FA8]  }
0x28: {  	s2 =	sld [smem:$0x3FA9]  }
0x29: {  	s4 =	sld [smem:$0x3FAB]  }
0x2a: {  	p0 =	seq.s32 s5, $0x0;
	s5 =	sld [smem:$0x3FAC]  }
0x2b: {  	s6 =	sld [smem:$0x3FAD]  }
0x2c: {  	s7 =	sld [smem:$0x3FAE]  }
0x2d: {  	s3 =	simm.s32 $0x108;
	s8 =	sld [smem:$0x3FAF]  }
0x2e: {  	s3 =	simm.s32 @!p0 $0x1082;
	s9 =	sld [smem:$0x3FB0]  }
0x2f: {  	lr =	sadd.s32 s0, s3;
	s0 =	sld [smem:$0x3FA7]  }
0x30: {  	s3 =	sld [smem:$0x3FAA]  }
0x31: {  	[smem:$0x3FB3] =	sst s10  }
0x32: {  	s10 =	sld [smem:$0x3FB1];
	_ =	sdelay $0x3  }
0x33: {  	p0 =	seq.s32 s10, $0x1;
	s10 =	sld [smem:$0x3FB3];
	_ =	sdelay $0x3  }
0x34: {  	[smem:$0x3FB3] =	sst s10  }
0x35: {  	s10 =	sld [smem:$0x3FB2];
	_ =	sdelay $0x3  }
0x36: {  	p1 =	seq.s32 s10, $0x1;
	s10 =	sld [smem:$0x3FB3];
	_ =	sdelay $0x3  }
0x37: {  	[smem:$0x3FB3] =	sst s10  }
0x38: {  	s10 =	sld [smem:$0x3FB4]  }
0x39: {  	_ = 	snop;
	(pc) =	sbr.ind lr, $3  }
0x3a: {  	_ = 	snop  }
0x3b: {  	_ = 	snop  }
0x3c: {  	p2 =	seq.s32 s10, $0x1;
	s10 =	sld [smem:$0x3FB3]  }
0x3d: {  	_ =	shalt  }
0x3e: {  	_ =	shalt  }
0x3f: {  	_ =	shalt  }
0x40: {  	_ =	shalt  }
0x41: {  	_ =	shalt  }
0x42: {  	_ =	shalt  }
0x43: {  	_ =	shalt  }
0x44: {  	_ =	shalt  }
0x45: {  	_ =	shalt  }
0x46: {  	_ =	shalt  }
0x47: {  	_ =	shalt  }
0x48: {  	_ =	shalt  }
0x49: {  	_ =	shalt  }
0x4a: {  	_ =	shalt  }
0x4b: {  	_ =	shalt  }
0x4c: {  	_ =	shalt  }
0x4d: {  	_ =	shalt  }
0x4e: {  	_ =	shalt  }
0x4f: {  	_ =	shalt  }
0x50: {  	_ =	shalt  }
0x51: {  	_ =	shalt  }
0x52: {  	_ =	shalt  }
0x53: {  	_ =	shalt  }
0x54: {  	_ =	shalt  }
0x55: {  	_ =	shalt  }
0x56: {  	_ =	shalt  }
0x57: {  	_ =	shalt  }
0x58: {  	_ =	shalt  }
0x59: {  	_ =	shalt  }
0x5a: {  	_ =	shalt  }
0x5b: {  	_ =	shalt  }
0x5c: {  	_ =	shalt  }
0x5d: {  	_ =	shalt  }
0x5e: {  	_ =	shalt  }
0x5f: {  	_ =	shalt  }
0x60: {  	_ =	shalt  }
0x61: {  	_ =	shalt  }
0x62: {  	_ =	shalt  }
0x63: {  	_ =	shalt  }
0x64: {  	_ =	shalt  }
0x65: {  	_ =	shalt  }
0x66: {  	_ =	shalt  }
0x67: {  	_ =	shalt  }
0x68: {  	_ =	shalt  }
0x69: {  	_ =	shalt  }
0x6a: {  	_ =	shalt  }
0x6b: {  	_ =	shalt  }
0x6c: {  	_ =	shalt  }
0x6d: {  	_ =	shalt  }
0x6e: {  	_ =	shalt  }
0x6f: {  	_ =	shalt  }
0x70: {  	_ =	shalt  }
0x71: {  	_ =	shalt  }
0x72: {  	_ =	shalt  }
0x73: {  	_ =	shalt  }
0x74: {  	_ =	shalt  }
0x75: {  	_ =	shalt  }
0x76: {  	_ =	shalt  }
0x77: {  	_ =	shalt  }
0x78: {  	_ =	shalt  }
0x79: {  	_ =	shalt  }
0x7a: {  	_ =	shalt  }
0x7b: {  	_ =	shalt  }
0x7c: {  	_ =	shalt  }
0x7d: {  	_ =	shalt  }
0x7e: {  	_ =	shalt  }
0x7f: {  	_ =	shalt  }
0x80: {  	_ =	shalt  }
0x81: {  	_ =	shalt  }
0x82: {  	_ =	shalt  }
0x83: {  	_ =	shalt  }
0x84: {  	_ =	shalt  }
0x85: {  	_ =	shalt  }
0x86: {  	_ =	shalt  }
0x87: {  	_ =	shalt  }
.Lfunc_end0:
.L_simem_size_0:
called_computation.2_lowered:
.L_overlay_start_0:
0x88: {  	s2 =	sld [smem:$0x3FD9]  }
0x89: {  	s3 =	sld [smem:$0x3FFE];
	_ =	sdelay $0x1  }
0x8a: {  	s1 =	srdreg.scid  }
0x8b: {  	s0 =	sand.u32 $0x1, s1  }
0x8c: {  	s16 =	sshll.u32 s0, $0xA;
	s2 =	sadd.s32 s3, s2  }
0x8d: {  	s2 =	sadd.s32 s2, s16  }
0x8e: {  	[smem:$0x3FBF] =	sst s2  }
0x8f: {  	_ = 	snop  }
0x90: {  	(tm) =	ssettm $0x1  }
0x91: {  	s17 =	sld [smem:$0x3FFB];
	_ =	sdelay $0x3  }
0x92: {  	_ =	strace s17  }
0x93: {  	s2 =	sld [smem:$0x3FFC];
	_ =	sdelay $0x3  }
0x94: {  	_ =	strace s2  }
0x95: {  	s2 =	sld [smem:$0x3FFD];
	_ =	sdelay $0x3  }
0x96: {  	_ =	strace s2  }
0x97: {  	_ =	strace $0x8FFFFFFF  }
0x98: {  	s18 =	sld [smem:$0x3FDB];
	_ =	sdelay $0x1  }
0x99: {  	s19 =	simm.s32 $_scs_section_size  }
0x9a: {  	s4 =	simm.s32 $_size__tile_overlayer_lowered;
	s5 =	simm.s32 $_tile_overlayer_lowered  }
0x9b: {  	s22 =	simm.s32 $0x1BFF;
	s21 =	sshll.u32 s5, $0x1;
	s2 =	sadd.s32 s19, s18  }
0x9c: {  	s6 =	simm.s32 $0x0;
	s20 =	sshll.u32 s4, $0x1;
	s4 =	sadd.s32 s21, s2  }
0x9d: {  	[timem:s6], [sflag:s22] =	dma.local [hbm:s4], s20  }
0x9e: {  	_ =	swait.ge [sflag:s22], s20  }
0x9f: {  	s3 =	ssub.s32 $0x0, s20;
	[sflag:s22] =	ssyncset.done $0x0  }
0xa0: {  	[sflag:s22] =	ssyncadd.s32 s3;
	_ =	sdelay $0x1  }
0xa1: {  	s23 =	simm.s32 $0x1B8B  }
0xa2: {  	_ =	swait.ge [sflag:s23], $0x1  }
0xa3: {  	[sflag:s23] =	ssyncset.done $0x0  }
0xa4: {  	s25 =	simm.s32 $0x1B8E;
	s24 =	sld [smem:$0x3FFE];
	[sflag:s23] =	ssyncadd.s32 $0xFFFFFFFF  }
0xa5: {  	s26 =	simm.s32 $execute0_lowered;
	[smem:$0x3FD2] =	sst s25  }
0xa6: {  	s4 =	sshll.u32 s26, $0x1;
	_ =	strace $0x80000049;
	[dreg:$0x1] =	wrdreg $0xFFFFFFFF  }
0xa7: {  	s28 =	simm.s32 $_size_execute0_lowered;
	s2 =	sadd.s32 s2, s4;
	[dreg:$0x0] =	wrdreg $0x0  }
0xa8: {  	s4 =	sshll.u32 s28, $0x1;
	[dreg:$0x2] =	wrdreg s2  }
0xa9: {  	[dreg:$0x3] =	wrdreg s4  }
0xaa: {  	[dreg:$0x4] =	wrdreg $0xC0  }
0xab: {  	_ =	task [dreg:s6], $0x5FFFF  }
0xac: {  	[dreg:$0x1] =	wrdreg $0xFFFFFFFF  }
0xad: {  	[dreg:$0x0] =	wrdreg $0x60  }
0xae: {  	[dreg:$0x2] =	wrdreg s24  }
0xaf: {  	[dreg:$0x3] =	wrdreg $0x0  }
0xb0: {  	[dreg:$0x4] =	wrdreg $0xA  }
0xb1: {  	_ =	task.clear_ibuf [dreg:s6], $0x5FFFF;
	_ =	strace $0x90000049  }
0xb2: {  	s29 =	simm.s32 $0xA;
	_ =	strace $0x8000004B  }
0xb3: {  	_ =	swait.ge [sflag:s29], $0x1  }
0xb4: {  	[sflag:s29] =	ssyncadd.s32 $0xFFFFFFFF  }
0xb5: {  	_ =	strace $0x9000004B  }
0xb6: {  	_ =	sfence  }
0xb7: {  	s30 =	sld [smem:$0x0];
	_ =	sdelay $0x2  }
0xb8: {  	s31 =	sshll.u32 s1, $0xD;
	s1 =	sshrl.u32 s1, $0x2  }
0xb9: {  	s3 =	sand.u32 $0x4000, s31;
	s1 =	sadd.s32 s1, s30  }
0xba: {  	s0 =	sor.u32 s3, s0;
	s1 =	sshll.u32 s1, $0x11  }
0xbb: {  	s0 =	sor.u32 s1, s0  }
0xbc: {  	s0 =	sadd.s32 $0x8F2B, s0  }
0xbd: {  	[sflag:s0] =	ssyncadd.remote.s32 $0x1  }
0xbe: {  	_ =	sfence.sel $0xFFFF  }
0xbf: {  	[dreg:$0x0] =	wrdreg $0xFFFFFFFF;
	(pc) =	sbr.abs _section_cstart, $3  }
0xc0: {  	[dreg:$0x1] =	wrdreg $0xFFFFFFFF  }
0xc1: {  	_ =	task.clear_ibuf [dreg:s6], $0x2FFFF;
	_ =	strace $0x9FFFFFFF  }
0xc2: {  	(tm) =	ssettm $0x7FFFFFFF  }
0xc3: {  	_ =	shalt  }
tec
execute0_lowered:
.L_overlay_start_1:
0x0: {  	(tag) =	ssettag $0x1  }
0x1: {  	s0 =	srdreg.scid  }
0x2: {  	s1 =	rddreg [dreg:$0x0];
	s5 =	stileid.u32  }
0x3: {  	s2 =	rddreg [dreg:$0x1];
	s23 =	simm.s32 $0x14480;
	s24 =	simm.s32 $0x1  }
0x4: {  	s25 =	simm.s32 $0xF380;
	s30 =	simm.s32 $0x80;
	s31 =	simm.s32 $0x14380  }
0x5: {  	s28 =	simm.s32 $0x20;
	s0 =	sand.u32 $0x1, s0;
	s6 =	smul.u32 $0x14500, s5  }
0x6: {  	s26 =	sadd.s32 $0x2C00, s1;
	s8 =	smul.u32 $0x28A00, s5;
	s3 =	sshll.u32 s0, $0x4  }
0x7: {  	s7 =	sshll.u32 s0, $0x7;
	s0 =	ssub.s32 $0x2, s0;
	s4 =	sor.u32 s5, s3  }
0x8: {  	s3 =	simm.s32 $0x0;
	s5 =	sadd.s32 $0xD400, s1;
	s6 =	sor.u32 s7, s6  }
0x9: {  	s29 =	sshrl.u32 s0, $0x1;
	s8 =	sshrl.u32 s8, $0x2;
	s4 =	smul.u32 $0x510, s4  }
0xa: {  	[smem:$0x7FF] =	sst s3;
	s6 =	sshrl.u32 s6, $0x3;
	s0 =	ssub.s32 s0, s29  }
0xb: {  	_ =	strace $0x8000004A;
	[dreg:$0x3] =	wrdreg s26;
	s22 =	smax.u32 s0, $0x1  }
0xc: {  	s20 =	sadd.s32 s4, s1;
	s1 =	sadd.s32 s6, s1;
	s6 =	sadd.s32 s8, s2  }
0xd: {  	s26 =	simm.s32 $0x11B80;
	s4 =	simm.s32 $0x10;
	s7 =	sadd.s32 $0xC80, s6  }
0xe: {  	s8 =	sadd.s32 $0x1900, s6;
	s9 =	sadd.s32 $0x2580, s6;
	s10 =	sadd.s32 $0x3200, s6  }
0xf: {  	s11 =	sadd.s32 $0x3E80, s6;
	s12 =	sadd.s32 $0x4B00, s6;
	s13 =	sadd.s32 $0x5780, s6  }
0x10: {  	s14 =	sadd.s32 $0x6400, s6;
	s15 =	sadd.s32 $0x7080, s6;
	s16 =	sadd.s32 $0x7D00, s6  }
0x11: {  	s17 =	sadd.s32 $0x8980, s6;
	s18 =	sadd.s32 $0x9600, s6;
	s19 =	sadd.s32 $0xDE00, s20  }
0x12: {  	v0 =	vimm.f32 $0.0e+00;
	s20 =	sadd.s32 $0x3200, s20;
	s21 =	sadd.s32 $0x18000, s1;
	s1 =	simm.s32 $0x14400  }
.LBB2_1:
0x13: {  	s29 =	simm.s32 $0x40;
	s0 =	simm.s32 $0x0  }
.LBB2_2:
0x14: {  	p0 =	sne.s32 s29, $0x31C0;
	[tilespmem:s0+$0x14480] =	vst v0;
	s0 =	smov.u32 s29;
	s29 =	sadd.s32 $0x40, s29  }
.Ltmp0:
0x15: {  	(pc) =	sbr.rel @p0 .LBB2_2-.Ltmp0, $2  }
0x16: {  	_ =	sdelay $0x2  }
0x17: {  	s0 =	sshra.s32 s0, $0x2  }
0x18: {  	[tilespmem:s0+$0x14480] =	vst v0  }
0x19: {  	[spmem:s6] =	stream.linear.scatter [tilespmem:s23], [sflag:$0x1], $0xC80, $0x38;
	[tilespmem:$0x15100] =	vst v63  }
0x1a: {  	_ =	swait.ge [sflag:s24], $0xC80  }
0x1b: {  	[sflag:s24] =	ssyncset.done $0x0  }
0x1c: {  	[sflag:s24] =	ssyncadd.s32 $0xFFFFF380  }
0x1d: {  	[spmem:s7] =	stream.linear.scatter [tilespmem:s23], [sflag:$0x1], $0xC80, $0x38;
	[tilespmem:$0x15100] =	vst v63  }
0x1e: {  	_ =	swait.ge [sflag:s24], $0xC80  }
0x1f: {  	[sflag:s24] =	ssyncset.done $0x0  }
0x20: {  	[sflag:s24] =	ssyncadd.s32 $0xFFFFF380  }
0x21: {  	[spmem:s8] =	stream.linear.scatter [tilespmem:s23], [sflag:$0x1], $0xC80, $0x38;
	[tilespmem:$0x15100] =	vst v63  }
0x22: {  	_ =	swait.ge [sflag:s24], $0xC80  }
0x23: {  	[sflag:s24] =	ssyncset.done $0x0  }
0x24: {  	[sflag:s24] =	ssyncadd.s32 $0xFFFFF380  }
0x25: {  	[spmem:s9] =	stream.linear.scatter [tilespmem:s23], [sflag:$0x1], $0xC80, $0x38;
	[tilespmem:$0x15100] =	vst v63  }
0x26: {  	_ =	swait.ge [sflag:s24], $0xC80  }
0x27: {  	[sflag:s24] =	ssyncset.done $0x0  }
0x28: {  	[sflag:s24] =	ssyncadd.s32 $0xFFFFF380  }
0x29: {  	[spmem:s10] =	stream.linear.scatter [tilespmem:s23], [sflag:$0x1], $0xC80, $0x38;
	[tilespmem:$0x15100] =	vst v63  }
0x2a: {  	_ =	swait.ge [sflag:s24], $0xC80  }
0x2b: {  	[sflag:s24] =	ssyncset.done $0x0  }
0x2c: {  	[sflag:s24] =	ssyncadd.s32 $0xFFFFF380  }
0x2d: {  	[spmem:s11] =	stream.linear.scatter [tilespmem:s23], [sflag:$0x1], $0xC80, $0x38;
	[tilespmem:$0x15100] =	vst v63  }
0x2e: {  	_ =	swait.ge [sflag:s24], $0xC80  }
0x2f: {  	[sflag:s24] =	ssyncset.done $0x0  }
0x30: {  	[sflag:s24] =	ssyncadd.s32 $0xFFFFF380  }
0x31: {  	[spmem:s12] =	stream.linear.scatter [tilespmem:s23], [sflag:$0x1], $0xC80, $0x38;
	[tilespmem:$0x15100] =	vst v63  }
0x32: {  	_ =	swait.ge [sflag:s24], $0xC80  }
0x33: {  	[sflag:s24] =	ssyncset.done $0x0  }
0x34: {  	[sflag:s24] =	ssyncadd.s32 $0xFFFFF380  }
0x35: {  	[spmem:s13] =	stream.linear.scatter [tilespmem:s23], [sflag:$0x1], $0xC80, $0x38;
	[tilespmem:$0x15100] =	vst v63  }
0x36: {  	_ =	swait.ge [sflag:s24], $0xC80  }
0x37: {  	[sflag:s24] =	ssyncset.done $0x0  }
0x38: {  	[sflag:s24] =	ssyncadd.s32 $0xFFFFF380  }
0x39: {  	[spmem:s14] =	stream.linear.scatter [tilespmem:s23], [sflag:$0x1], $0xC80, $0x38;
	[tilespmem:$0x15100] =	vst v63  }
0x3a: {  	_ =	swait.ge [sflag:s24], $0xC80  }
0x3b: {  	[sflag:s24] =	ssyncset.done $0x0  }
0x3c: {  	[sflag:s24] =	ssyncadd.s32 $0xFFFFF380  }
0x3d: {  	[spmem:s15] =	stream.linear.scatter [tilespmem:s23], [sflag:$0x1], $0xC80, $0x38;
	[tilespmem:$0x15100] =	vst v63  }
0x3e: {  	_ =	swait.ge [sflag:s24], $0xC80  }
0x3f: {  	[sflag:s24] =	ssyncset.done $0x0  }
0x40: {  	[sflag:s24] =	ssyncadd.s32 $0xFFFFF380  }
0x41: {  	[spmem:s16] =	stream.linear.scatter [tilespmem:s23], [sflag:$0x1], $0xC80, $0x38;
	[tilespmem:$0x15100] =	vst v63  }
0x42: {  	_ =	swait.ge [sflag:s24], $0xC80  }
0x43: {  	[sflag:s24] =	ssyncset.done $0x0  }
0x44: {  	[sflag:s24] =	ssyncadd.s32 $0xFFFFF380  }
0x45: {  	[spmem:s17] =	stream.linear.scatter [tilespmem:s23], [sflag:$0x1], $0xC80, $0x38;
	[tilespmem:$0x15100] =	vst v63  }
0x46: {  	_ =	swait.ge [sflag:s24], $0xC80  }
0x47: {  	[sflag:s24] =	ssyncset.done $0x0  }
0x48: {  	[sflag:s24] =	ssyncadd.s32 $0xFFFFF380  }
0x49: {  	[spmem:s18] =	stream.linear.scatter [tilespmem:s23], [sflag:$0x1], $0xC80, $0x38;
	[tilespmem:$0x15100] =	vst v63  }
0x4a: {  	_ =	swait.ge [sflag:s24], $0xC80  }
0x4b: {  	[sflag:s24] =	ssyncset.done $0x0  }
0x4c: {  	s29 =	simm.s32 $0x0;
	s0 =	rddreg [dreg:$0x3];
	[sflag:s24] =	ssyncadd.s32 $0xFFFFF380  }
0x4d: {  	[tilespmem:s25], [sflag:$0x1] =	stream.linear.gather [hbm4b:s0+s29], $0x2800, $0x38;
	[tilespmem:$0x15100] =	vst v63  }
0x4e: {  	_ =	swait.ge [sflag:s24], $0x2800  }
0x4f: {  	[sflag:s24] =	ssyncset.done $0x0  }
0x50: {  	[sflag:s24] =	ssyncadd.s32 $0xFFFFD800  }
0x51: {  	[tilespmem:s26], [sflag:$0x1] =	stream.linear.gather [hbm4b:s5+s29], $0x2800, $0x38;
	[tilespmem:$0x15100] =	vst v63  }
0x52: {  	_ =	swait.ge [sflag:s24], $0x2800  }
0x53: {  	[sflag:s24] =	ssyncset.done $0x0  }
0x54: {  	s0 =	simm.s32 $0xA280;
	[sflag:s24] =	ssyncadd.s32 $0xFFFFD800  }
0x55: {  	[tilespmem:s0], [sflag:$0x1] =	stream.linear.gather [hbm4b:s19+s29], $0x2880, $0x38;
	[tilespmem:$0x15100] =	vst v63  }
0x56: {  	_ =	swait.ge [sflag:s24], $0x2880  }
0x57: {  	[sflag:s24] =	ssyncset.done $0x0  }
0x58: {  	s0 =	simm.s32 $0xCB00;
	[sflag:s24] =	ssyncadd.s32 $0xFFFFD780  }
0x59: {  	[tilespmem:s0], [sflag:$0x1] =	stream.linear.gather [hbm4b:s20+s29], $0x2880, $0x38;
	[tilespmem:$0x15100] =	vst v63  }
0x5a: {  	_ =	swait.ge [sflag:s24], $0x2880  }
0x5b: {  	[sflag:s24] =	ssyncset.done $0x0  }
0x5c: {  	[sflag:s24] =	ssyncadd.s32 $0xFFFFD780  }
0x5d: {  	[bflag:$0x0] =	sbarrier.arrive $0xFFFF  }
.LBB2_4:
0x5e: {  	s0 =	sshra.s32 s29, $0x2  }
0x5f: {  	v1 =	vld [tilespmem:s0+$0xCB00];
	_ =	sdelay $0x7  }
0x60: {  	v2 =	vld.idx.msk [tilespmem:v1+s25+$0x0], $0xffff  }
0x61: {  	v3 =	vld [tilespmem:s0+$0xA280]  }
0x62: {  	v1 =	vld.idx.msk [tilespmem:v1+s26+$0x0], $0xffff;
	_ =	sdelay $0x2  }
0x63: {  	v2 =	vmul.u32 $0x2800, v2;
	_ =	sdelay $0x1  }
0x64: {  	[tilespmem:$0x14400] =	vst v1;
	v2 =	vadd.s32 v3, v2  }
0x65: {  	[tilespmem:$0x14380] =	vst v2  }
0x66: {  	v1 =	vld [tilespmem:s0+$0xCB10];
	_ =	sdelay $0x7  }
0x67: {  	v2 =	vld.idx.msk [tilespmem:v1+s25+$0x0], $0xffff  }
0x68: {  	v3 =	vld [tilespmem:s0+$0xA290]  }
0x69: {  	v1 =	vld.idx.msk [tilespmem:v1+s26+$0x0], $0xffff;
	_ =	sdelay $0x2  }
0x6a: {  	v2 =	vmul.u32 $0x2800, v2;
	_ =	sdelay $0x1  }
0x6b: {  	[tilespmem:$0x14410] =	vst v1;
	v2 =	vadd.s32 v3, v2  }
0x6c: {  	[tilespmem:$0x14390] =	vst v2  }
0x6d: {  	v1 =	vld [tilespmem:s0+$0xCB20];
	_ =	sdelay $0x7  }
0x6e: {  	v2 =	vld.idx.msk [tilespmem:v1+s25+$0x0], $0xffff  }
0x6f: {  	v3 =	vld [tilespmem:s0+$0xA2A0]  }
0x70: {  	v1 =	vld.idx.msk [tilespmem:v1+s26+$0x0], $0xffff;
	_ =	sdelay $0x2  }
0x71: {  	v2 =	vmul.u32 $0x2800, v2;
	_ =	sdelay $0x1  }
0x72: {  	[tilespmem:$0x14420] =	vst v1;
	v2 =	vadd.s32 v3, v2  }
0x73: {  	[tilespmem:$0x143A0] =	vst v2  }
0x74: {  	v1 =	vld [tilespmem:s0+$0xCB30];
	_ =	sdelay $0x7  }
0x75: {  	v2 =	vld.idx.msk [tilespmem:v1+s25+$0x0], $0xffff  }
0x76: {  	v3 =	vld [tilespmem:s0+$0xA2B0]  }
0x77: {  	v1 =	vld.idx.msk [tilespmem:v1+s26+$0x0], $0xffff;
	_ =	sdelay $0x2  }
0x78: {  	v2 =	vmul.u32 $0x2800, v2;
	_ =	sdelay $0x1  }
0x79: {  	[tilespmem:$0x14430] =	vst v1;
	v2 =	vadd.s32 v3, v2  }
0x7a: {  	[tilespmem:$0x143B0] =	vst v2  }
0x7b: {  	v1 =	vld [tilespmem:s0+$0xCB40];
	_ =	sdelay $0x7  }
0x7c: {  	v2 =	vld.idx.msk [tilespmem:v1+s25+$0x0], $0xffff  }
0x7d: {  	v3 =	vld [tilespmem:s0+$0xA2C0]  }
0x7e: {  	v1 =	vld.idx.msk [tilespmem:v1+s26+$0x0], $0xffff;
	_ =	sdelay $0x2  }
0x7f: {  	v2 =	vmul.u32 $0x2800, v2;
	_ =	sdelay $0x1  }
0x80: {  	[tilespmem:$0x14440] =	vst v1;
	v2 =	vadd.s32 v3, v2  }
0x81: {  	[tilespmem:$0x143C0] =	vst v2  }
0x82: {  	v1 =	vld [tilespmem:s0+$0xCB50];
	_ =	sdelay $0x7  }
0x83: {  	v2 =	vld.idx.msk [tilespmem:v1+s25+$0x0], $0xffff  }
0x84: {  	v3 =	vld [tilespmem:s0+$0xA2D0]  }
0x85: {  	v1 =	vld.idx.msk [tilespmem:v1+s26+$0x0], $0xffff;
	_ =	sdelay $0x2  }
0x86: {  	v2 =	vmul.u32 $0x2800, v2;
	_ =	sdelay $0x1  }
0x87: {  	[tilespmem:$0x14450] =	vst v1;
	v2 =	vadd.s32 v3, v2  }
0x88: {  	[tilespmem:$0x143D0] =	vst v2  }
0x89: {  	v1 =	vld [tilespmem:s0+$0xCB60];
	_ =	sdelay $0x7  }
0x8a: {  	v2 =	vld.idx.msk [tilespmem:v1+s25+$0x0], $0xffff  }
0x8b: {  	v3 =	vld [tilespmem:s0+$0xA2E0]  }
0x8c: {  	v1 =	vld.idx.msk [tilespmem:v1+s26+$0x0], $0xffff;
	_ =	sdelay $0x2  }
0x8d: {  	v2 =	vmul.u32 $0x2800, v2;
	_ =	sdelay $0x1  }
0x8e: {  	[tilespmem:$0x14460] =	vst v1;
	v2 =	vadd.s32 v3, v2  }
0x8f: {  	[tilespmem:$0x143E0] =	vst v2  }
0x90: {  	v1 =	vld [tilespmem:s0+$0xCB70];
	_ =	sdelay $0x7  }
0x91: {  	v2 =	vld.idx.msk [tilespmem:v1+s25+$0x0], $0xffff  }
0x92: {  	v3 =	vld [tilespmem:s0+$0xA2F0]  }
0x93: {  	v1 =	vld.idx.msk [tilespmem:v1+s26+$0x0], $0xffff;
	_ =	sdelay $0x2  }
0x94: {  	v2 =	vmul.u32 $0x2800, v2;
	_ =	sdelay $0x1  }
0x95: {  	p0 =	sne.s32 s29, $0xA000;
	[tilespmem:$0x14470] =	vst v1;
	v2 =	vadd.s32 v3, v2  }
.Ltmp1:
0x96: {  	[tilespmem:$0x143F0] =	vst v2;
	(pc) =	sbr.rel @p0 .LBB2_4-.Ltmp1, $4  }
0x97: {  	[spmem:s2] =	stream.indirect.scatter.add.f32 [tilespmem:s1], [sflag:$0x1], $0x1, s31, s30, $0xb8;
	[tilespmem:$0x15100] =	vst v63  }
0x98: {  	_ =	swait.ge [sflag:s24], $0x80  }
0x99: {  	[sflag:s24] =	ssyncset.done $0x0  }
0x9a: {  	s29 =	sadd.s32 $0x200, s29;
	[sflag:s24] =	ssyncadd.s32 $0xFFFFFF80  }
0x9b: {  	s0 =	stileid.u32;
	s3 =	sadd.s32 $0x1, s3  }
0x9c: {  	[bflag:$0x0] =	sbarrier.arrive $0xFFFF;
	s0 =	sshll.u32 s0, $0x6;
	p0 =	sne.s32 s3, s22  }
.Ltmp2:
0x9d: {  	s29 =	sshrl.u32 s6, $0x3;
	s0 =	sor.u32 $0x1C01, s0;
	(pc) =	sbr.rel @p0 .LBB2_1-.Ltmp2, $4  }
0x9e: {  	[hbm:s21@s28], [sflag:s0] =	dma.strided [spmem:s29@s4], $0x1450, s24, $0x10   }
0x9f: {  	_ =	swait.ge [sflag:s24], $0x1450  }
0xa0: {  	[sflag:s24] =	ssyncset.done $0x0  }
0xa1: {  	[sflag:s24] =	ssyncadd.s32 $0xFFFFEBB0  }
0xa2: {  	_ =	sfence.sel $0x180000  }
0xa3: {  	[bflag:$0x0] =	sbarrier.arrive $0xFFFF  }
0xa4: {  	_ =	strace $0x9000004A  }
0xa5: {  	s0 =	stileid.u32;
	[bflag:$0x2] =	sbarrier.arrive $0xFFFF  }
0xa6: {  	p0 =	sne.s32 s0, $0x0;
	s0 =	rddreg [dreg:$0x2]  }
0xa7: {  	s0 =	sadd.s32 @!p0 $0x100000, s0  }
0xa8: {  	[sflag:s0] =	ssyncadd.tile.s32 @!p0 $0x1;
	_ =	shalt  }
.Lfunc_end2:
_tile_overlayer_lowered:
.L_overlay_start_2:
0xa9: {  	(tag) =	ssettag $0x2  }
0xaa: {  	s0 =	rddreg [dreg:$0x0];
	s2 =	stileid.u32  }
0xab: {  	s1 =	rddreg [dreg:$0x1];
	p0 =	sne.s32 s2, $0x0  }
0xac: {  	s3 =	rddreg [dreg:$0x2];
	[bflag:$0x3] =	sbarrier.arrive $0xFFFF;
	s2 =	simm.s32 @!p0 $0x1C01  }
0xad: {  	[timem:s3], [sflag:s2] =	dma.local @!p0 [hbm:s0], s1  }
0xae: {  	s0 =	simm.s32 @!p0 $0x1  }
0xaf: {  	_ =	swait.ge @!p0 [sflag:s0], s1  }
0xb0: {  	s1 =	ssub.s32 @!p0 $0x0, s1;
	[sflag:s0] =	ssyncset.done @!p0 $0x0  }
0xb1: {  	[sflag:s0] =	ssyncadd.s32 @!p0 s1  }
0xb2: {  	[bflag:$0x3] =	sbarrier.arrive $0xFFFF  }
0xb3: {  	_ =	shalt  }

// kernel: kernel.8.cloned.1.call-start
scs
__scs_entry_jumppad:
0x0: {  	(pc) =	sbr.rel $0x88, $3  }
0x1: {  	(tag) =	ssettag $0x0;
	lr =	simm.s32 $0x1  }
0x2: {  	[smem:$0x3F98] =	sst lr;
	_ =	strace $0xD0000000  }
0x3: {  	_ = 	snop  }
0x4: {  	_ = 	snop  }
0x5: {  	_ = 	snop  }
0x6: {  	_ = 	snop  }
0x7: {  	_ = 	snop  }
__scs_overlays_trampoline_lowered:
0x8: {  	[smem:$0x3FA7] =	sst s0  }
0x9: {  	[smem:$0x3FA8] =	sst s1  }
0xa: {  	[smem:$0x3FA9] =	sst s2  }
0xb: {  	[smem:$0x3FAA] =	sst s3  }
0xc: {  	[smem:$0x3FAB] =	sst s4  }
0xd: {  	[smem:$0x3FAC] =	sst s5  }
0xe: {  	[smem:$0x3FAD] =	sst s6  }
0xf: {  	[smem:$0x3FAE] =	sst s7  }
0x10: {  	[smem:$0x3FAF] =	sst s8  }
0x11: {  	[smem:$0x3FB0] =	sst s9;
	s0 =	simm.s32 @!p0 $0x0  }
0x12: {  	s1 =	sld [smem:$0x3F96];
	s0 =	simm.s32 @p0 $0x1  }
0x13: {  	[smem:$0x3FB1] =	sst s0;
	s0 =	simm.s32 @!p1 $0x0  }
0x14: {  	s2 =	sld [smem:$0x3F95];
	s0 =	simm.s32 @p1 $0x1  }
0x15: {  	[smem:$0x3FB2] =	sst s0;
	s0 =	simm.s32 @!p2 $0x0  }
0x16: {  	s3 =	sld [smem:$0x3FDB];
	s0 =	simm.s32 @p2 $0x1  }
0x17: {  	s4 =	simm.s32 $0x1BF5;
	[smem:$0x3FB4] =	sst s0  }
0x18: {  	s0 =	sld [smem:$0x3F97];
	_ =	swait.ge [sflag:s4], $0x0  }
0x19: {  	s7 =	sld [smem:$0x3F98]  }
0x1a: {  	s8 =	sadd.s32 $0xFFFFE003, lr  }
0x1b: {  	s9 =	sadd.s32 $0xFFFFFEF7, lr;
	s5 =	simm.s32 $0xFFFFFFFF;
	p2 =	slt.u32 s8, $0xFFFFF086  }
0x1c: {  	p1 =	slt.u32 s9, $0xF7A;
	s5 =	simm.s32 @!p2 $0x0  }
0x1d: {  	s5 =	simm.s32 @p1 $0x1;
	p0 =	seq.s32 s7, s2  }
0x1e: {  	s7 =	smul.u32 @!p0 $0xF7A, s2;
	p2 =	seq.s32 @!p0 s5, $0x0  }
0x1f: {  	s9 =	smul.u32 $0xF7A, s1;
	s8 =	simm.s32 @!p0 $0x1BF5;
	p2 =	por !p2, p0  }
0x20: {  	[sflag:s8] =	ssyncset.s32 @!p0 $0xFFFFF086;
	s6 =	sadd.s32 @!p0 s3, s7;
	s7 =	simm.s32 @!p0 $0x108  }
0x21: {  	s3 =	sadd.s32 s3, s9;
	s6 =	sadd.s32 @!p0 $0x88, s6;
	s7 =	simm.s32 @p2 $0x1082  }
0x22: {  	[simem:s7], [sflag:s8] =	dma.local @!p0 [hbm:s6], $0xF7A  }
0x23: {  	s9 =	sor.u32 $0xD0000000, s2;
	s6 =	simm.s32 $0x108;
	_ =	swait.ge @!p0 [sflag:s8], $0x0  }
0x24: {  	s3 =	sadd.s32 $0x88, s3;
	s6 =	simm.s32 @!p1 $0x1082;
	[sflag:s4] =	ssyncset.s32 $0xFFFFF086  }
0x25: {  	[simem:s6], [sflag:s4] =	dma.local [hbm:s3], $0xF7A  }
0x26: {  	[smem:$0x3F98] =	sst s1;
	(tag) =	ssettag s2;
	_ =	strace s9  }
0x27: {  	s1 =	sld [smem:$0x3FA8]  }
0x28: {  	s2 =	sld [smem:$0x3FA9]  }
0x29: {  	s4 =	sld [smem:$0x3FAB]  }
0x2a: {  	p0 =	seq.s32 s5, $0x0;
	s5 =	sld [smem:$0x3FAC]  }
0x2b: {  	s6 =	sld [smem:$0x3FAD]  }
0x2c: {  	s7 =	sld [smem:$0x3FAE]  }
0x2d: {  	s3 =	simm.s32 $0x108;
	s8 =	sld [smem:$0x3FAF]  }
0x2e: {  	s3 =	simm.s32 @!p0 $0x1082;
	s9 =	sld [smem:$0x3FB0]  }
0x2f: {  	lr =	sadd.s32 s0, s3;
	s0 =	sld [smem:$0x3FA7]  }
0x30: {  	s3 =	sld [smem:$0x3FAA]  }
0x31: {  	[smem:$0x3FB3] =	sst s10  }
0x32: {  	s10 =	sld [smem:$0x3FB1];
	_ =	sdelay $0x3  }
0x33: {  	p0 =	seq.s32 s10, $0x1;
	s10 =	sld [smem:$0x3FB3];
	_ =	sdelay $0x3  }
0x34: {  	[smem:$0x3FB3] =	sst s10  }
0x35: {  	s10 =	sld [smem:$0x3FB2];
	_ =	sdelay $0x3  }
0x36: {  	p1 =	seq.s32 s10, $0x1;
	s10 =	sld [smem:$0x3FB3];
	_ =	sdelay $0x3  }
0x37: {  	[smem:$0x3FB3] =	sst s10  }
0x38: {  	s10 =	sld [smem:$0x3FB4]  }
0x39: {  	_ = 	snop;
	(pc) =	sbr.ind lr, $3  }
0x3a: {  	_ = 	snop  }
0x3b: {  	_ = 	snop  }
0x3c: {  	p2 =	seq.s32 s10, $0x1;
	s10 =	sld [smem:$0x3FB3]  }
0x3d: {  	_ =	shalt  }
0x3e: {  	_ =	shalt  }
0x3f: {  	_ =	shalt  }
0x40: {  	_ =	shalt  }
0x41: {  	_ =	shalt  }
0x42: {  	_ =	shalt  }
0x43: {  	_ =	shalt  }
0x44: {  	_ =	shalt  }
0x45: {  	_ =	shalt  }
0x46: {  	_ =	shalt  }
0x47: {  	_ =	shalt  }
0x48: {  	_ =	shalt  }
0x49: {  	_ =	shalt  }
0x4a: {  	_ =	shalt  }
0x4b: {  	_ =	shalt  }
0x4c: {  	_ =	shalt  }
0x4d: {  	_ =	shalt  }
0x4e: {  	_ =	shalt  }
0x4f: {  	_ =	shalt  }
0x50: {  	_ =	shalt  }
0x51: {  	_ =	shalt  }
0x52: {  	_ =	shalt  }
0x53: {  	_ =	shalt  }
0x54: {  	_ =	shalt  }
0x55: {  	_ =	shalt  }
0x56: {  	_ =	shalt  }
0x57: {  	_ =	shalt  }
0x58: {  	_ =	shalt  }
0x59: {  	_ =	shalt  }
0x5a: {  	_ =	shalt  }
0x5b: {  	_ =	shalt  }
0x5c: {  	_ =	shalt  }
0x5d: {  	_ =	shalt  }
0x5e: {  	_ =	shalt  }
0x5f: {  	_ =	shalt  }
0x60: {  	_ =	shalt  }
0x61: {  	_ =	shalt  }
0x62: {  	_ =	shalt  }
0x63: {  	_ =	shalt  }
0x64: {  	_ =	shalt  }
0x65: {  	_ =	shalt  }
0x66: {  	_ =	shalt  }
0x67: {  	_ =	shalt  }
0x68: {  	_ =	shalt  }
0x69: {  	_ =	shalt  }
0x6a: {  	_ =	shalt  }
0x6b: {  	_ =	shalt  }
0x6c: {  	_ =	shalt  }
0x6d: {  	_ =	shalt  }
0x6e: {  	_ =	shalt  }
0x6f: {  	_ =	shalt  }
0x70: {  	_ =	shalt  }
0x71: {  	_ =	shalt  }
0x72: {  	_ =	shalt  }
0x73: {  	_ =	shalt  }
0x74: {  	_ =	shalt  }
0x75: {  	_ =	shalt  }
0x76: {  	_ =	shalt  }
0x77: {  	_ =	shalt  }
0x78: {  	_ =	shalt  }
0x79: {  	_ =	shalt  }
0x7a: {  	_ =	shalt  }
0x7b: {  	_ =	shalt  }
0x7c: {  	_ =	shalt  }
0x7d: {  	_ =	shalt  }
0x7e: {  	_ =	shalt  }
0x7f: {  	_ =	shalt  }
0x80: {  	_ =	shalt  }
0x81: {  	_ =	shalt  }
0x82: {  	_ =	shalt  }
0x83: {  	_ =	shalt  }
0x84: {  	_ =	shalt  }
0x85: {  	_ =	shalt  }
0x86: {  	_ =	shalt  }
0x87: {  	_ =	shalt  }
.Lfunc_end0:
.L_simem_size_0:
called_computation_lowered:
.L_overlay_start_0:
0x88: {  	s2 =	sld [smem:$0x3FD9]  }
0x89: {  	s3 =	sld [smem:$0x3FFE];
	_ =	sdelay $0x1  }
0x8a: {  	s1 =	srdreg.scid  }
0x8b: {  	s0 =	sand.u32 $0x1, s1  }
0x8c: {  	s17 =	sshll.u32 s0, $0xA;
	s2 =	sadd.s32 s3, s2  }
0x8d: {  	s2 =	sadd.s32 s2, s17  }
0x8e: {  	[smem:$0x3FBF] =	sst s2  }
0x8f: {  	_ = 	snop  }
0x90: {  	s2 =	sld [smem:$0x3FD0];
	(tm) =	ssettm $0x1  }
0x91: {  	s18 =	sld [smem:$0x3FFB];
	_ =	sdelay $0x3  }
0x92: {  	_ =	strace s18  }
0x93: {  	s3 =	sld [smem:$0x3FFC];
	_ =	sdelay $0x3  }
0x94: {  	_ =	strace s3  }
0x95: {  	s3 =	sld [smem:$0x3FFD];
	_ =	sdelay $0x3  }
0x96: {  	_ =	strace s3  }
0x97: {  	_ =	strace $0x8FFFFFFF  }
0x98: {  	s19 =	sld [smem:$0x3FDB];
	_ =	sdelay $0x1  }
0x99: {  	s4 =	simm.s32 $_scs_section_size  }
0x9a: {  	s5 =	simm.s32 $_size__tile_overlayer_lowered;
	s6 =	simm.s32 $_tile_overlayer_lowered  }
0x9b: {  	s22 =	simm.s32 $0x1BFF;
	s21 =	sshll.u32 s6, $0x1;
	s3 =	sadd.s32 s4, s19  }
0x9c: {  	s7 =	simm.s32 $0x0;
	s20 =	sshll.u32 s5, $0x1;
	s5 =	sadd.s32 s21, s3  }
0x9d: {  	[timem:s7], [sflag:s22] =	dma.local [hbm:s5], s20  }
0x9e: {  	_ =	swait.ge [sflag:s22], s20  }
0x9f: {  	s4 =	ssub.s32 $0x0, s20;
	[sflag:s22] =	ssyncset.done $0x0  }
0xa0: {  	[sflag:s22] =	ssyncadd.s32 s4;
	_ =	sdelay $0x1  }
0xa1: {  	s23 =	simm.s32 $0x1B8B  }
0xa2: {  	_ =	swait.ge [sflag:s23], $0x1  }
0xa3: {  	[sflag:s23] =	ssyncset.done $0x0  }
0xa4: {  	s25 =	simm.s32 $0x1B8E;
	s24 =	sld [smem:$0x3FFE];
	[sflag:s23] =	ssyncadd.s32 $0xFFFFFFFF  }
0xa5: {  	s26 =	simm.s32 $execute0_lowered;
	[smem:$0x3FD2] =	sst s25  }
0xa6: {  	s5 =	sshll.u32 s26, $0x1;
	_ =	strace $0x80000046;
	[dreg:$0x1] =	wrdreg $0xFFFFFFFF  }
0xa7: {  	s28 =	simm.s32 $_size_execute0_lowered;
	s3 =	sadd.s32 s3, s5;
	[dreg:$0x0] =	wrdreg $0x0  }
0xa8: {  	s5 =	sshll.u32 s28, $0x1;
	[dreg:$0x2] =	wrdreg s3  }
0xa9: {  	[dreg:$0x3] =	wrdreg s5  }
0xaa: {  	[dreg:$0x4] =	wrdreg $0xC0  }
0xab: {  	_ =	task [dreg:s7], $0x5FFFF  }
0xac: {  	[dreg:$0x1] =	wrdreg $0xFFFFFFFF  }
0xad: {  	[dreg:$0x0] =	wrdreg $0x60  }
0xae: {  	[dreg:$0x2] =	wrdreg s24  }
0xaf: {  	[dreg:$0x3] =	wrdreg s2  }
0xb0: {  	[dreg:$0x4] =	wrdreg $0x0  }
0xb1: {  	[dreg:$0x5] =	wrdreg $0x2800  }
0xb2: {  	[dreg:$0x6] =	wrdreg $0x9  }
0xb3: {  	_ =	task.clear_ibuf [dreg:s7], $0x7FFFF;
	_ =	strace $0x90000046  }
0xb4: {  	s29 =	simm.s32 $0x9;
	_ =	strace $0x80000048  }
0xb5: {  	_ =	swait.ge [sflag:s29], $0x1  }
0xb6: {  	[sflag:s29] =	ssyncadd.s32 $0xFFFFFFFF  }
0xb7: {  	_ =	strace $0x90000048  }
0xb8: {  	_ =	sfence  }
0xb9: {  	s30 =	sld [smem:$0x0];
	_ =	sdelay $0x2  }
0xba: {  	s31 =	sshll.u32 s1, $0xD;
	s1 =	sshrl.u32 s1, $0x2  }
0xbb: {  	s3 =	sand.u32 $0x4000, s31;
	s1 =	sadd.s32 s1, s30  }
0xbc: {  	s0 =	sor.u32 s3, s0;
	s1 =	sshll.u32 s1, $0x11  }
0xbd: {  	s0 =	sor.u32 s1, s0  }
0xbe: {  	s0 =	sadd.s32 $0x8F2B, s0  }
0xbf: {  	[sflag:s0] =	ssyncadd.remote.s32 $0x1  }
0xc0: {  	_ =	sfence.sel $0xFFFF  }
0xc1: {  	[dreg:$0x0] =	wrdreg $0xFFFFFFFF;
	(pc) =	sbr.abs _section_cstart, $3  }
0xc2: {  	[dreg:$0x1] =	wrdreg $0xFFFFFFFF  }
0xc3: {  	_ =	task.clear_ibuf [dreg:s7], $0x2FFFF;
	_ =	strace $0x9FFFFFFF  }
0xc4: {  	(tm) =	ssettm $0x7FFFFFFF  }
0xc5: {  	_ =	shalt  }
tec
execute0_lowered:
.L_overlay_start_1:
0x0: {  	(tag) =	ssettag $0x1  }
0x1: {  	s5 =	rddreg [dreg:$0x0]  }
0x2: {  	s8 =	rddreg [dreg:$0x1]  }
0x3: {  	s1 =	rddreg [dreg:$0x2]  }
0x4: {  	s2 =	rddreg [dreg:$0x3]  }
0x5: {  	s3 =	simm.s32 $0x0;
	s6 =	srdreg.scid;
	s4 =	stileid.u32  }
0x6: {  	s18 =	simm.s32 $0x1;
	s19 =	simm.s32 $0x80;
	s20 =	simm.s32 $0x388  }
0x7: {  	s21 =	simm.s32 $0x308;
	s28 =	simm.s32 $0x4;
	s29 =	simm.s32 $0x0  }
0x8: {  	[smem:$0x7FF] =	sst s3;
	s6 =	sand.u32 $0x1, s6;
	s7 =	smul.u32 $0x500, s4  }
0x9: {  	s14 =	sadd.s32 $0x3200, s5;
	s11 =	smul.u32 $0xA00, s4;
	s16 =	sadd.s32 $0x2C00, s5  }
0xa: {  	s26 =	smul.u32 $0x2880, s4;
	p0 =	sne.s32 s4, $0x0;
	_ =	strace $0x80000047  }
0xb: {  	s9 =	sshll.u32 s6, $0x7;
	s22 =	sshll.u32 s6, $0x4;
	s10 =	ssub.s32 $0x2, s6  }
0xc: {  	s25 =	smul.u32 $0x28800, s6;
	s7 =	sor.u32 s9, s7;
	s12 =	sor.u32 s4, s22  }
0xd: {  	s13 =	sshrl.u32 s10, $0x1;
	s23 =	sshrl.u32 s11, $0x2;
	s8 =	sadd.s32 s8, s22  }
0xe: {  	s22 =	simm.s32 $0x2;
	s7 =	sshrl.u32 s7, $0x3;
	s15 =	smul.u32 $0x2880, s12  }
0xf: {  	s10 =	ssub.s32 s10, s13;
	s30 =	sshll.u32 s12, $0x4;
	s13 =	sadd.s32 s26, s25  }
0x10: {  	s25 =	simm.s32 $0x20;
	s26 =	simm.s32 $0x10;
	s7 =	sadd.s32 s7, s5  }
0x11: {  	s5 =	sadd.s32 s23, s1;
	s9 =	smax.u32 s10, $0x1;
	s11 =	sadd.s32 s16, s30  }
0x12: {  	s13 =	sadd.s32 $0x100, s13;
	s23 =	simm.s32 $0x3;
	s24 =	sshrl.u32 s15, $0x3  }
.Ltmp0:
0x13: {  	s7 =	sadd.s32 $0xD400, s7;
	s17 =	sshrl.u32 s13, $0x3;
	(pc) =	sbr.rel .LBB2_1-.Ltmp0, $4  }
0x14: {  	s15 =	simm.s32 $0x408;
	s6 =	sadd.s32 s14, s24;
	s24 =	sor.u32 $0x40, s12  }
0x15: {  	s12 =	sadd.s32 $0x200, s11;
	s14 =	sadd.s32 s17, s14;
	s17 =	simm.s32 $0x288  }
0x16: {  	s10 =	sadd.s32 $0x10, s6;
	s31 =	sshll.u32 s24, $0x4;
	p1 =	sgt.u32 s24, $0x4F  }
0x17: {  	v0 =	vimm.f32 $0.0e+00;
	v1 =	vimm.f32 $1.000000000e+00;
	s24 =	simm.s32 $0x6;
	s13 =	sadd.s32 s16, s31;
	s16 =	simm.s32 $0x5  }
.LBB2_7:
0x18: {  	_ =	swait.ge [sflag:s23], $0x80  }
0x19: {  	[sflag:s23] =	ssyncset.done $0x0  }
0x1a: {  	[sflag:s23] =	ssyncadd.s32 $0xFFFFFF80  }
0x1b: {  	[tilespmem:s17], [sflag:$0x6] =	stream.linear.gather [hbm4b:s11+s3], $0x80, $0x38;
	[tilespmem:$0x688] =	vst v63  }
0x1c: {  	_ =	swait.ge [sflag:s24], $0x80  }
0x1d: {  	[sflag:s24] =	ssyncset.done $0x0  }
0x1e: {  	[sflag:s24] =	ssyncadd.s32 $0xFFFFFF80  }
0x1f: {  	[spmem:s2] =	stream.indirect.scatter.add.f32 [tilespmem:s20], [sflag:$0x5], $0x1, s17, s19, $0xb8;
	[tilespmem:$0x688] =	vst v63  }
0x20: {  	_ =	swait.ge [sflag:s16], $0x80  }
0x21: {  	[sflag:s16] =	ssyncset.done $0x0  }
0x22: {  	[sflag:s16] =	ssyncadd.s32 $0xFFFFFF80  }
0x23: {  	[tilespmem:s17], [sflag:$0x6] =	stream.linear.gather [hbm4b:s12+s3], $0x80, $0x38;
	[tilespmem:$0x688] =	vst v63  }
0x24: {  	_ =	swait.ge [sflag:s24], $0x80  }
0x25: {  	[sflag:s24] =	ssyncset.done $0x0  }
0x26: {  	[sflag:s24] =	ssyncadd.s32 $0xFFFFFF80  }
0x27: {  	[spmem:s2] =	stream.indirect.scatter.add.f32 [tilespmem:s20], [sflag:$0x5], $0x1, s17, s19, $0xb8;
	[tilespmem:$0x688] =	vst v63  }
0x28: {  	_ =	swait.ge [sflag:s16], $0x80  }
0x29: {  	[sflag:s16] =	ssyncset.done $0x0  }
0x2a: {  	s0 =	simm.s32 @!p1 $0x0;
	s30 =	simm.s32 @!p1 $0x288;
	[sflag:s16] =	ssyncadd.s32 $0xFFFFFF80  }
0x2b: {  	[tilespmem:s30], [sflag:$0x6] =	stream.linear.gather @!p1 [hbm4b:s13+s0], $0x80, $0x38;
	[tilespmem:$0x688] =	vst v63  }
0x2c: {  	s0 =	simm.s32 @!p1 $0x6  }
0x2d: {  	_ =	swait.ge @!p1 [sflag:s0], $0x80  }
0x2e: {  	[sflag:s0] =	ssyncset.done @!p1 $0x0  }
0x2f: {  	s31 =	simm.s32 @!p1 $0x388;
	[sflag:s0] =	ssyncadd.s32 @!p1 $0xFFFFFF80;
	s0 =	simm.s32 @!p1 $0x80  }
0x30: {  	[spmem:s2] =	stream.indirect.scatter.add.f32 @!p1 [tilespmem:s31], [sflag:$0x5], $0x1, s30, s0, $0xb8;
	[tilespmem:$0x688] =	vst v63  }
0x31: {  	s0 =	simm.s32 @!p1 $0x5  }
0x32: {  	_ =	swait.ge @!p1 [sflag:s0], $0x80  }
0x33: {  	[sflag:s0] =	ssyncset.done @!p1 $0x0  }
0x34: {  	s30 =	sshll.u32 s4, $0x6;
	[sflag:s0] =	ssyncadd.s32 @!p1 $0xFFFFFF80  }
0x35: {  	s31 =	sshrl.u32 s5, $0x3;
	s0 =	sor.u32 $0x1C05, s30;
	[bflag:$0x0] =	sbarrier.arrive $0xFFFF  }
0x36: {  	[hbm:s7@s25], [sflag:s0] =	dma.strided [spmem:s31@s26], $0x50, s18, $0x10   }
0x37: {  	_ =	swait.ge [sflag:s16], $0x50  }
0x38: {  	s29 =	sadd.s32 $0x1, s29;
	[sflag:s16] =	ssyncset.done $0x0  }
0x39: {  	p2 =	sne.s32 s29, s9;
	s30 =	sshrl.u32 @!p0 s2, $0x3;
	[sflag:s16] =	ssyncadd.s32 $0xFFFFFFB0  }
0x3a: {  	[hbm:s8], [sflag:s0] =	dma.local @!p0 [spmem:s30], $0x10  }
.Ltmp1:
0x3b: {  	_ = 	snop;
	(pc) =	sbr.rel @!p2 .LBB2_8-.Ltmp1, $4  }
0x3c: {  	s0 =	simm.s32 @!p0 $0x5  }
0x3d: {  	_ =	swait.ge @!p0 [sflag:s0], $0x10  }
0x3e: {  	[sflag:s0] =	ssyncset.done @!p0 $0x0  }
0x3f: {  	[sflag:s0] =	ssyncadd.s32 @!p0 $0xFFFFFFF0  }
.LBB2_1:
0x40: {  	[tilespmem:$0x408] =	vst v0  }
0x41: {  	[tilespmem:$0x418] =	vst v0  }
0x42: {  	[tilespmem:$0x428] =	vst v0  }
0x43: {  	[tilespmem:$0x438] =	vst v0  }
0x44: {  	[tilespmem:$0x448] =	vst v0  }
0x45: {  	[tilespmem:$0x458] =	vst v0  }
0x46: {  	[tilespmem:$0x468] =	vst v0  }
0x47: {  	[tilespmem:$0x478] =	vst v0  }
0x48: {  	[tilespmem:$0x488] =	vst v0  }
0x49: {  	[tilespmem:$0x498] =	vst v0  }
0x4a: {  	[tilespmem:$0x4A8] =	vst v0  }
0x4b: {  	[tilespmem:$0x4B8] =	vst v0  }
0x4c: {  	[tilespmem:$0x4C8] =	vst v0  }
0x4d: {  	[tilespmem:$0x4D8] =	vst v0  }
0x4e: {  	[tilespmem:$0x4E8] =	vst v0  }
0x4f: {  	[tilespmem:$0x4F8] =	vst v0  }
0x50: {  	[tilespmem:$0x508] =	vst v0  }
0x51: {  	[tilespmem:$0x518] =	vst v0  }
0x52: {  	[tilespmem:$0x528] =	vst v0  }
0x53: {  	[tilespmem:$0x538] =	vst v0  }
0x54: {  	[tilespmem:$0x548] =	vst v0  }
0x55: {  	[tilespmem:$0x558] =	vst v0  }
0x56: {  	[tilespmem:$0x568] =	vst v0  }
0x57: {  	[tilespmem:$0x578] =	vst v0  }
0x58: {  	[tilespmem:$0x588] =	vst v0  }
0x59: {  	[tilespmem:$0x598] =	vst v0  }
0x5a: {  	[tilespmem:$0x5A8] =	vst v0  }
0x5b: {  	[tilespmem:$0x5B8] =	vst v0  }
0x5c: {  	[tilespmem:$0x5C8] =	vst v0  }
0x5d: {  	[tilespmem:$0x5D8] =	vst v0  }
0x5e: {  	[tilespmem:$0x5E8] =	vst v0  }
0x5f: {  	[tilespmem:$0x5F8] =	vst v0  }
0x60: {  	[tilespmem:$0x608] =	vst v0  }
0x61: {  	[tilespmem:$0x618] =	vst v0  }
0x62: {  	[tilespmem:$0x628] =	vst v0  }
0x63: {  	[tilespmem:$0x638] =	vst v0  }
0x64: {  	[tilespmem:$0x648] =	vst v0  }
0x65: {  	[tilespmem:$0x658] =	vst v0  }
0x66: {  	[tilespmem:$0x668] =	vst v0  }
0x67: {  	[tilespmem:$0x678] =	vst v0  }
0x68: {  	[tilespmem:$0x388] =	vst v1  }
0x69: {  	[tilespmem:$0x398] =	vst v1  }
0x6a: {  	[tilespmem:$0x3A8] =	vst v1  }
0x6b: {  	[tilespmem:$0x3B8] =	vst v1  }
0x6c: {  	[tilespmem:$0x3C8] =	vst v1  }
0x6d: {  	[tilespmem:$0x3D8] =	vst v1  }
0x6e: {  	[tilespmem:$0x3E8] =	vst v1  }
0x6f: {  	[tilespmem:$0x3F8] =	vst v1  }
0x70: {  	[spmem:s5] =	stream.linear.scatter [tilespmem:s15], [sflag:$0x5], $0x280, $0x38;
	[tilespmem:$0x688] =	vst v63  }
0x71: {  	_ =	swait.ge [sflag:s16], $0x280  }
0x72: {  	[sflag:s16] =	ssyncset.done $0x0  }
0x73: {  	s30 =	simm.s32 @!p0 $0x408;
	[sflag:s16] =	ssyncadd.s32 $0xFFFFFD80  }
0x74: {  	[spmem:s2] =	stream.linear.scatter @!p0 [tilespmem:s30], [sflag:$0x5], $0x80, $0x38;
	[tilespmem:$0x688] =	vst v63  }
0x75: {  	s30 =	simm.s32 @!p0 $0x5  }
0x76: {  	_ =	swait.ge @!p0 [sflag:s30], $0x80  }
0x77: {  	[sflag:s30] =	ssyncset.done @!p0 $0x0  }
0x78: {  	[sflag:s30] =	ssyncadd.s32 @!p0 $0xFFFFFF80  }
0x79: {  	[bflag:$0x0] =	sbarrier.arrive $0xFFFF  }
0x7a: {  	[tilespmem:s17], [sflag:$0x1] =	stream.linear.gather [hbm4b:s6+s3], $0x80, $0x38;
	[tilespmem:$0x688] =	vst v63  }
0x7b: {  	_ =	swait.ge [sflag:s18], $0x80  }
.Ltmp2:
0x7c: {  	[sflag:s18] =	ssyncset.done $0x0;
	(pc) =	sbr.rel .LBB2_2-.Ltmp2, $4  }
0x7d: {  	[sflag:s18] =	ssyncadd.s32 $0xFFFFFF80  }
0x7e: {  	[spmem:s1] =	stream.indirect.scatter.add.f32 [tilespmem:s20], [sflag:$0x3], $0x1, s17, s19, $0xb8;
	[tilespmem:$0x688] =	vst v63  }
0x7f: {  	s31 =	smov.u32 s14;
	s30 =	simm.s32 $0xFFFFFFB0  }
0x80: {  	[tilespmem:s21], [sflag:$0x2] =	stream.linear.gather [hbm4b:s10+s3], $0x80, $0x38;
	[tilespmem:$0x688] =	vst v63  }
.LBB2_5:
0x81: {  	_ =	swait.ge [sflag:s22], $0x80  }
0x82: {  	[sflag:s22] =	ssyncset.done $0x0  }
0x83: {  	[sflag:s22] =	ssyncadd.s32 $0xFFFFFF80  }
0x84: {  	[spmem:s1] =	stream.indirect.scatter.add.f32 [tilespmem:s20], [sflag:$0x4], $0x1, s21, s19, $0xb8;
	[tilespmem:$0x688] =	vst v63  }
0x85: {  	_ =	swait.ge [sflag:s23], $0x80  }
0x86: {  	[sflag:s23] =	ssyncset.done $0x0  }
0x87: {  	[sflag:s23] =	ssyncadd.s32 $0xFFFFFF80  }
0x88: {  	[tilespmem:s17], [sflag:$0x1] =	stream.linear.gather [hbm4b:s31+s3], $0x80, $0x38;
	[tilespmem:$0x688] =	vst v63  }
.LBB2_6:
0x89: {  	s30 =	sadd.s32 $0x1, s30  }
0x8a: {  	p2 =	seq.s32 s30, $0x0  }
.Ltmp3:
0x8b: {  	_ = 	snop;
	(pc) =	sbr.rel @p2 .LBB2_7-.Ltmp3, $2  }
0x8c: {  	_ =	sdelay $0x2  }
0x8d: {  	s31 =	sadd.s32 $0x10, s31  }
.LBB2_2:
0x8e: {  	s0 =	sand.u32 $0x1, s30  }
0x8f: {  	p2 =	seq.s32 s0, $0x0  }
.Ltmp4:
0x90: {  	_ = 	snop;
	(pc) =	sbr.rel @p2 .LBB2_5-.Ltmp4, $1  }
0x91: {  	_ =	sdelay $0x3  }
0x92: {  	_ =	swait.ge [sflag:s18], $0x80  }
0x93: {  	p2 =	seq.s32 s30, $0xFFFFFFFF;
	[sflag:s18] =	ssyncset.done $0x0  }
.Ltmp5:
0x94: {  	[sflag:s18] =	ssyncadd.s32 $0xFFFFFF80;
	(pc) =	sbr.rel @p2 .LBB2_7-.Ltmp5, $4  }
0x95: {  	[spmem:s1] =	stream.indirect.scatter.add.f32 [tilespmem:s20], [sflag:$0x3], $0x1, s17, s19, $0xb8;
	[tilespmem:$0x688] =	vst v63  }
0x96: {  	_ =	swait.ge [sflag:s28], $0x80  }
0x97: {  	[sflag:s28] =	ssyncset.done $0x0  }
0x98: {  	[sflag:s28] =	ssyncadd.s32 $0xFFFFFF80  }
.Ltmp6:
0x99: {  	(pc) =	sbr.rel .LBB2_6-.Ltmp6, $2  }
0x9a: {  	_ =	sdelay $0x2  }
0x9b: {  	[tilespmem:s21], [sflag:$0x2] =	stream.linear.gather [hbm4b:s31+s3], $0x80, $0x38;
	[tilespmem:$0x688] =	vst v63  }
.LBB2_8:
0x9c: {  	_ =	sfence.sel $0x180000  }
0x9d: {  	[bflag:$0x0] =	sbarrier.arrive $0xFFFF  }
0x9e: {  	_ =	strace $0x90000047  }
0x9f: {  	[bflag:$0x2] =	sbarrier.arrive $0xFFFF  }
0xa0: {  	s0 =	rddreg [dreg:$0x4]  }
0xa1: {  	s0 =	sadd.s32 @!p0 $0x100000, s0  }
0xa2: {  	[sflag:s0] =	ssyncadd.tile.s32 @!p0 $0x1;
	_ =	shalt  }
.Lfunc_end2:
_tile_overlayer_lowered:
.L_overlay_start_2:
0xa3: {  	(tag) =	ssettag $0x2  }
0xa4: {  	s0 =	rddreg [dreg:$0x0];
	s2 =	stileid.u32  }
0xa5: {  	s1 =	rddreg [dreg:$0x1];
	p0 =	sne.s32 s2, $0x0  }
0xa6: {  	s3 =	rddreg [dreg:$0x2];
	[bflag:$0x3] =	sbarrier.arrive $0xFFFF;
	s2 =	simm.s32 @!p0 $0x1C05  }
0xa7: {  	[timem:s3], [sflag:s2] =	dma.local @!p0 [hbm:s0], s1  }
0xa8: {  	s0 =	simm.s32 @!p0 $0x5  }
0xa9: {  	_ =	swait.ge @!p0 [sflag:s0], s1  }
0xaa: {  	s1 =	ssub.s32 @!p0 $0x0, s1;
	[sflag:s0] =	ssyncset.done @!p0 $0x0  }
0xab: {  	[sflag:s0] =	ssyncadd.s32 @!p0 s1  }
0xac: {  	[bflag:$0x3] =	sbarrier.arrive $0xFFFF  }
0xad: {  	_ =	shalt  }

</sc_bundles>
